<compile_context>
chip_gen: v7x
topology: tpu7x:2x2x1
jax: 0.10.2.dev20260603
libtpu: 0.0.44.dev20260713+nightly
codegen_flags: <defaults>
</compile_context>

<pallas_src>
import jax
import jax.numpy as jnp
from jax import lax
from jax.experimental import pallas as pl
from jax.experimental.pallas import tpu as pltpu
from jax.experimental.pallas import tpu_sc as plsc

_B = 16
_H = 224
_W = 224
_C = 196
_NROWS = 14
_NCOLS = 14
_WIN = 20
_NB = 10
_NUM_ITERS = 50
_BIG = 1 << 30
_CPAD = 224


def _find_minima_sc_body(g_hbm, out_hbm, g_v, occ_v, r_v):
    nc = 2
    wid = lax.axis_index("s") * nc + lax.axis_index("c")

    @pl.when(wid < _B)
    def _():
        pltpu.sync_copy(g_hbm.at[wid], g_v)

        def memset(k, _):
            occ_v[pl.ds(k * 16, 16)] = jnp.zeros((16,), jnp.int32)
            return 0

        lax.fori_loop(0, _H * _W // 16, memset, 0)

        lane = lax.broadcasted_iota(jnp.int32, (16,), 0)
        lane0 = lane == 0
        ones16 = jnp.ones((16,), jnp.int32)

        def cluster(c, carry):
            i, j = carry
            y = 8 + 16 * i
            x = 8 + 16 * j
            y_min = jnp.maximum(0, y - _NB)
            y_max = jnp.minimum(_H, y + _NB)
            x_min = jnp.maximum(0, x - _NB)
            x_max = jnp.minimum(_W, x + _NB)
            sy = jnp.clip(y - _NB, 0, _H - _WIN)
            sx = jnp.clip(x - _NB, 0, _W - _WIN)
            ia = sx + lane
            ib = sx + 4 + lane
            ca = (ia >= x_min) & (ia < x_max)
            cb = (ib >= x_min) & (ib < x_max) & (lane >= 12)

            macc = jnp.full((16,), jnp.inf, jnp.float32)
            for r in range(_WIN):
                row = sy + r
                row_ok = (row >= y_min) & (row < y_max)
                base = row * _W + sx
                va = g_v[pl.ds(base, 16)]
                vb = g_v[pl.ds(base + 4, 16)]
                macc = jnp.minimum(macc, jnp.where(row_ok & ca, va, jnp.inf))
                macc = jnp.minimum(macc, jnp.where(row_ok & cb, vb, jnp.inf))
            mv = jnp.min(macc)

            kacc = jnp.full((16,), _BIG, jnp.int32)
            for r in range(_WIN):
                row = sy + r
                row_ok = (row >= y_min) & (row < y_max)
                base = row * _W + sx
                va = g_v[pl.ds(base, 16)]
                vb = g_v[pl.ds(base + 4, 16)]
                oa = occ_v[pl.ds(base, 16)]
                ob = occ_v[pl.ds(base + 4, 16)]
                keya = (row * 256 + sx) + lane
                keyb = keya + 4
                cand_a = (va == mv) & (row_ok & ca) & (oa == 0)
                cand_b = (vb == mv) & (row_ok & cb) & (ob == 0)
                kacc = jnp.minimum(kacc, jnp.where(cand_a, keya, _BIG))
                kacc = jnp.minimum(kacc, jnp.where(cand_b, keyb, _BIG))
            fi = jnp.min(kacc)
            found = fi < _BIG
            py = jnp.where(found, fi >> 8, y)
            px = jnp.where(found, fi & 255, x)

            occ_idx = jnp.broadcast_to(
                jnp.where(found, py * _W + px, 0), (16,))
            plsc.store_scatter(occ_v, [occ_idx], ones16,
                               mask=lane0 & jnp.broadcast_to(found, (16,)))
            plsc.store_scatter(r_v, [jnp.broadcast_to(c, (16,))],
                               jnp.broadcast_to(py, (16,)), mask=lane0)
            plsc.store_scatter(r_v, [jnp.broadcast_to(256 + c, (16,))],
                               jnp.broadcast_to(px, (16,)), mask=lane0)

            j2 = j + 1
            wrap = j2 == _NCOLS
            return (i + wrap.astype(jnp.int32),
                    jnp.where(wrap, 0, j2))

        lax.fori_loop(0, _C, cluster, (jnp.int32(0), jnp.int32(0)))
        pltpu.sync_copy(r_v, out_hbm.at[wid])


def _find_minima_sc(g2):
    mesh = plsc.VectorSubcoreMesh(core_axis_name="c", subcore_axis_name="s")
    return pl.kernel(
        _find_minima_sc_body,
        out_type=jax.ShapeDtypeStruct((_B, 512), jnp.int32),
        mesh=mesh,
        compiler_params=pltpu.CompilerParams(needs_layout_passes=False),
        scratch_types=[
            pltpu.VMEM((_H * _W,), jnp.float32),
            pltpu.VMEM((_H * _W,), jnp.int32),
            pltpu.VMEM((512,), jnp.int32),
        ],
    )(g2)


def _propagate_body(wg_ref, ys_ref, xs_ref, out_ref, dist_ref, mask_ref):
    B = wg_ref.shape[1]
    h_iota = lax.broadcasted_iota(jnp.int32, (_H, _CPAD), 0)
    cval = (lax.broadcasted_iota(jnp.int32, (_H, _CPAD), 1) + 1)
    w_iota = lax.broadcasted_iota(jnp.int32, (_CPAD, _W), 1)
    for b in range(B):
        ysb = ys_ref[b]
        xsb = xs_ref[b]
        yh = jnp.where(ysb == h_iota, cval, 0).astype(jnp.bfloat16)
        xw = (xsb == w_iota).astype(jnp.bfloat16)
        s = jax.lax.dot(yh, xw, preferred_element_type=jnp.float32)
        seeded = s > 0.0
        mask_ref[:, b:b + 1, :] = (
            (s - 1.0).astype(jnp.bfloat16).reshape(_H, 1, _W))
        dist_ref[:, b:b + 1, :] = (
            jnp.where(seeded, 0.0, jnp.inf).reshape(_H, 1, _W))

    wg = wg_ref[...]

    def iter_body(t, _):
        for dy, dx in ((-1, 0), (1, 0), (0, -1), (0, 1)):
            d = dist_ref[...]
            m = mask_ref[...]
            axis = 0 if dx == 0 else 2
            shift = dy if dx == 0 else dx
            sd = jnp.roll(d, shift, axis)
            sm = jnp.roll(m, shift, axis)
            wd = sd + wg
            upd = wd < d
            dist_ref[...] = jnp.where(upd, wd, d)
            mask_ref[...] = jnp.where(upd, sm, m)
        return 0

    lax.fori_loop(0, _NUM_ITERS, iter_body, 0)
    m = mask_ref[...].astype(jnp.float32)
    out_ref[...] = jnp.where(m == -1.0, 0.0, m).astype(jnp.int32)


def _propagate(wg2, ys_pad, xs_pad):
    nb = wg2.shape[1]
    return pl.pallas_call(
        _propagate_body,
        out_shape=jax.ShapeDtypeStruct((_H, nb, _W), jnp.int32),
        scratch_shapes=[
            pltpu.VMEM((_H, nb, _W), jnp.float32),
            pltpu.VMEM((_H, nb, _W), jnp.bfloat16),
        ],
    )(wg2, ys_pad, xs_pad)


def kernel(x, grad_map):
    B = x.shape[0]
    g2 = grad_map[:, 0].reshape(B, _H * _W)
    res = _find_minima_sc(g2)
    ys = res[:, :_C]
    xs = res[:, 256:256 + _C]
    cents = jnp.stack([ys, xs], axis=-1)

    pad = jnp.full((B, _CPAD - _C), -1, jnp.int32)
    ys_pad = jnp.concatenate([ys, pad], axis=1).reshape(B, 1, _CPAD)
    xs_pad = jnp.concatenate([xs, pad], axis=1).reshape(B, _CPAD, 1)

    wg2 = jnp.transpose(((grad_map ** 4.0) * 10.0)[:, 0], (1, 0, 2))

    mask = _propagate(wg2, ys_pad, xs_pad)
    return cents, jnp.transpose(mask, (1, 0, 2))

# --- scband reference (transcript-rebuilt; emitter-appended) ---
"""Pipeline reference for scband-voronoi-propagation-21277267984855 (READ-ONLY COPY).

The authoritative reference and input builder live on the scoring server;
editing this copy changes nothing except your own understanding.
"""

import math
import jax, jax.numpy as jnp
import numpy as np

NUM_CLUSTERS = 196
H = 224
W = 224

def place_centroids_on_grid(batch_size):
    num_cols = int(math.sqrt(NUM_CLUSTERS * W / H))
    num_rows = int(math.ceil(NUM_CLUSTERS / num_cols))
    gy = H / num_rows
    gx = W / num_cols
    cents = []
    for i in range(num_rows):
        for j in range(num_cols):
            if len(cents) >= NUM_CLUSTERS:
                break
            cents.append([int((i + 0.5) * gy), int((j + 0.5) * gx)])
    while len(cents) < NUM_CLUSTERS:
        cents.append([H // 2, W // 2])
    c = np.array(cents, dtype=np.float32)
    return np.broadcast_to(c[None], (batch_size, NUM_CLUSTERS, 2)).copy()

def find_nearest_minima(centroids, grad_map_np, neighborhood_size=10):
    B = grad_map_np.shape[0]
    C = centroids.shape[1]
    occupied = jnp.zeros((B, H, W), dtype=jnp.bool_)
    bidx = jnp.arange(B)
    ys = []
    xs = []
    for c in range(C):
        y = int(centroids[0, c, 0])
        x = int(centroids[0, c, 1])
        y_min = max(0, y - neighborhood_size)
        y_max = min(H, y + neighborhood_size)
        x_min = max(0, x - neighborhood_size)
        x_max = min(W, x + neighborhood_size)
        nb = grad_map_np[:, 0, y_min:y_max, x_min:x_max]
        mv = jnp.min(nb, axis=(1, 2), keepdims=True)
        cand = (nb == mv) & (~occupied[:, y_min:y_max, x_min:x_max])
        w = x_max - x_min
        flat = cand.reshape(B, -1)
        idx = jnp.argmax(flat, axis=1)
        found = jnp.any(flat, axis=1)
        py = jnp.where(found, y_min + (idx // w), y).astype(jnp.int32)
        px = jnp.where(found, x_min + (idx % w), x).astype(jnp.int32)
        occupied = occupied.at[bidx, py, px].set(occupied[bidx, py, px] | found)
        ys.append(py)
        xs.append(px)
    return jnp.stack([jnp.stack(ys, axis=1), jnp.stack(xs, axis=1)], axis=-1)

def distance_weighted_propagation(centroids, grad_map, num_iters=50, gradient_weight=10.0, edge_exponent=4.0):
    B = grad_map.shape[0]
    C = centroids.shape[1]
    mask = jnp.full((B, H, W), -1, dtype=jnp.int32)
    dist = jnp.full((B, H, W), jnp.inf, dtype=grad_map.dtype)
    cy = jnp.clip(centroids[:, :, 0].astype(jnp.int32), 0, H - 1)
    cx = jnp.clip(centroids[:, :, 1].astype(jnp.int32), 0, W - 1)
    bidx = jnp.broadcast_to(jnp.arange(B)[:, None], (B, C))
    cidx = jnp.broadcast_to(jnp.arange(C)[None, :], (B, C))
    mask = mask.at[bidx, cy, cx].set(cidx)
    dist = dist.at[bidx, cy, cx].set(0.0)
    wg = (grad_map ** edge_exponent) * gradient_weight
    wg2 = wg[:, 0, :, :]
    for _ in range(num_iters):
        for dy, dx in [(-1, 0), (1, 0), (0, -1), (0, 1)]:
            sd = jnp.roll(dist, shift=(dy, dx), axis=(1, 2))
            sm = jnp.roll(mask, shift=(dy, dx), axis=(1, 2))
            wd = sd + wg2
            upd = (wd < dist) & (sm != -1)
            dist = jnp.where(upd, wd, dist)
            mask = jnp.where(upd, sm, mask)
    mask = jnp.where(mask == -1, 0, mask)
    return mask

def setup_inputs():
    key = jax.random.PRNGKey(0)
    k1, k2 = jax.random.split(key)
    x = jax.random.normal(k1, (16, 3, 224, 224), dtype=jnp.float32)
    grad_map = jax.random.uniform(k2, (16, 1, 224, 224), dtype=jnp.float32)
    return {"x": x, "grad_map": grad_map}

def reference(x, grad_map):
    B = x.shape[0]
    cents0 = place_centroids_on_grid(B)
    cents = find_nearest_minima(cents0, grad_map)
    cents_j = jnp.asarray(cents)
    mask = distance_weighted_propagation(cents_j, grad_map)
    return (cents_j, mask)

if __name__ == "__main__":
    import jax
    _d = setup_inputs()
    print(jax.jit(kernel)(*tuple(_d.values())))

</pallas_src>

<mosaic_0001>
#map = affine_map<(d0, d1) -> (0, 0)>
module attributes {stable_mosaic.version = 14 : i64} {
  func.func @_find_minima_sc_body(%arg0: i32, %arg1: i32, %arg2: memref<16x50176xf32, #tpu.memory_space<hbm>>, %arg3: memref<16x512xi32, #tpu.memory_space<hbm>>, %arg4: memref<50176xf32, #tpu.memory_space<vmem>>, %arg5: memref<50176xi32, #tpu.memory_space<vmem>>, %arg6: memref<512xi32, #tpu.memory_space<vmem>>) attributes {dimension_semantics = [#tpu.dimension_semantics<core_parallel>, #tpu.dimension_semantics<subcore_parallel>], iteration_bounds = array<i64: 2, 16>, scalar_prefetch = 0 : i64, scratch_operands = 3 : i64, tpu.core_type = #tpu.core_type<sc_vector_subcore>, window_params = [{transform_indices = #map}, {transform_indices = #map}]} {
    %mul3A = arith.constant 2 : i32
    %mul3A_0 = arith.muli %arg1, %mul3A : i32
    %add3A = arith.addi %mul3A_0, %arg0 : i32
    %lt3A = arith.constant 16 : i32
    %lt3A_1 = arith.cmpi slt, %add3A, %lt3A : i32
    %convert_element_type3A = arith.extui %lt3A_1 : i1 to i32
    %cond3A = arith.constant 0 : i32
    %cond3A_2 = arith.cmpi ne, %convert_element_type3A, %cond3A : i32
    scf.if %cond3A_2 {
      "tpu.region"() ({
        %run_scoped3A = tpu.sem_alloc : memref<!tpu.dma_semaphore, #tpu.memory_space<semaphore_mem>>
        %dma_start3A = arith.constant 0 : i32
        %dma_start3A_20 = tpu.memref_slice %arg2[%add3A, %dma_start3A] : memref<16x50176xf32, #tpu.memory_space<hbm>> -> memref<1x50176xf32, #tpu.memory_space<hbm>>
        %dma_start3A_21 = tpu.memref_squeeze %dma_start3A_20 : memref<1x50176xf32, #tpu.memory_space<hbm>> -> memref<50176xf32, #tpu.memory_space<hbm>>
        %dma_start3A_22 = arith.constant 0 : i32
        %dma_start3A_23 = tpu.memref_slice %arg2[%add3A, %dma_start3A_22] : memref<16x50176xf32, #tpu.memory_space<hbm>> -> memref<1x50176xf32, #tpu.memory_space<hbm>>
        %dma_start3A_24 = tpu.memref_squeeze %dma_start3A_23 : memref<1x50176xf32, #tpu.memory_space<hbm>> -> memref<50176xf32, #tpu.memory_space<hbm>>
        tpu.enqueue_dma source(%dma_start3A_24 : memref<50176xf32, #tpu.memory_space<hbm>>) target(%arg4 : memref<50176xf32, #tpu.memory_space<vmem>>) target_semaphore(%run_scoped3A : memref<!tpu.dma_semaphore, #tpu.memory_space<semaphore_mem>>)
        %dma_wait3A = arith.constant 0 : i32
        %dma_wait3A_25 = tpu.memref_slice %arg2[%add3A, %dma_wait3A] : memref<16x50176xf32, #tpu.memory_space<hbm>> -> memref<1x50176xf32, #tpu.memory_space<hbm>>
        %dma_wait3A_26 = tpu.memref_squeeze %dma_wait3A_25 : memref<1x50176xf32, #tpu.memory_space<hbm>> -> memref<50176xf32, #tpu.memory_space<hbm>>
        %dma_wait3A_27 = arith.constant 0 : i32
        %dma_wait3A_28 = tpu.memref_slice %arg2[%add3A, %dma_wait3A_27] : memref<16x50176xf32, #tpu.memory_space<hbm>> -> memref<1x50176xf32, #tpu.memory_space<hbm>>
        %dma_wait3A_29 = tpu.memref_squeeze %dma_wait3A_28 : memref<1x50176xf32, #tpu.memory_space<hbm>> -> memref<50176xf32, #tpu.memory_space<hbm>>
        tpu.wait_dma2 semaphore(%run_scoped3A : memref<!tpu.dma_semaphore, #tpu.memory_space<semaphore_mem>>) src(%dma_wait3A_29 : memref<50176xf32, #tpu.memory_space<hbm>>) dst(%arg4 : memref<50176xf32, #tpu.memory_space<vmem>>)
        tpu.yield
      }) : () -> ()
      %scan3A = arith.constant 0 : i32
      %scan3A_3 = arith.constant 0 : i32
      %scan3A_4 = arith.constant 3136 : i32
      %scan3A_5 = arith.addi %scan3A_3, %scan3A_4 : i32
      %scan3A_6 = arith.constant 1 : i32
      %scan3A_7 = scf.for %scan3A_20 = %scan3A_3 to %scan3A_5 step %scan3A_6 iter_args(%scan3A_21 = %scan3A) -> (i32)  : i32 {
        %broadcast_in_dim3A_22 = arith.constant 0 : i32
        %broadcast_in_dim3A_23 = vector.broadcast %broadcast_in_dim3A_22 : i32 to vector<16xi32>
        %mul3A_24 = arith.constant 16 : i32
        %mul3A_25 = arith.muli %scan3A_20, %mul3A_24 : i32
        %swap3A = arith.index_cast %mul3A_25 : i32 to index
        %swap3A_26 = tpu.vector_load %arg5[%swap3A] {strides = array<i32>} : memref<50176xi32, #tpu.memory_space<vmem>>, vector<16xi32>,
        tpu.vector_store %arg5[%swap3A], %broadcast_in_dim3A_23 {strides = array<i32>} : memref<50176xi32, #tpu.memory_space<vmem>>, vector<16xi32>,
        %scan3A_27 = arith.constant 0 : i32
        scf.yield %scan3A_27 : i32
      }
      %scan3A_8 = arith.constant 3136 : i32
      %iota3A = tpu.iota {dimensions = array<i32: 0>} : vector<16xi32>
      %eq3A = arith.constant 0 : i32
      %eq3A_9 = vector.broadcast %eq3A : i32 to vector<16xi32>
      %eq3A_10 = arith.cmpi eq, %iota3A, %eq3A_9 : vector<16xi32>
      %broadcast_in_dim3A = arith.constant 1 : i32
      %broadcast_in_dim3A_11 = vector.broadcast %broadcast_in_dim3A : i32 to vector<16xi32>
      %scan3A_12 = arith.constant 0 : i32
      %scan3A_13 = arith.constant 0 : i32
      %scan3A_14 = arith.constant 0 : i32
      %scan3A_15 = arith.constant 196 : i32
      %scan3A_16 = arith.addi %scan3A_14, %scan3A_15 : i32
      %scan3A_17 = arith.constant 1 : i32
      %scan3A_18:2 = scf.for %scan3A_20 = %scan3A_14 to %scan3A_16 step %scan3A_17 iter_args(%scan3A_21 = %scan3A_12, %scan3A_22 = %scan3A_13) -> (i32, i32)  : i32 {
        %mul3A_23 = arith.constant 16 : i32
        %mul3A_24 = arith.muli %mul3A_23, %scan3A_21 : i32
        %add3A_25 = arith.constant 8 : i32
        %add3A_26 = arith.addi %add3A_25, %mul3A_24 : i32
        %mul3A_27 = arith.constant 16 : i32
        %mul3A_28 = arith.muli %mul3A_27, %scan3A_22 : i32
        %add3A_29 = arith.constant 8 : i32
        %add3A_30 = arith.addi %add3A_29, %mul3A_28 : i32
        %sub3A = arith.constant 10 : i32
        %sub3A_31 = arith.subi %add3A_26, %sub3A : i32
        %max3A = arith.constant 0 : i32
        %max3A_32 = arith.maxsi %max3A, %sub3A_31 : i32
        %add3A_33 = arith.constant 10 : i32
        %add3A_34 = arith.addi %add3A_26, %add3A_33 : i32
        %min3A = arith.constant 224 : i32
        %min3A_35 = arith.minsi %min3A, %add3A_34 : i32
        %sub3A_36 = arith.constant 10 : i32
        %sub3A_37 = arith.subi %add3A_30, %sub3A_36 : i32
        %max3A_38 = arith.constant 0 : i32
        %max3A_39 = arith.maxsi %max3A_38, %sub3A_37 : i32
        %add3A_40 = arith.constant 10 : i32
        %add3A_41 = arith.addi %add3A_30, %add3A_40 : i32
        %min3A_42 = arith.constant 224 : i32
        %min3A_43 = arith.minsi %min3A_42, %add3A_41 : i32
        %sub3A_44 = arith.constant 10 : i32
        %sub3A_45 = arith.subi %add3A_26, %sub3A_44 : i32
        %jit3A = arith.constant 0 : i32
        %jit3A_46 = arith.constant 204 : i32
        %max3A_47 = arith.maxsi %jit3A, %sub3A_45 : i32
        %min3A_48 = arith.minsi %jit3A_46, %max3A_47 : i32
        %sub3A_49 = arith.constant 10 : i32
        %sub3A_50 = arith.subi %add3A_30, %sub3A_49 : i32
        %jit3A_51 = arith.constant 0 : i32
        %jit3A_52 = arith.constant 204 : i32
        %max3A_53 = arith.maxsi %jit3A_51, %sub3A_50 : i32
        %min3A_54 = arith.minsi %jit3A_52, %max3A_53 : i32
        %add3A_55 = vector.broadcast %min3A_54 : i32 to vector<16xi32>
        %add3A_56 = arith.addi %add3A_55, %iota3A : vector<16xi32>
        %add3A_57 = arith.constant 4 : i32
        %add3A_58 = arith.addi %min3A_54, %add3A_57 : i32
        %add3A_59 = vector.broadcast %add3A_58 : i32 to vector<16xi32>
        %add3A_60 = arith.addi %add3A_59, %iota3A : vector<16xi32>
        %ge3A = vector.broadcast %max3A_39 : i32 to vector<16xi32>
        %ge3A_61 = arith.cmpi sge, %add3A_56, %ge3A : vector<16xi32>
        %lt3A_62 = vector.broadcast %min3A_43 : i32 to vector<16xi32>
        %lt3A_63 = arith.cmpi slt, %add3A_56, %lt3A_62 : vector<16xi32>
        %and3A = arith.andi %ge3A_61, %lt3A_63 : vector<16xi1>
        %ge3A_64 = vector.broadcast %max3A_39 : i32 to vector<16xi32>
        %ge3A_65 = arith.cmpi sge, %add3A_60, %ge3A_64 : vector<16xi32>
        %lt3A_66 = vector.broadcast %min3A_43 : i32 to vector<16xi32>
        %lt3A_67 = arith.cmpi slt, %add3A_60, %lt3A_66 : vector<16xi32>
        %and3A_68 = arith.andi %ge3A_65, %lt3A_67 : vector<16xi1>
        %ge3A_69 = arith.constant 12 : i32
        %ge3A_70 = vector.broadcast %ge3A_69 : i32 to vector<16xi32>
        %ge3A_71 = arith.cmpi sge, %iota3A, %ge3A_70 : vector<16xi32>
        %and3A_72 = arith.andi %and3A_68, %ge3A_71 : vector<16xi1>
        %broadcast_in_dim3A_73 = arith.constant 0x7F800000 : f32
        %broadcast_in_dim3A_74 = vector.broadcast %broadcast_in_dim3A_73 : f32 to vector<16xf32>
        %add3A_75 = arith.constant 0 : i32
        %add3A_76 = arith.addi %min3A_48, %add3A_75 : i32
        %ge3A_77 = arith.cmpi sge, %add3A_76, %max3A_32 : i32
        %lt3A_78 = arith.cmpi slt, %add3A_76, %min3A_35 : i32
        %and3A_79 = arith.andi %ge3A_77, %lt3A_78 : i1
        %mul3A_80 = arith.constant 224 : i32
        %mul3A_81 = arith.muli %add3A_76, %mul3A_80 : i32
        %add3A_82 = arith.addi %mul3A_81, %min3A_54 : i32
        %get3A = arith.index_cast %add3A_82 : i32 to index
        %get3A_83 = tpu.vector_load %arg4[%get3A] {strides = array<i32>} : memref<50176xf32, #tpu.memory_space<vmem>>, vector<16xf32>,
        %add3A_84 = arith.constant 4 : i32
        %add3A_85 = arith.addi %add3A_82, %add3A_84 : i32
        %get3A_86 = arith.index_cast %add3A_85 : i32 to index
        %get3A_87 = tpu.vector_load %arg4[%get3A_86] {strides = array<i32>} : memref<50176xf32, #tpu.memory_space<vmem>>, vector<16xf32>,
        %and3A_88 = vector.broadcast %and3A_79 : i1 to vector<16xi1>
        %and3A_89 = arith.andi %and3A_88, %and3A : vector<16xi1>
        %jit3A_90 = arith.constant 0x7F800000 : f32
        %broadcast_in_dim3A_91 = vector.broadcast %jit3A_90 : f32 to vector<16xf32>
        %select_n3A = arith.select %and3A_89, %get3A_83, %broadcast_in_dim3A_91 : vector<16xi1>, vector<16xf32>
        %min3A_92 = arith.minimumf %broadcast_in_dim3A_74, %select_n3A : vector<16xf32>
        %and3A_93 = vector.broadcast %and3A_79 : i1 to vector<16xi1>
        %and3A_94 = arith.andi %and3A_93, %and3A_72 : vector<16xi1>
        %jit3A_95 = arith.constant 0x7F800000 : f32
        %broadcast_in_dim3A_96 = vector.broadcast %jit3A_95 : f32 to vector<16xf32>
        %select_n3A_97 = arith.select %and3A_94, %get3A_87, %broadcast_in_dim3A_96 : vector<16xi1>, vector<16xf32>
        %min3A_98 = arith.minimumf %min3A_92, %select_n3A_97 : vector<16xf32>
        %add3A_99 = arith.constant 1 : i32
        %add3A_100 = arith.addi %min3A_48, %add3A_99 : i32
        %ge3A_101 = arith.cmpi sge, %add3A_100, %max3A_32 : i32
        %lt3A_102 = arith.cmpi slt, %add3A_100, %min3A_35 : i32
        %and3A_103 = arith.andi %ge3A_101, %lt3A_102 : i1
        %mul3A_104 = arith.constant 224 : i32
        %mul3A_105 = arith.muli %add3A_100, %mul3A_104 : i32
        %add3A_106 = arith.addi %mul3A_105, %min3A_54 : i32
        %get3A_107 = arith.index_cast %add3A_106 : i32 to index
        %get3A_108 = tpu.vector_load %arg4[%get3A_107] {strides = array<i32>} : memref<50176xf32, #tpu.memory_space<vmem>>, vector<16xf32>,
        %add3A_109 = arith.constant 4 : i32
        %add3A_110 = arith.addi %add3A_106, %add3A_109 : i32
        %get3A_111 = arith.index_cast %add3A_110 : i32 to index
        %get3A_112 = tpu.vector_load %arg4[%get3A_111] {strides = array<i32>} : memref<50176xf32, #tpu.memory_space<vmem>>, vector<16xf32>,
        %and3A_113 = vector.broadcast %and3A_103 : i1 to vector<16xi1>
        %and3A_114 = arith.andi %and3A_113, %and3A : vector<16xi1>
        %jit3A_115 = arith.constant 0x7F800000 : f32
        %broadcast_in_dim3A_116 = vector.broadcast %jit3A_115 : f32 to vector<16xf32>
        %select_n3A_117 = arith.select %and3A_114, %get3A_108, %broadcast_in_dim3A_116 : vector<16xi1>, vector<16xf32>
        %min3A_118 = arith.minimumf %min3A_98, %select_n3A_117 : vector<16xf32>
        %and3A_119 = vector.broadcast %and3A_103 : i1 to vector<16xi1>
        %and3A_120 = arith.andi %and3A_119, %and3A_72 : vector<16xi1>
        %jit3A_121 = arith.constant 0x7F800000 : f32
        %broadcast_in_dim3A_122 = vector.broadcast %jit3A_121 : f32 to vector<16xf32>
        %select_n3A_123 = arith.select %and3A_120, %get3A_112, %broadcast_in_dim3A_122 : vector<16xi1>, vector<16xf32>
        %min3A_124 = arith.minimumf %min3A_118, %select_n3A_123 : vector<16xf32>
        %add3A_125 = arith.constant 2 : i32
        %add3A_126 = arith.addi %min3A_48, %add3A_125 : i32
        %ge3A_127 = arith.cmpi sge, %add3A_126, %max3A_32 : i32
        %lt3A_128 = arith.cmpi slt, %add3A_126, %min3A_35 : i32
        %and3A_129 = arith.andi %ge3A_127, %lt3A_128 : i1
        %mul3A_130 = arith.constant 224 : i32
        %mul3A_131 = arith.muli %add3A_126, %mul3A_130 : i32
        %add3A_132 = arith.addi %mul3A_131, %min3A_54 : i32
        %get3A_133 = arith.index_cast %add3A_132 : i32 to index
        %get3A_134 = tpu.vector_load %arg4[%get3A_133] {strides = array<i32>} : memref<50176xf32, #tpu.memory_space<vmem>>, vector<16xf32>,
        %add3A_135 = arith.constant 4 : i32
        %add3A_136 = arith.addi %add3A_132, %add3A_135 : i32
        %get3A_137 = arith.index_cast %add3A_136 : i32 to index
        %get3A_138 = tpu.vector_load %arg4[%get3A_137] {strides = array<i32>} : memref<50176xf32, #tpu.memory_space<vmem>>, vector<16xf32>,
        %and3A_139 = vector.broadcast %and3A_129 : i1 to vector<16xi1>
        %and3A_140 = arith.andi %and3A_139, %and3A : vector<16xi1>
        %jit3A_141 = arith.constant 0x7F800000 : f32
        %broadcast_in_dim3A_142 = vector.broadcast %jit3A_141 : f32 to vector<16xf32>
        %select_n3A_143 = arith.select %and3A_140, %get3A_134, %broadcast_in_dim3A_142 : vector<16xi1>, vector<16xf32>
        %min3A_144 = arith.minimumf %min3A_124, %select_n3A_143 : vector<16xf32>
        %and3A_145 = vector.broadcast %and3A_129 : i1 to vector<16xi1>
        %and3A_146 = arith.andi %and3A_145, %and3A_72 : vector<16xi1>
        %jit3A_147 = arith.constant 0x7F800000 : f32
        %broadcast_in_dim3A_148 = vector.broadcast %jit3A_147 : f32 to vector<16xf32>
        %select_n3A_149 = arith.select %and3A_146, %get3A_138, %broadcast_in_dim3A_148 : vector<16xi1>, vector<16xf32>
        %min3A_150 = arith.minimumf %min3A_144, %select_n3A_149 : vector<16xf32>
        %add3A_151 = arith.constant 3 : i32
        %add3A_152 = arith.addi %min3A_48, %add3A_151 : i32
        %ge3A_153 = arith.cmpi sge, %add3A_152, %max3A_32 : i32
        %lt3A_154 = arith.cmpi slt, %add3A_152, %min3A_35 : i32
        %and3A_155 = arith.andi %ge3A_153, %lt3A_154 : i1
        %mul3A_156 = arith.constant 224 : i32
        %mul3A_157 = arith.muli %add3A_152, %mul3A_156 : i32
        %add3A_158 = arith.addi %mul3A_157, %min3A_54 : i32
        %get3A_159 = arith.index_cast %add3A_158 : i32 to index
        %get3A_160 = tpu.vector_load %arg4[%get3A_159] {strides = array<i32>} : memref<50176xf32, #tpu.memory_space<vmem>>, vector<16xf32>,
        %add3A_161 = arith.constant 4 : i32
        %add3A_162 = arith.addi %add3A_158, %add3A_161 : i32
        %get3A_163 = arith.index_cast %add3A_162 : i32 to index
        %get3A_164 = tpu.vector_load %arg4[%get3A_163] {strides = array<i32>} : memref<50176xf32, #tpu.memory_space<vmem>>, vector<16xf32>,
        %and3A_165 = vector.broadcast %and3A_155 : i1 to vector<16xi1>
        %and3A_166 = arith.andi %and3A_165, %and3A : vector<16xi1>
        %jit3A_167 = arith.constant 0x7F800000 : f32
        %broadcast_in_dim3A_168 = vector.broadcast %jit3A_167 : f32 to vector<16xf32>
        %select_n3A_169 = arith.select %and3A_166, %get3A_160, %broadcast_in_dim3A_168 : vector<16xi1>, vector<16xf32>
        %min3A_170 = arith.minimumf %min3A_150, %select_n3A_169 : vector<16xf32>
        %and3A_171 = vector.broadcast %and3A_155 : i1 to vector<16xi1>
        %and3A_172 = arith.andi %and3A_171, %and3A_72 : vector<16xi1>
        %jit3A_173 = arith.constant 0x7F800000 : f32
        %broadcast_in_dim3A_174 = vector.broadcast %jit3A_173 : f32 to vector<16xf32>
        %select_n3A_175 = arith.select %and3A_172, %get3A_164, %broadcast_in_dim3A_174 : vector<16xi1>, vector<16xf32>
        %min3A_176 = arith.minimumf %min3A_170, %select_n3A_175 : vector<16xf32>
        %add3A_177 = arith.constant 4 : i32
        %add3A_178 = arith.addi %min3A_48, %add3A_177 : i32
        %ge3A_179 = arith.cmpi sge, %add3A_178, %max3A_32 : i32
        %lt3A_180 = arith.cmpi slt, %add3A_178, %min3A_35 : i32
        %and3A_181 = arith.andi %ge3A_179, %lt3A_180 : i1
        %mul3A_182 = arith.constant 224 : i32
        %mul3A_183 = arith.muli %add3A_178, %mul3A_182 : i32
        %add3A_184 = arith.addi %mul3A_183, %min3A_54 : i32
        %get3A_185 = arith.index_cast %add3A_184 : i32 to index
        %get3A_186 = tpu.vector_load %arg4[%get3A_185] {strides = array<i32>} : memref<50176xf32, #tpu.memory_space<vmem>>, vector<16xf32>,
        %add3A_187 = arith.constant 4 : i32
        %add3A_188 = arith.addi %add3A_184, %add3A_187 : i32
        %get3A_189 = arith.index_cast %add3A_188 : i32 to index
        %get3A_190 = tpu.vector_load %arg4[%get3A_189] {strides = array<i32>} : memref<50176xf32, #tpu.memory_space<vmem>>, vector<16xf32>,
        %and3A_191 = vector.broadcast %and3A_181 : i1 to vector<16xi1>
        %and3A_192 = arith.andi %and3A_191, %and3A : vector<16xi1>
        %jit3A_193 = arith.constant 0x7F800000 : f32
        %broadcast_in_dim3A_194 = vector.broadcast %jit3A_193 : f32 to vector<16xf32>
        %select_n3A_195 = arith.select %and3A_192, %get3A_186, %broadcast_in_dim3A_194 : vector<16xi1>, vector<16xf32>
        %min3A_196 = arith.minimumf %min3A_176, %select_n3A_195 : vector<16xf32>
        %and3A_197 = vector.broadcast %and3A_181 : i1 to vector<16xi1>
        %and3A_198 = arith.andi %and3A_197, %and3A_72 : vector<16xi1>
        %jit3A_199 = arith.constant 0x7F800000 : f32
        %broadcast_in_dim3A_200 = vector.broadcast %jit3A_199 : f32 to vector<16xf32>
        %select_n3A_201 = arith.select %and3A_198, %get3A_190, %broadcast_in_dim3A_200 : vector<16xi1>, vector<16xf32>
        %min3A_202 = arith.minimumf %min3A_196, %select_n3A_201 : vector<16xf32>
        %add3A_203 = arith.constant 5 : i32
        %add3A_204 = arith.addi %min3A_48, %add3A_203 : i32
        %ge3A_205 = arith.cmpi sge, %add3A_204, %max3A_32 : i32
        %lt3A_206 = arith.cmpi slt, %add3A_204, %min3A_35 : i32
        %and3A_207 = arith.andi %ge3A_205, %lt3A_206 : i1
        %mul3A_208 = arith.constant 224 : i32
        %mul3A_209 = arith.muli %add3A_204, %mul3A_208 : i32
        %add3A_210 = arith.addi %mul3A_209, %min3A_54 : i32
        %get3A_211 = arith.index_cast %add3A_210 : i32 to index
        %get3A_212 = tpu.vector_load %arg4[%get3A_211] {strides = array<i32>} : memref<50176xf32, #tpu.memory_space<vmem>>, vector<16xf32>,
        %add3A_213 = arith.constant 4 : i32
        %add3A_214 = arith.addi %add3A_210, %add3A_213 : i32
        %get3A_215 = arith.index_cast %add3A_214 : i32 to index
        %get3A_216 = tpu.vector_load %arg4[%get3A_215] {strides = array<i32>} : memref<50176xf32, #tpu.memory_space<vmem>>, vector<16xf32>,
        %and3A_217 = vector.broadcast %and3A_207 : i1 to vector<16xi1>
        %and3A_218 = arith.andi %and3A_217, %and3A : vector<16xi1>
        %jit3A_219 = arith.constant 0x7F800000 : f32
        %broadcast_in_dim3A_220 = vector.broadcast %jit3A_219 : f32 to vector<16xf32>
        %select_n3A_221 = arith.select %and3A_218, %get3A_212, %broadcast_in_dim3A_220 : vector<16xi1>, vector<16xf32>
        %min3A_222 = arith.minimumf %min3A_202, %select_n3A_221 : vector<16xf32>
        %and3A_223 = vector.broadcast %and3A_207 : i1 to vector<16xi1>
        %and3A_224 = arith.andi %and3A_223, %and3A_72 : vector<16xi1>
        %jit3A_225 = arith.constant 0x7F800000 : f32
        %broadcast_in_dim3A_226 = vector.broadcast %jit3A_225 : f32 to vector<16xf32>
        %select_n3A_227 = arith.select %and3A_224, %get3A_216, %broadcast_in_dim3A_226 : vector<16xi1>, vector<16xf32>
        %min3A_228 = arith.minimumf %min3A_222, %select_n3A_227 : vector<16xf32>
        %add3A_229 = arith.constant 6 : i32
        %add3A_230 = arith.addi %min3A_48, %add3A_229 : i32
        %ge3A_231 = arith.cmpi sge, %add3A_230, %max3A_32 : i32
        %lt3A_232 = arith.cmpi slt, %add3A_230, %min3A_35 : i32
        %and3A_233 = arith.andi %ge3A_231, %lt3A_232 : i1
        %mul3A_234 = arith.constant 224 : i32
        %mul3A_235 = arith.muli %add3A_230, %mul3A_234 : i32
        %add3A_236 = arith.addi %mul3A_235, %min3A_54 : i32
        %get3A_237 = arith.index_cast %add3A_236 : i32 to index
        %get3A_238 = tpu.vector_load %arg4[%get3A_237] {strides = array<i32>} : memref<50176xf32, #tpu.memory_space<vmem>>, vector<16xf32>,
        %add3A_239 = arith.constant 4 : i32
        %add3A_240 = arith.addi %add3A_236, %add3A_239 : i32
        %get3A_241 = arith.index_cast %add3A_240 : i32 to index
        %get3A_242 = tpu.vector_load %arg4[%get3A_241] {strides = array<i32>} : memref<50176xf32, #tpu.memory_space<vmem>>, vector<16xf32>,
        %and3A_243 = vector.broadcast %and3A_233 : i1 to vector<16xi1>
        %and3A_244 = arith.andi %and3A_243, %and3A : vector<16xi1>
        %jit3A_245 = arith.constant 0x7F800000 : f32
        %broadcast_in_dim3A_246 = vector.broadcast %jit3A_245 : f32 to vector<16xf32>
        %select_n3A_247 = arith.select %and3A_244, %get3A_238, %broadcast_in_dim3A_246 : vector<16xi1>, vector<16xf32>
        %min3A_248 = arith.minimumf %min3A_228, %select_n3A_247 : vector<16xf32>
        %and3A_249 = vector.broadcast %and3A_233 : i1 to vector<16xi1>
        %and3A_250 = arith.andi %and3A_249, %and3A_72 : vector<16xi1>
        %jit3A_251 = arith.constant 0x7F800000 : f32
        %broadcast_in_dim3A_252 = vector.broadcast %jit3A_251 : f32 to vector<16xf32>
        %select_n3A_253 = arith.select %and3A_250, %get3A_242, %broadcast_in_dim3A_252 : vector<16xi1>, vector<16xf32>
        %min3A_254 = arith.minimumf %min3A_248, %select_n3A_253 : vector<16xf32>
        %add3A_255 = arith.constant 7 : i32
        %add3A_256 = arith.addi %min3A_48, %add3A_255 : i32
        %ge3A_257 = arith.cmpi sge, %add3A_256, %max3A_32 : i32
        %lt3A_258 = arith.cmpi slt, %add3A_256, %min3A_35 : i32
        %and3A_259 = arith.andi %ge3A_257, %lt3A_258 : i1
        %mul3A_260 = arith.constant 224 : i32
        %mul3A_261 = arith.muli %add3A_256, %mul3A_260 : i32
        %add3A_262 = arith.addi %mul3A_261, %min3A_54 : i32
        %get3A_263 = arith.index_cast %add3A_262 : i32 to index
        %get3A_264 = tpu.vector_load %arg4[%get3A_263] {strides = array<i32>} : memref<50176xf32, #tpu.memory_space<vmem>>, vector<16xf32>,
        %add3A_265 = arith.constant 4 : i32
        %add3A_266 = arith.addi %add3A_262, %add3A_265 : i32
        %get3A_267 = arith.index_cast %add3A_266 : i32 to index
        %get3A_268 = tpu.vector_load %arg4[%get3A_267] {strides = array<i32>} : memref<50176xf32, #tpu.memory_space<vmem>>, vector<16xf32>,
        %and3A_269 = vector.broadcast %and3A_259 : i1 to vector<16xi1>
        %and3A_270 = arith.andi %and3A_269, %and3A : vector<16xi1>
        %jit3A_271 = arith.constant 0x7F800000 : f32
        %broadcast_in_dim3A_272 = vector.broadcast %jit3A_271 : f32 to vector<16xf32>
        %select_n3A_273 = arith.select %and3A_270, %get3A_264, %broadcast_in_dim3A_272 : vector<16xi1>, vector<16xf32>
        %min3A_274 = arith.minimumf %min3A_254, %select_n3A_273 : vector<16xf32>
        %and3A_275 = vector.broadcast %and3A_259 : i1 to vector<16xi1>
        %and3A_276 = arith.andi %and3A_275, %and3A_72 : vector<16xi1>
        %jit3A_277 = arith.constant 0x7F800000 : f32
        %broadcast_in_dim3A_278 = vector.broadcast %jit3A_277 : f32 to vector<16xf32>
        %select_n3A_279 = arith.select %and3A_276, %get3A_268, %broadcast_in_dim3A_278 : vector<16xi1>, vector<16xf32>
        %min3A_280 = arith.minimumf %min3A_274, %select_n3A_279 : vector<16xf32>
        %add3A_281 = arith.constant 8 : i32
        %add3A_282 = arith.addi %min3A_48, %add3A_281 : i32
        %ge3A_283 = arith.cmpi sge, %add3A_282, %max3A_32 : i32
        %lt3A_284 = arith.cmpi slt, %add3A_282, %min3A_35 : i32
        %and3A_285 = arith.andi %ge3A_283, %lt3A_284 : i1
        %mul3A_286 = arith.constant 224 : i32
        %mul3A_287 = arith.muli %add3A_282, %mul3A_286 : i32
        %add3A_288 = arith.addi %mul3A_287, %min3A_54 : i32
        %get3A_289 = arith.index_cast %add3A_288 : i32 to index
        %get3A_290 = tpu.vector_load %arg4[%get3A_289] {strides = array<i32>} : memref<50176xf32, #tpu.memory_space<vmem>>, vector<16xf32>,
        %add3A_291 = arith.constant 4 : i32
        %add3A_292 = arith.addi %add3A_288, %add3A_291 : i32
        %get3A_293 = arith.index_cast %add3A_292 : i32 to index
        %get3A_294 = tpu.vector_load %arg4[%get3A_293] {strides = array<i32>} : memref<50176xf32, #tpu.memory_space<vmem>>, vector<16xf32>,
        %and3A_295 = vector.broadcast %and3A_285 : i1 to vector<16xi1>
        %and3A_296 = arith.andi %and3A_295, %and3A : vector<16xi1>
        %jit3A_297 = arith.constant 0x7F800000 : f32
        %broadcast_in_dim3A_298 = vector.broadcast %jit3A_297 : f32 to vector<16xf32>
        %select_n3A_299 = arith.select %and3A_296, %get3A_290, %broadcast_in_dim3A_298 : vector<16xi1>, vector<16xf32>
        %min3A_300 = arith.minimumf %min3A_280, %select_n3A_299 : vector<16xf32>
        %and3A_301 = vector.broadcast %and3A_285 : i1 to vector<16xi1>
        %and3A_302 = arith.andi %and3A_301, %and3A_72 : vector<16xi1>
        %jit3A_303 = arith.constant 0x7F800000 : f32
        %broadcast_in_dim3A_304 = vector.broadcast %jit3A_303 : f32 to vector<16xf32>
        %select_n3A_305 = arith.select %and3A_302, %get3A_294, %broadcast_in_dim3A_304 : vector<16xi1>, vector<16xf32>
        %min3A_306 = arith.minimumf %min3A_300, %select_n3A_305 : vector<16xf32>
        %add3A_307 = arith.constant 9 : i32
        %add3A_308 = arith.addi %min3A_48, %add3A_307 : i32
        %ge3A_309 = arith.cmpi sge, %add3A_308, %max3A_32 : i32
        %lt3A_310 = arith.cmpi slt, %add3A_308, %min3A_35 : i32
        %and3A_311 = arith.andi %ge3A_309, %lt3A_310 : i1
        %mul3A_312 = arith.constant 224 : i32
        %mul3A_313 = arith.muli %add3A_308, %mul3A_312 : i32
        %add3A_314 = arith.addi %mul3A_313, %min3A_54 : i32
        %get3A_315 = arith.index_cast %add3A_314 : i32 to index
        %get3A_316 = tpu.vector_load %arg4[%get3A_315] {strides = array<i32>} : memref<50176xf32, #tpu.memory_space<vmem>>, vector<16xf32>,
        %add3A_317 = arith.constant 4 : i32
        %add3A_318 = arith.addi %add3A_314, %add3A_317 : i32
        %get3A_319 = arith.index_cast %add3A_318 : i32 to index
        %get3A_320 = tpu.vector_load %arg4[%get3A_319] {strides = array<i32>} : memref<50176xf32, #tpu.memory_space<vmem>>, vector<16xf32>,
        %and3A_321 = vector.broadcast %and3A_311 : i1 to vector<16xi1>
        %and3A_322 = arith.andi %and3A_321, %and3A : vector<16xi1>
        %jit3A_323 = arith.constant 0x7F800000 : f32
        %broadcast_in_dim3A_324 = vector.broadcast %jit3A_323 : f32 to vector<16xf32>
        %select_n3A_325 = arith.select %and3A_322, %get3A_316, %broadcast_in_dim3A_324 : vector<16xi1>, vector<16xf32>
        %min3A_326 = arith.minimumf %min3A_306, %select_n3A_325 : vector<16xf32>
        %and3A_327 = vector.broadcast %and3A_311 : i1 to vector<16xi1>
        %and3A_328 = arith.andi %and3A_327, %and3A_72 : vector<16xi1>
        %jit3A_329 = arith.constant 0x7F800000 : f32
        %broadcast_in_dim3A_330 = vector.broadcast %jit3A_329 : f32 to vector<16xf32>
        %select_n3A_331 = arith.select %and3A_328, %get3A_320, %broadcast_in_dim3A_330 : vector<16xi1>, vector<16xf32>
        %min3A_332 = arith.minimumf %min3A_326, %select_n3A_331 : vector<16xf32>
        %add3A_333 = arith.constant 10 : i32
        %add3A_334 = arith.addi %min3A_48, %add3A_333 : i32
        %ge3A_335 = arith.cmpi sge, %add3A_334, %max3A_32 : i32
        %lt3A_336 = arith.cmpi slt, %add3A_334, %min3A_35 : i32
        %and3A_337 = arith.andi %ge3A_335, %lt3A_336 : i1
        %mul3A_338 = arith.constant 224 : i32
        %mul3A_339 = arith.muli %add3A_334, %mul3A_338 : i32
        %add3A_340 = arith.addi %mul3A_339, %min3A_54 : i32
        %get3A_341 = arith.index_cast %add3A_340 : i32 to index
        %get3A_342 = tpu.vector_load %arg4[%get3A_341] {strides = array<i32>} : memref<50176xf32, #tpu.memory_space<vmem>>, vector<16xf32>,
        %add3A_343 = arith.constant 4 : i32
        %add3A_344 = arith.addi %add3A_340, %add3A_343 : i32
        %get3A_345 = arith.index_cast %add3A_344 : i32 to index
        %get3A_346 = tpu.vector_load %arg4[%get3A_345] {strides = array<i32>} : memref<50176xf32, #tpu.memory_space<vmem>>, vector<16xf32>,
        %and3A_347 = vector.broadcast %and3A_337 : i1 to vector<16xi1>
        %and3A_348 = arith.andi %and3A_347, %and3A : vector<16xi1>
        %jit3A_349 = arith.constant 0x7F800000 : f32
        %broadcast_in_dim3A_350 = vector.broadcast %jit3A_349 : f32 to vector<16xf32>
        %select_n3A_351 = arith.select %and3A_348, %get3A_342, %broadcast_in_dim3A_350 : vector<16xi1>, vector<16xf32>
        %min3A_352 = arith.minimumf %min3A_332, %select_n3A_351 : vector<16xf32>
        %and3A_353 = vector.broadcast %and3A_337 : i1 to vector<16xi1>
        %and3A_354 = arith.andi %and3A_353, %and3A_72 : vector<16xi1>
        %jit3A_355 = arith.constant 0x7F800000 : f32
        %broadcast_in_dim3A_356 = vector.broadcast %jit3A_355 : f32 to vector<16xf32>
        %select_n3A_357 = arith.select %and3A_354, %get3A_346, %broadcast_in_dim3A_356 : vector<16xi1>, vector<16xf32>
        %min3A_358 = arith.minimumf %min3A_352, %select_n3A_357 : vector<16xf32>
        %add3A_359 = arith.constant 11 : i32
        %add3A_360 = arith.addi %min3A_48, %add3A_359 : i32
        %ge3A_361 = arith.cmpi sge, %add3A_360, %max3A_32 : i32
        %lt3A_362 = arith.cmpi slt, %add3A_360, %min3A_35 : i32
        %and3A_363 = arith.andi %ge3A_361, %lt3A_362 : i1
        %mul3A_364 = arith.constant 224 : i32
        %mul3A_365 = arith.muli %add3A_360, %mul3A_364 : i32
        %add3A_366 = arith.addi %mul3A_365, %min3A_54 : i32
        %get3A_367 = arith.index_cast %add3A_366 : i32 to index
        %get3A_368 = tpu.vector_load %arg4[%get3A_367] {strides = array<i32>} : memref<50176xf32, #tpu.memory_space<vmem>>, vector<16xf32>,
        %add3A_369 = arith.constant 4 : i32
        %add3A_370 = arith.addi %add3A_366, %add3A_369 : i32
        %get3A_371 = arith.index_cast %add3A_370 : i32 to index
        %get3A_372 = tpu.vector_load %arg4[%get3A_371] {strides = array<i32>} : memref<50176xf32, #tpu.memory_space<vmem>>, vector<16xf32>,
        %and3A_373 = vector.broadcast %and3A_363 : i1 to vector<16xi1>
        %and3A_374 = arith.andi %and3A_373, %and3A : vector<16xi1>
        %jit3A_375 = arith.constant 0x7F800000 : f32
        %broadcast_in_dim3A_376 = vector.broadcast %jit3A_375 : f32 to vector<16xf32>
        %select_n3A_377 = arith.select %and3A_374, %get3A_368, %broadcast_in_dim3A_376 : vector<16xi1>, vector<16xf32>
        %min3A_378 = arith.minimumf %min3A_358, %select_n3A_377 : vector<16xf32>
        %and3A_379 = vector.broadcast %and3A_363 : i1 to vector<16xi1>
        %and3A_380 = arith.andi %and3A_379, %and3A_72 : vector<16xi1>
        %jit3A_381 = arith.constant 0x7F800000 : f32
        %broadcast_in_dim3A_382 = vector.broadcast %jit3A_381 : f32 to vector<16xf32>
        %select_n3A_383 = arith.select %and3A_380, %get3A_372, %broadcast_in_dim3A_382 : vector<16xi1>, vector<16xf32>
        %min3A_384 = arith.minimumf %min3A_378, %select_n3A_383 : vector<16xf32>
        %add3A_385 = arith.constant 12 : i32
        %add3A_386 = arith.addi %min3A_48, %add3A_385 : i32
        %ge3A_387 = arith.cmpi sge, %add3A_386, %max3A_32 : i32
        %lt3A_388 = arith.cmpi slt, %add3A_386, %min3A_35 : i32
        %and3A_389 = arith.andi %ge3A_387, %lt3A_388 : i1
        %mul3A_390 = arith.constant 224 : i32
        %mul3A_391 = arith.muli %add3A_386, %mul3A_390 : i32
        %add3A_392 = arith.addi %mul3A_391, %min3A_54 : i32
        %get3A_393 = arith.index_cast %add3A_392 : i32 to index
        %get3A_394 = tpu.vector_load %arg4[%get3A_393] {strides = array<i32>} : memref<50176xf32, #tpu.memory_space<vmem>>, vector<16xf32>,
        %add3A_395 = arith.constant 4 : i32
        %add3A_396 = arith.addi %add3A_392, %add3A_395 : i32
        %get3A_397 = arith.index_cast %add3A_396 : i32 to index
        %get3A_398 = tpu.vector_load %arg4[%get3A_397] {strides = array<i32>} : memref<50176xf32, #tpu.memory_space<vmem>>, vector<16xf32>,
        %and3A_399 = vector.broadcast %and3A_389 : i1 to vector<16xi1>
        %and3A_400 = arith.andi %and3A_399, %and3A : vector<16xi1>
        %jit3A_401 = arith.constant 0x7F800000 : f32
        %broadcast_in_dim3A_402 = vector.broadcast %jit3A_401 : f32 to vector<16xf32>
        %select_n3A_403 = arith.select %and3A_400, %get3A_394, %broadcast_in_dim3A_402 : vector<16xi1>, vector<16xf32>
        %min3A_404 = arith.minimumf %min3A_384, %select_n3A_403 : vector<16xf32>
        %and3A_405 = vector.broadcast %and3A_389 : i1 to vector<16xi1>
        %and3A_406 = arith.andi %and3A_405, %and3A_72 : vector<16xi1>
        %jit3A_407 = arith.constant 0x7F800000 : f32
        %broadcast_in_dim3A_408 = vector.broadcast %jit3A_407 : f32 to vector<16xf32>
        %select_n3A_409 = arith.select %and3A_406, %get3A_398, %broadcast_in_dim3A_408 : vector<16xi1>, vector<16xf32>
        %min3A_410 = arith.minimumf %min3A_404, %select_n3A_409 : vector<16xf32>
        %add3A_411 = arith.constant 13 : i32
        %add3A_412 = arith.addi %min3A_48, %add3A_411 : i32
        %ge3A_413 = arith.cmpi sge, %add3A_412, %max3A_32 : i32
        %lt3A_414 = arith.cmpi slt, %add3A_412, %min3A_35 : i32
        %and3A_415 = arith.andi %ge3A_413, %lt3A_414 : i1
        %mul3A_416 = arith.constant 224 : i32
        %mul3A_417 = arith.muli %add3A_412, %mul3A_416 : i32
        %add3A_418 = arith.addi %mul3A_417, %min3A_54 : i32
        %get3A_419 = arith.index_cast %add3A_418 : i32 to index
        %get3A_420 = tpu.vector_load %arg4[%get3A_419] {strides = array<i32>} : memref<50176xf32, #tpu.memory_space<vmem>>, vector<16xf32>,
        %add3A_421 = arith.constant 4 : i32
        %add3A_422 = arith.addi %add3A_418, %add3A_421 : i32
        %get3A_423 = arith.index_cast %add3A_422 : i32 to index
        %get3A_424 = tpu.vector_load %arg4[%get3A_423] {strides = array<i32>} : memref<50176xf32, #tpu.memory_space<vmem>>, vector<16xf32>,
        %and3A_425 = vector.broadcast %and3A_415 : i1 to vector<16xi1>
        %and3A_426 = arith.andi %and3A_425, %and3A : vector<16xi1>
        %jit3A_427 = arith.constant 0x7F800000 : f32
        %broadcast_in_dim3A_428 = vector.broadcast %jit3A_427 : f32 to vector<16xf32>
        %select_n3A_429 = arith.select %and3A_426, %get3A_420, %broadcast_in_dim3A_428 : vector<16xi1>, vector<16xf32>
        %min3A_430 = arith.minimumf %min3A_410, %select_n3A_429 : vector<16xf32>
        %and3A_431 = vector.broadcast %and3A_415 : i1 to vector<16xi1>
        %and3A_432 = arith.andi %and3A_431, %and3A_72 : vector<16xi1>
        %jit3A_433 = arith.constant 0x7F800000 : f32
        %broadcast_in_dim3A_434 = vector.broadcast %jit3A_433 : f32 to vector<16xf32>
        %select_n3A_435 = arith.select %and3A_432, %get3A_424, %broadcast_in_dim3A_434 : vector<16xi1>, vector<16xf32>
        %min3A_436 = arith.minimumf %min3A_430, %select_n3A_435 : vector<16xf32>
        %add3A_437 = arith.constant 14 : i32
        %add3A_438 = arith.addi %min3A_48, %add3A_437 : i32
        %ge3A_439 = arith.cmpi sge, %add3A_438, %max3A_32 : i32
        %lt3A_440 = arith.cmpi slt, %add3A_438, %min3A_35 : i32
        %and3A_441 = arith.andi %ge3A_439, %lt3A_440 : i1
        %mul3A_442 = arith.constant 224 : i32
        %mul3A_443 = arith.muli %add3A_438, %mul3A_442 : i32
        %add3A_444 = arith.addi %mul3A_443, %min3A_54 : i32
        %get3A_445 = arith.index_cast %add3A_444 : i32 to index
        %get3A_446 = tpu.vector_load %arg4[%get3A_445] {strides = array<i32>} : memref<50176xf32, #tpu.memory_space<vmem>>, vector<16xf32>,
        %add3A_447 = arith.constant 4 : i32
        %add3A_448 = arith.addi %add3A_444, %add3A_447 : i32
        %get3A_449 = arith.index_cast %add3A_448 : i32 to index
        %get3A_450 = tpu.vector_load %arg4[%get3A_449] {strides = array<i32>} : memref<50176xf32, #tpu.memory_space<vmem>>, vector<16xf32>,
        %and3A_451 = vector.broadcast %and3A_441 : i1 to vector<16xi1>
        %and3A_452 = arith.andi %and3A_451, %and3A : vector<16xi1>
        %jit3A_453 = arith.constant 0x7F800000 : f32
        %broadcast_in_dim3A_454 = vector.broadcast %jit3A_453 : f32 to vector<16xf32>
        %select_n3A_455 = arith.select %and3A_452, %get3A_446, %broadcast_in_dim3A_454 : vector<16xi1>, vector<16xf32>
        %min3A_456 = arith.minimumf %min3A_436, %select_n3A_455 : vector<16xf32>
        %and3A_457 = vector.broadcast %and3A_441 : i1 to vector<16xi1>
        %and3A_458 = arith.andi %and3A_457, %and3A_72 : vector<16xi1>
        %jit3A_459 = arith.constant 0x7F800000 : f32
        %broadcast_in_dim3A_460 = vector.broadcast %jit3A_459 : f32 to vector<16xf32>
        %select_n3A_461 = arith.select %and3A_458, %get3A_450, %broadcast_in_dim3A_460 : vector<16xi1>, vector<16xf32>
        %min3A_462 = arith.minimumf %min3A_456, %select_n3A_461 : vector<16xf32>
        %add3A_463 = arith.constant 15 : i32
        %add3A_464 = arith.addi %min3A_48, %add3A_463 : i32
        %ge3A_465 = arith.cmpi sge, %add3A_464, %max3A_32 : i32
        %lt3A_466 = arith.cmpi slt, %add3A_464, %min3A_35 : i32
        %and3A_467 = arith.andi %ge3A_465, %lt3A_466 : i1
        %mul3A_468 = arith.constant 224 : i32
        %mul3A_469 = arith.muli %add3A_464, %mul3A_468 : i32
        %add3A_470 = arith.addi %mul3A_469, %min3A_54 : i32
        %get3A_471 = arith.index_cast %add3A_470 : i32 to index
        %get3A_472 = tpu.vector_load %arg4[%get3A_471] {strides = array<i32>} : memref<50176xf32, #tpu.memory_space<vmem>>, vector<16xf32>,
        %add3A_473 = arith.constant 4 : i32
        %add3A_474 = arith.addi %add3A_470, %add3A_473 : i32
        %get3A_475 = arith.index_cast %add3A_474 : i32 to index
        %get3A_476 = tpu.vector_load %arg4[%get3A_475] {strides = array<i32>} : memref<50176xf32, #tpu.memory_space<vmem>>, vector<16xf32>,
        %and3A_477 = vector.broadcast %and3A_467 : i1 to vector<16xi1>
        %and3A_478 = arith.andi %and3A_477, %and3A : vector<16xi1>
        %jit3A_479 = arith.constant 0x7F800000 : f32
        %broadcast_in_dim3A_480 = vector.broadcast %jit3A_479 : f32 to vector<16xf32>
        %select_n3A_481 = arith.select %and3A_478, %get3A_472, %broadcast_in_dim3A_480 : vector<16xi1>, vector<16xf32>
        %min3A_482 = arith.minimumf %min3A_462, %select_n3A_481 : vector<16xf32>
        %and3A_483 = vector.broadcast %and3A_467 : i1 to vector<16xi1>
        %and3A_484 = arith.andi %and3A_483, %and3A_72 : vector<16xi1>
        %jit3A_485 = arith.constant 0x7F800000 : f32
        %broadcast_in_dim3A_486 = vector.broadcast %jit3A_485 : f32 to vector<16xf32>
        %select_n3A_487 = arith.select %and3A_484, %get3A_476, %broadcast_in_dim3A_486 : vector<16xi1>, vector<16xf32>
        %min3A_488 = arith.minimumf %min3A_482, %select_n3A_487 : vector<16xf32>
        %add3A_489 = arith.constant 16 : i32
        %add3A_490 = arith.addi %min3A_48, %add3A_489 : i32
        %ge3A_491 = arith.cmpi sge, %add3A_490, %max3A_32 : i32
        %lt3A_492 = arith.cmpi slt, %add3A_490, %min3A_35 : i32
        %and3A_493 = arith.andi %ge3A_491, %lt3A_492 : i1
        %mul3A_494 = arith.constant 224 : i32
        %mul3A_495 = arith.muli %add3A_490, %mul3A_494 : i32
        %add3A_496 = arith.addi %mul3A_495, %min3A_54 : i32
        %get3A_497 = arith.index_cast %add3A_496 : i32 to index
        %get3A_498 = tpu.vector_load %arg4[%get3A_497] {strides = array<i32>} : memref<50176xf32, #tpu.memory_space<vmem>>, vector<16xf32>,
        %add3A_499 = arith.constant 4 : i32
        %add3A_500 = arith.addi %add3A_496, %add3A_499 : i32
        %get3A_501 = arith.index_cast %add3A_500 : i32 to index
        %get3A_502 = tpu.vector_load %arg4[%get3A_501] {strides = array<i32>} : memref<50176xf32, #tpu.memory_space<vmem>>, vector<16xf32>,
        %and3A_503 = vector.broadcast %and3A_493 : i1 to vector<16xi1>
        %and3A_504 = arith.andi %and3A_503, %and3A : vector<16xi1>
        %jit3A_505 = arith.constant 0x7F800000 : f32
        %broadcast_in_dim3A_506 = vector.broadcast %jit3A_505 : f32 to vector<16xf32>
        %select_n3A_507 = arith.select %and3A_504, %get3A_498, %broadcast_in_dim3A_506 : vector<16xi1>, vector<16xf32>
        %min3A_508 = arith.minimumf %min3A_488, %select_n3A_507 : vector<16xf32>
        %and3A_509 = vector.broadcast %and3A_493 : i1 to vector<16xi1>
        %and3A_510 = arith.andi %and3A_509, %and3A_72 : vector<16xi1>
        %jit3A_511 = arith.constant 0x7F800000 : f32
        %broadcast_in_dim3A_512 = vector.broadcast %jit3A_511 : f32 to vector<16xf32>
        %select_n3A_513 = arith.select %and3A_510, %get3A_502, %broadcast_in_dim3A_512 : vector<16xi1>, vector<16xf32>
        %min3A_514 = arith.minimumf %min3A_508, %select_n3A_513 : vector<16xf32>
        %add3A_515 = arith.constant 17 : i32
        %add3A_516 = arith.addi %min3A_48, %add3A_515 : i32
        %ge3A_517 = arith.cmpi sge, %add3A_516, %max3A_32 : i32
        %lt3A_518 = arith.cmpi slt, %add3A_516, %min3A_35 : i32
        %and3A_519 = arith.andi %ge3A_517, %lt3A_518 : i1
        %mul3A_520 = arith.constant 224 : i32
        %mul3A_521 = arith.muli %add3A_516, %mul3A_520 : i32
        %add3A_522 = arith.addi %mul3A_521, %min3A_54 : i32
        %get3A_523 = arith.index_cast %add3A_522 : i32 to index
        %get3A_524 = tpu.vector_load %arg4[%get3A_523] {strides = array<i32>} : memref<50176xf32, #tpu.memory_space<vmem>>, vector<16xf32>,
        %add3A_525 = arith.constant 4 : i32
        %add3A_526 = arith.addi %add3A_522, %add3A_525 : i32
        %get3A_527 = arith.index_cast %add3A_526 : i32 to index
        %get3A_528 = tpu.vector_load %arg4[%get3A_527] {strides = array<i32>} : memref<50176xf32, #tpu.memory_space<vmem>>, vector<16xf32>,
        %and3A_529 = vector.broadcast %and3A_519 : i1 to vector<16xi1>
        %and3A_530 = arith.andi %and3A_529, %and3A : vector<16xi1>
        %jit3A_531 = arith.constant 0x7F800000 : f32
        %broadcast_in_dim3A_532 = vector.broadcast %jit3A_531 : f32 to vector<16xf32>
        %select_n3A_533 = arith.select %and3A_530, %get3A_524, %broadcast_in_dim3A_532 : vector<16xi1>, vector<16xf32>
        %min3A_534 = arith.minimumf %min3A_514, %select_n3A_533 : vector<16xf32>
        %and3A_535 = vector.broadcast %and3A_519 : i1 to vector<16xi1>
        %and3A_536 = arith.andi %and3A_535, %and3A_72 : vector<16xi1>
        %jit3A_537 = arith.constant 0x7F800000 : f32
        %broadcast_in_dim3A_538 = vector.broadcast %jit3A_537 : f32 to vector<16xf32>
        %select_n3A_539 = arith.select %and3A_536, %get3A_528, %broadcast_in_dim3A_538 : vector<16xi1>, vector<16xf32>
        %min3A_540 = arith.minimumf %min3A_534, %select_n3A_539 : vector<16xf32>
        %add3A_541 = arith.constant 18 : i32
        %add3A_542 = arith.addi %min3A_48, %add3A_541 : i32
        %ge3A_543 = arith.cmpi sge, %add3A_542, %max3A_32 : i32
        %lt3A_544 = arith.cmpi slt, %add3A_542, %min3A_35 : i32
        %and3A_545 = arith.andi %ge3A_543, %lt3A_544 : i1
        %mul3A_546 = arith.constant 224 : i32
        %mul3A_547 = arith.muli %add3A_542, %mul3A_546 : i32
        %add3A_548 = arith.addi %mul3A_547, %min3A_54 : i32
        %get3A_549 = arith.index_cast %add3A_548 : i32 to index
        %get3A_550 = tpu.vector_load %arg4[%get3A_549] {strides = array<i32>} : memref<50176xf32, #tpu.memory_space<vmem>>, vector<16xf32>,
        %add3A_551 = arith.constant 4 : i32
        %add3A_552 = arith.addi %add3A_548, %add3A_551 : i32
        %get3A_553 = arith.index_cast %add3A_552 : i32 to index
        %get3A_554 = tpu.vector_load %arg4[%get3A_553] {strides = array<i32>} : memref<50176xf32, #tpu.memory_space<vmem>>, vector<16xf32>,
        %and3A_555 = vector.broadcast %and3A_545 : i1 to vector<16xi1>
        %and3A_556 = arith.andi %and3A_555, %and3A : vector<16xi1>
        %jit3A_557 = arith.constant 0x7F800000 : f32
        %broadcast_in_dim3A_558 = vector.broadcast %jit3A_557 : f32 to vector<16xf32>
        %select_n3A_559 = arith.select %and3A_556, %get3A_550, %broadcast_in_dim3A_558 : vector<16xi1>, vector<16xf32>
        %min3A_560 = arith.minimumf %min3A_540, %select_n3A_559 : vector<16xf32>
        %and3A_561 = vector.broadcast %and3A_545 : i1 to vector<16xi1>
        %and3A_562 = arith.andi %and3A_561, %and3A_72 : vector<16xi1>
        %jit3A_563 = arith.constant 0x7F800000 : f32
        %broadcast_in_dim3A_564 = vector.broadcast %jit3A_563 : f32 to vector<16xf32>
        %select_n3A_565 = arith.select %and3A_562, %get3A_554, %broadcast_in_dim3A_564 : vector<16xi1>, vector<16xf32>
        %min3A_566 = arith.minimumf %min3A_560, %select_n3A_565 : vector<16xf32>
        %add3A_567 = arith.constant 19 : i32
        %add3A_568 = arith.addi %min3A_48, %add3A_567 : i32
        %ge3A_569 = arith.cmpi sge, %add3A_568, %max3A_32 : i32
        %lt3A_570 = arith.cmpi slt, %add3A_568, %min3A_35 : i32
        %and3A_571 = arith.andi %ge3A_569, %lt3A_570 : i1
        %mul3A_572 = arith.constant 224 : i32
        %mul3A_573 = arith.muli %add3A_568, %mul3A_572 : i32
        %add3A_574 = arith.addi %mul3A_573, %min3A_54 : i32
        %get3A_575 = arith.index_cast %add3A_574 : i32 to index
        %get3A_576 = tpu.vector_load %arg4[%get3A_575] {strides = array<i32>} : memref<50176xf32, #tpu.memory_space<vmem>>, vector<16xf32>,
        %add3A_577 = arith.constant 4 : i32
        %add3A_578 = arith.addi %add3A_574, %add3A_577 : i32
        %get3A_579 = arith.index_cast %add3A_578 : i32 to index
        %get3A_580 = tpu.vector_load %arg4[%get3A_579] {strides = array<i32>} : memref<50176xf32, #tpu.memory_space<vmem>>, vector<16xf32>,
        %and3A_581 = vector.broadcast %and3A_571 : i1 to vector<16xi1>
        %and3A_582 = arith.andi %and3A_581, %and3A : vector<16xi1>
        %jit3A_583 = arith.constant 0x7F800000 : f32
        %broadcast_in_dim3A_584 = vector.broadcast %jit3A_583 : f32 to vector<16xf32>
        %select_n3A_585 = arith.select %and3A_582, %get3A_576, %broadcast_in_dim3A_584 : vector<16xi1>, vector<16xf32>
        %min3A_586 = arith.minimumf %min3A_566, %select_n3A_585 : vector<16xf32>
        %and3A_587 = vector.broadcast %and3A_571 : i1 to vector<16xi1>
        %and3A_588 = arith.andi %and3A_587, %and3A_72 : vector<16xi1>
        %jit3A_589 = arith.constant 0x7F800000 : f32
        %broadcast_in_dim3A_590 = vector.broadcast %jit3A_589 : f32 to vector<16xf32>
        %select_n3A_591 = arith.select %and3A_588, %get3A_580, %broadcast_in_dim3A_590 : vector<16xi1>, vector<16xf32>
        %min3A_592 = arith.minimumf %min3A_586, %select_n3A_591 : vector<16xf32>
        %reduce_min3A = arith.constant true
        %reduce_min3A_593 = vector.broadcast %reduce_min3A : i1 to vector<16xi1>
        %reduce_min3A_594 = tpu.scan <min>, %min3A_592 masked %reduce_min3A_593 : vector<16xf32>, vector<16xi1> -> vector<16xf32>
        %reduce_min3A_595 = vector.extract %reduce_min3A_594[15] : f32 from vector<16xf32>
        %broadcast_in_dim3A_596 = arith.constant 1073741824 : i32
        %broadcast_in_dim3A_597 = vector.broadcast %broadcast_in_dim3A_596 : i32 to vector<16xi32>
        %add3A_598 = arith.constant 0 : i32
        %add3A_599 = arith.addi %min3A_48, %add3A_598 : i32
        %ge3A_600 = arith.cmpi sge, %add3A_599, %max3A_32 : i32
        %lt3A_601 = arith.cmpi slt, %add3A_599, %min3A_35 : i32
        %and3A_602 = arith.andi %ge3A_600, %lt3A_601 : i1
        %mul3A_603 = arith.constant 224 : i32
        %mul3A_604 = arith.muli %add3A_599, %mul3A_603 : i32
        %add3A_605 = arith.addi %mul3A_604, %min3A_54 : i32
        %get3A_606 = arith.index_cast %add3A_605 : i32 to index
        %get3A_607 = tpu.vector_load %arg4[%get3A_606] {strides = array<i32>} : memref<50176xf32, #tpu.memory_space<vmem>>, vector<16xf32>,
        %add3A_608 = arith.constant 4 : i32
        %add3A_609 = arith.addi %add3A_605, %add3A_608 : i32
        %get3A_610 = arith.index_cast %add3A_609 : i32 to index
        %get3A_611 = tpu.vector_load %arg4[%get3A_610] {strides = array<i32>} : memref<50176xf32, #tpu.memory_space<vmem>>, vector<16xf32>,
        %get3A_612 = arith.index_cast %add3A_605 : i32 to index
        %get3A_613 = tpu.vector_load %arg5[%get3A_612] {strides = array<i32>} : memref<50176xi32, #tpu.memory_space<vmem>>, vector<16xi32>,
        %add3A_614 = arith.constant 4 : i32
        %add3A_615 = arith.addi %add3A_605, %add3A_614 : i32
        %get3A_616 = arith.index_cast %add3A_615 : i32 to index
        %get3A_617 = tpu.vector_load %arg5[%get3A_616] {strides = array<i32>} : memref<50176xi32, #tpu.memory_space<vmem>>, vector<16xi32>,
        %mul3A_618 = arith.constant 256 : i32
        %mul3A_619 = arith.muli %add3A_599, %mul3A_618 : i32
        %add3A_620 = arith.addi %mul3A_619, %min3A_54 : i32
        %add3A_621 = vector.broadcast %add3A_620 : i32 to vector<16xi32>
        %add3A_622 = arith.addi %add3A_621, %iota3A : vector<16xi32>
        %add3A_623 = arith.constant 4 : i32
        %add3A_624 = vector.broadcast %add3A_623 : i32 to vector<16xi32>
        %add3A_625 = arith.addi %add3A_622, %add3A_624 : vector<16xi32>
        %eq3A_626 = vector.broadcast %reduce_min3A_595 : f32 to vector<16xf32>
        %eq3A_627 = arith.cmpf oeq, %get3A_607, %eq3A_626 : vector<16xf32>
        %and3A_628 = vector.broadcast %and3A_602 : i1 to vector<16xi1>
        %and3A_629 = arith.andi %and3A_628, %and3A : vector<16xi1>
        %and3A_630 = arith.andi %eq3A_627, %and3A_629 : vector<16xi1>
        %eq3A_631 = arith.constant 0 : i32
        %eq3A_632 = vector.broadcast %eq3A_631 : i32 to vector<16xi32>
        %eq3A_633 = arith.cmpi eq, %get3A_613, %eq3A_632 : vector<16xi32>
        %and3A_634 = arith.andi %and3A_630, %eq3A_633 : vector<16xi1>
        %eq3A_635 = vector.broadcast %reduce_min3A_595 : f32 to vector<16xf32>
        %eq3A_636 = arith.cmpf oeq, %get3A_611, %eq3A_635 : vector<16xf32>
        %and3A_637 = vector.broadcast %and3A_602 : i1 to vector<16xi1>
        %and3A_638 = arith.andi %and3A_637, %and3A_72 : vector<16xi1>
        %and3A_639 = arith.andi %eq3A_636, %and3A_638 : vector<16xi1>
        %eq3A_640 = arith.constant 0 : i32
        %eq3A_641 = vector.broadcast %eq3A_640 : i32 to vector<16xi32>
        %eq3A_642 = arith.cmpi eq, %get3A_617, %eq3A_641 : vector<16xi32>
        %and3A_643 = arith.andi %and3A_639, %eq3A_642 : vector<16xi1>
        %jit3A_644 = arith.constant 1073741824 : i32
        %broadcast_in_dim3A_645 = vector.broadcast %jit3A_644 : i32 to vector<16xi32>
        %select_n3A_646 = arith.select %and3A_634, %add3A_622, %broadcast_in_dim3A_645 : vector<16xi1>, vector<16xi32>
        %min3A_647 = arith.minsi %broadcast_in_dim3A_597, %select_n3A_646 : vector<16xi32>
        %jit3A_648 = arith.constant 1073741824 : i32
        %broadcast_in_dim3A_649 = vector.broadcast %jit3A_648 : i32 to vector<16xi32>
        %select_n3A_650 = arith.select %and3A_643, %add3A_625, %broadcast_in_dim3A_649 : vector<16xi1>, vector<16xi32>
        %min3A_651 = arith.minsi %min3A_647, %select_n3A_650 : vector<16xi32>
        %add3A_652 = arith.constant 1 : i32
        %add3A_653 = arith.addi %min3A_48, %add3A_652 : i32
        %ge3A_654 = arith.cmpi sge, %add3A_653, %max3A_32 : i32
        %lt3A_655 = arith.cmpi slt, %add3A_653, %min3A_35 : i32
        %and3A_656 = arith.andi %ge3A_654, %lt3A_655 : i1
        %mul3A_657 = arith.constant 224 : i32
        %mul3A_658 = arith.muli %add3A_653, %mul3A_657 : i32
        %add3A_659 = arith.addi %mul3A_658, %min3A_54 : i32
        %get3A_660 = arith.index_cast %add3A_659 : i32 to index
        %get3A_661 = tpu.vector_load %arg4[%get3A_660] {strides = array<i32>} : memref<50176xf32, #tpu.memory_space<vmem>>, vector<16xf32>,
        %add3A_662 = arith.constant 4 : i32
        %add3A_663 = arith.addi %add3A_659, %add3A_662 : i32
        %get3A_664 = arith.index_cast %add3A_663 : i32 to index
        %get3A_665 = tpu.vector_load %arg4[%get3A_664] {strides = array<i32>} : memref<50176xf32, #tpu.memory_space<vmem>>, vector<16xf32>,
        %get3A_666 = arith.index_cast %add3A_659 : i32 to index
        %get3A_667 = tpu.vector_load %arg5[%get3A_666] {strides = array<i32>} : memref<50176xi32, #tpu.memory_space<vmem>>, vector<16xi32>,
        %add3A_668 = arith.constant 4 : i32
        %add3A_669 = arith.addi %add3A_659, %add3A_668 : i32
        %get3A_670 = arith.index_cast %add3A_669 : i32 to index
        %get3A_671 = tpu.vector_load %arg5[%get3A_670] {strides = array<i32>} : memref<50176xi32, #tpu.memory_space<vmem>>, vector<16xi32>,
        %mul3A_672 = arith.constant 256 : i32
        %mul3A_673 = arith.muli %add3A_653, %mul3A_672 : i32
        %add3A_674 = arith.addi %mul3A_673, %min3A_54 : i32
        %add3A_675 = vector.broadcast %add3A_674 : i32 to vector<16xi32>
        %add3A_676 = arith.addi %add3A_675, %iota3A : vector<16xi32>
        %add3A_677 = arith.constant 4 : i32
        %add3A_678 = vector.broadcast %add3A_677 : i32 to vector<16xi32>
        %add3A_679 = arith.addi %add3A_676, %add3A_678 : vector<16xi32>
        %eq3A_680 = vector.broadcast %reduce_min3A_595 : f32 to vector<16xf32>
        %eq3A_681 = arith.cmpf oeq, %get3A_661, %eq3A_680 : vector<16xf32>
        %and3A_682 = vector.broadcast %and3A_656 : i1 to vector<16xi1>
        %and3A_683 = arith.andi %and3A_682, %and3A : vector<16xi1>
        %and3A_684 = arith.andi %eq3A_681, %and3A_683 : vector<16xi1>
        %eq3A_685 = arith.constant 0 : i32
        %eq3A_686 = vector.broadcast %eq3A_685 : i32 to vector<16xi32>
        %eq3A_687 = arith.cmpi eq, %get3A_667, %eq3A_686 : vector<16xi32>
        %and3A_688 = arith.andi %and3A_684, %eq3A_687 : vector<16xi1>
        %eq3A_689 = vector.broadcast %reduce_min3A_595 : f32 to vector<16xf32>
        %eq3A_690 = arith.cmpf oeq, %get3A_665, %eq3A_689 : vector<16xf32>
        %and3A_691 = vector.broadcast %and3A_656 : i1 to vector<16xi1>
        %and3A_692 = arith.andi %and3A_691, %and3A_72 : vector<16xi1>
        %and3A_693 = arith.andi %eq3A_690, %and3A_692 : vector<16xi1>
        %eq3A_694 = arith.constant 0 : i32
        %eq3A_695 = vector.broadcast %eq3A_694 : i32 to vector<16xi32>
        %eq3A_696 = arith.cmpi eq, %get3A_671, %eq3A_695 : vector<16xi32>
        %and3A_697 = arith.andi %and3A_693, %eq3A_696 : vector<16xi1>
        %jit3A_698 = arith.constant 1073741824 : i32
        %broadcast_in_dim3A_699 = vector.broadcast %jit3A_698 : i32 to vector<16xi32>
        %select_n3A_700 = arith.select %and3A_688, %add3A_676, %broadcast_in_dim3A_699 : vector<16xi1>, vector<16xi32>
        %min3A_701 = arith.minsi %min3A_651, %select_n3A_700 : vector<16xi32>
        %jit3A_702 = arith.constant 1073741824 : i32
        %broadcast_in_dim3A_703 = vector.broadcast %jit3A_702 : i32 to vector<16xi32>
        %select_n3A_704 = arith.select %and3A_697, %add3A_679, %broadcast_in_dim3A_703 : vector<16xi1>, vector<16xi32>
        %min3A_705 = arith.minsi %min3A_701, %select_n3A_704 : vector<16xi32>
        %add3A_706 = arith.constant 2 : i32
        %add3A_707 = arith.addi %min3A_48, %add3A_706 : i32
        %ge3A_708 = arith.cmpi sge, %add3A_707, %max3A_32 : i32
        %lt3A_709 = arith.cmpi slt, %add3A_707, %min3A_35 : i32
        %and3A_710 = arith.andi %ge3A_708, %lt3A_709 : i1
        %mul3A_711 = arith.constant 224 : i32
        %mul3A_712 = arith.muli %add3A_707, %mul3A_711 : i32
        %add3A_713 = arith.addi %mul3A_712, %min3A_54 : i32
        %get3A_714 = arith.index_cast %add3A_713 : i32 to index
        %get3A_715 = tpu.vector_load %arg4[%get3A_714] {strides = array<i32>} : memref<50176xf32, #tpu.memory_space<vmem>>, vector<16xf32>,
        %add3A_716 = arith.constant 4 : i32
        %add3A_717 = arith.addi %add3A_713, %add3A_716 : i32
        %get3A_718 = arith.index_cast %add3A_717 : i32 to index
        %get3A_719 = tpu.vector_load %arg4[%get3A_718] {strides = array<i32>} : memref<50176xf32, #tpu.memory_space<vmem>>, vector<16xf32>,
        %get3A_720 = arith.index_cast %add3A_713 : i32 to index
        %get3A_721 = tpu.vector_load %arg5[%get3A_720] {strides = array<i32>} : memref<50176xi32, #tpu.memory_space<vmem>>, vector<16xi32>,
        %add3A_722 = arith.constant 4 : i32
        %add3A_723 = arith.addi %add3A_713, %add3A_722 : i32
        %get3A_724 = arith.index_cast %add3A_723 : i32 to index
        %get3A_725 = tpu.vector_load %arg5[%get3A_724] {strides = array<i32>} : memref<50176xi32, #tpu.memory_space<vmem>>, vector<16xi32>,
        %mul3A_726 = arith.constant 256 : i32
        %mul3A_727 = arith.muli %add3A_707, %mul3A_726 : i32
        %add3A_728 = arith.addi %mul3A_727, %min3A_54 : i32
        %add3A_729 = vector.broadcast %add3A_728 : i32 to vector<16xi32>
        %add3A_730 = arith.addi %add3A_729, %iota3A : vector<16xi32>
        %add3A_731 = arith.constant 4 : i32
        %add3A_732 = vector.broadcast %add3A_731 : i32 to vector<16xi32>
        %add3A_733 = arith.addi %add3A_730, %add3A_732 : vector<16xi32>
        %eq3A_734 = vector.broadcast %reduce_min3A_595 : f32 to vector<16xf32>
        %eq3A_735 = arith.cmpf oeq, %get3A_715, %eq3A_734 : vector<16xf32>
        %and3A_736 = vector.broadcast %and3A_710 : i1 to vector<16xi1>
        %and3A_737 = arith.andi %and3A_736, %and3A : vector<16xi1>
        %and3A_738 = arith.andi %eq3A_735, %and3A_737 : vector<16xi1>
        %eq3A_739 = arith.constant 0 : i32
        %eq3A_740 = vector.broadcast %eq3A_739 : i32 to vector<16xi32>
        %eq3A_741 = arith.cmpi eq, %get3A_721, %eq3A_740 : vector<16xi32>
        %and3A_742 = arith.andi %and3A_738, %eq3A_741 : vector<16xi1>
        %eq3A_743 = vector.broadcast %reduce_min3A_595 : f32 to vector<16xf32>
        %eq3A_744 = arith.cmpf oeq, %get3A_719, %eq3A_743 : vector<16xf32>
        %and3A_745 = vector.broadcast %and3A_710 : i1 to vector<16xi1>
        %and3A_746 = arith.andi %and3A_745, %and3A_72 : vector<16xi1>
        %and3A_747 = arith.andi %eq3A_744, %and3A_746 : vector<16xi1>
        %eq3A_748 = arith.constant 0 : i32
        %eq3A_749 = vector.broadcast %eq3A_748 : i32 to vector<16xi32>
        %eq3A_750 = arith.cmpi eq, %get3A_725, %eq3A_749 : vector<16xi32>
        %and3A_751 = arith.andi %and3A_747, %eq3A_750 : vector<16xi1>
        %jit3A_752 = arith.constant 1073741824 : i32
        %broadcast_in_dim3A_753 = vector.broadcast %jit3A_752 : i32 to vector<16xi32>
        %select_n3A_754 = arith.select %and3A_742, %add3A_730, %broadcast_in_dim3A_753 : vector<16xi1>, vector<16xi32>
        %min3A_755 = arith.minsi %min3A_705, %select_n3A_754 : vector<16xi32>
        %jit3A_756 = arith.constant 1073741824 : i32
        %broadcast_in_dim3A_757 = vector.broadcast %jit3A_756 : i32 to vector<16xi32>
        %select_n3A_758 = arith.select %and3A_751, %add3A_733, %broadcast_in_dim3A_757 : vector<16xi1>, vector<16xi32>
        %min3A_759 = arith.minsi %min3A_755, %select_n3A_758 : vector<16xi32>
        %add3A_760 = arith.constant 3 : i32
        %add3A_761 = arith.addi %min3A_48, %add3A_760 : i32
        %ge3A_762 = arith.cmpi sge, %add3A_761, %max3A_32 : i32
        %lt3A_763 = arith.cmpi slt, %add3A_761, %min3A_35 : i32
        %and3A_764 = arith.andi %ge3A_762, %lt3A_763 : i1
        %mul3A_765 = arith.constant 224 : i32
        %mul3A_766 = arith.muli %add3A_761, %mul3A_765 : i32
        %add3A_767 = arith.addi %mul3A_766, %min3A_54 : i32
        %get3A_768 = arith.index_cast %add3A_767 : i32 to index
        %get3A_769 = tpu.vector_load %arg4[%get3A_768] {strides = array<i32>} : memref<50176xf32, #tpu.memory_space<vmem>>, vector<16xf32>,
        %add3A_770 = arith.constant 4 : i32
        %add3A_771 = arith.addi %add3A_767, %add3A_770 : i32
        %get3A_772 = arith.index_cast %add3A_771 : i32 to index
        %get3A_773 = tpu.vector_load %arg4[%get3A_772] {strides = array<i32>} : memref<50176xf32, #tpu.memory_space<vmem>>, vector<16xf32>,
        %get3A_774 = arith.index_cast %add3A_767 : i32 to index
        %get3A_775 = tpu.vector_load %arg5[%get3A_774] {strides = array<i32>} : memref<50176xi32, #tpu.memory_space<vmem>>, vector<16xi32>,
        %add3A_776 = arith.constant 4 : i32
        %add3A_777 = arith.addi %add3A_767, %add3A_776 : i32
        %get3A_778 = arith.index_cast %add3A_777 : i32 to index
        %get3A_779 = tpu.vector_load %arg5[%get3A_778] {strides = array<i32>} : memref<50176xi32, #tpu.memory_space<vmem>>, vector<16xi32>,
        %mul3A_780 = arith.constant 256 : i32
        %mul3A_781 = arith.muli %add3A_761, %mul3A_780 : i32
        %add3A_782 = arith.addi %mul3A_781, %min3A_54 : i32
        %add3A_783 = vector.broadcast %add3A_782 : i32 to vector<16xi32>
        %add3A_784 = arith.addi %add3A_783, %iota3A : vector<16xi32>
        %add3A_785 = arith.constant 4 : i32
        %add3A_786 = vector.broadcast %add3A_785 : i32 to vector<16xi32>
        %add3A_787 = arith.addi %add3A_784, %add3A_786 : vector<16xi32>
        %eq3A_788 = vector.broadcast %reduce_min3A_595 : f32 to vector<16xf32>
        %eq3A_789 = arith.cmpf oeq, %get3A_769, %eq3A_788 : vector<16xf32>
        %and3A_790 = vector.broadcast %and3A_764 : i1 to vector<16xi1>
        %and3A_791 = arith.andi %and3A_790, %and3A : vector<16xi1>
        %and3A_792 = arith.andi %eq3A_789, %and3A_791 : vector<16xi1>
        %eq3A_793 = arith.constant 0 : i32
        %eq3A_794 = vector.broadcast %eq3A_793 : i32 to vector<16xi32>
        %eq3A_795 = arith.cmpi eq, %get3A_775, %eq3A_794 : vector<16xi32>
        %and3A_796 = arith.andi %and3A_792, %eq3A_795 : vector<16xi1>
        %eq3A_797 = vector.broadcast %reduce_min3A_595 : f32 to vector<16xf32>
        %eq3A_798 = arith.cmpf oeq, %get3A_773, %eq3A_797 : vector<16xf32>
        %and3A_799 = vector.broadcast %and3A_764 : i1 to vector<16xi1>
        %and3A_800 = arith.andi %and3A_799, %and3A_72 : vector<16xi1>
        %and3A_801 = arith.andi %eq3A_798, %and3A_800 : vector<16xi1>
        %eq3A_802 = arith.constant 0 : i32
        %eq3A_803 = vector.broadcast %eq3A_802 : i32 to vector<16xi32>
        %eq3A_804 = arith.cmpi eq, %get3A_779, %eq3A_803 : vector<16xi32>
        %and3A_805 = arith.andi %and3A_801, %eq3A_804 : vector<16xi1>
        %jit3A_806 = arith.constant 1073741824 : i32
        %broadcast_in_dim3A_807 = vector.broadcast %jit3A_806 : i32 to vector<16xi32>
        %select_n3A_808 = arith.select %and3A_796, %add3A_784, %broadcast_in_dim3A_807 : vector<16xi1>, vector<16xi32>
        %min3A_809 = arith.minsi %min3A_759, %select_n3A_808 : vector<16xi32>
        %jit3A_810 = arith.constant 1073741824 : i32
        %broadcast_in_dim3A_811 = vector.broadcast %jit3A_810 : i32 to vector<16xi32>
        %select_n3A_812 = arith.select %and3A_805, %add3A_787, %broadcast_in_dim3A_811 : vector<16xi1>, vector<16xi32>
        %min3A_813 = arith.minsi %min3A_809, %select_n3A_812 : vector<16xi32>
        %add3A_814 = arith.constant 4 : i32
        %add3A_815 = arith.addi %min3A_48, %add3A_814 : i32
        %ge3A_816 = arith.cmpi sge, %add3A_815, %max3A_32 : i32
        %lt3A_817 = arith.cmpi slt, %add3A_815, %min3A_35 : i32
        %and3A_818 = arith.andi %ge3A_816, %lt3A_817 : i1
        %mul3A_819 = arith.constant 224 : i32
        %mul3A_820 = arith.muli %add3A_815, %mul3A_819 : i32
        %add3A_821 = arith.addi %mul3A_820, %min3A_54 : i32
        %get3A_822 = arith.index_cast %add3A_821 : i32 to index
        %get3A_823 = tpu.vector_load %arg4[%get3A_822] {strides = array<i32>} : memref<50176xf32, #tpu.memory_space<vmem>>, vector<16xf32>,
        %add3A_824 = arith.constant 4 : i32
        %add3A_825 = arith.addi %add3A_821, %add3A_824 : i32
        %get3A_826 = arith.index_cast %add3A_825 : i32 to index
        %get3A_827 = tpu.vector_load %arg4[%get3A_826] {strides = array<i32>} : memref<50176xf32, #tpu.memory_space<vmem>>, vector<16xf32>,
        %get3A_828 = arith.index_cast %add3A_821 : i32 to index
        %get3A_829 = tpu.vector_load %arg5[%get3A_828] {strides = array<i32>} : memref<50176xi32, #tpu.memory_space<vmem>>, vector<16xi32>,
        %add3A_830 = arith.constant 4 : i32
        %add3A_831 = arith.addi %add3A_821, %add3A_830 : i32
        %get3A_832 = arith.index_cast %add3A_831 : i32 to index
        %get3A_833 = tpu.vector_load %arg5[%get3A_832] {strides = array<i32>} : memref<50176xi32, #tpu.memory_space<vmem>>, vector<16xi32>,
        %mul3A_834 = arith.constant 256 : i32
        %mul3A_835 = arith.muli %add3A_815, %mul3A_834 : i32
        %add3A_836 = arith.addi %mul3A_835, %min3A_54 : i32
        %add3A_837 = vector.broadcast %add3A_836 : i32 to vector<16xi32>
        %add3A_838 = arith.addi %add3A_837, %iota3A : vector<16xi32>
        %add3A_839 = arith.constant 4 : i32
        %add3A_840 = vector.broadcast %add3A_839 : i32 to vector<16xi32>
        %add3A_841 = arith.addi %add3A_838, %add3A_840 : vector<16xi32>
        %eq3A_842 = vector.broadcast %reduce_min3A_595 : f32 to vector<16xf32>
        %eq3A_843 = arith.cmpf oeq, %get3A_823, %eq3A_842 : vector<16xf32>
        %and3A_844 = vector.broadcast %and3A_818 : i1 to vector<16xi1>
        %and3A_845 = arith.andi %and3A_844, %and3A : vector<16xi1>
        %and3A_846 = arith.andi %eq3A_843, %and3A_845 : vector<16xi1>
        %eq3A_847 = arith.constant 0 : i32
        %eq3A_848 = vector.broadcast %eq3A_847 : i32 to vector<16xi32>
        %eq3A_849 = arith.cmpi eq, %get3A_829, %eq3A_848 : vector<16xi32>
        %and3A_850 = arith.andi %and3A_846, %eq3A_849 : vector<16xi1>
        %eq3A_851 = vector.broadcast %reduce_min3A_595 : f32 to vector<16xf32>
        %eq3A_852 = arith.cmpf oeq, %get3A_827, %eq3A_851 : vector<16xf32>
        %and3A_853 = vector.broadcast %and3A_818 : i1 to vector<16xi1>
        %and3A_854 = arith.andi %and3A_853, %and3A_72 : vector<16xi1>
        %and3A_855 = arith.andi %eq3A_852, %and3A_854 : vector<16xi1>
        %eq3A_856 = arith.constant 0 : i32
        %eq3A_857 = vector.broadcast %eq3A_856 : i32 to vector<16xi32>
        %eq3A_858 = arith.cmpi eq, %get3A_833, %eq3A_857 : vector<16xi32>
        %and3A_859 = arith.andi %and3A_855, %eq3A_858 : vector<16xi1>
        %jit3A_860 = arith.constant 1073741824 : i32
        %broadcast_in_dim3A_861 = vector.broadcast %jit3A_860 : i32 to vector<16xi32>
        %select_n3A_862 = arith.select %and3A_850, %add3A_838, %broadcast_in_dim3A_861 : vector<16xi1>, vector<16xi32>
        %min3A_863 = arith.minsi %min3A_813, %select_n3A_862 : vector<16xi32>
        %jit3A_864 = arith.constant 1073741824 : i32
        %broadcast_in_dim3A_865 = vector.broadcast %jit3A_864 : i32 to vector<16xi32>
        %select_n3A_866 = arith.select %and3A_859, %add3A_841, %broadcast_in_dim3A_865 : vector<16xi1>, vector<16xi32>
        %min3A_867 = arith.minsi %min3A_863, %select_n3A_866 : vector<16xi32>
        %add3A_868 = arith.constant 5 : i32
        %add3A_869 = arith.addi %min3A_48, %add3A_868 : i32
        %ge3A_870 = arith.cmpi sge, %add3A_869, %max3A_32 : i32
        %lt3A_871 = arith.cmpi slt, %add3A_869, %min3A_35 : i32
        %and3A_872 = arith.andi %ge3A_870, %lt3A_871 : i1
        %mul3A_873 = arith.constant 224 : i32
        %mul3A_874 = arith.muli %add3A_869, %mul3A_873 : i32
        %add3A_875 = arith.addi %mul3A_874, %min3A_54 : i32
        %get3A_876 = arith.index_cast %add3A_875 : i32 to index
        %get3A_877 = tpu.vector_load %arg4[%get3A_876] {strides = array<i32>} : memref<50176xf32, #tpu.memory_space<vmem>>, vector<16xf32>,
        %add3A_878 = arith.constant 4 : i32
        %add3A_879 = arith.addi %add3A_875, %add3A_878 : i32
        %get3A_880 = arith.index_cast %add3A_879 : i32 to index
        %get3A_881 = tpu.vector_load %arg4[%get3A_880] {strides = array<i32>} : memref<50176xf32, #tpu.memory_space<vmem>>, vector<16xf32>,
        %get3A_882 = arith.index_cast %add3A_875 : i32 to index
        %get3A_883 = tpu.vector_load %arg5[%get3A_882] {strides = array<i32>} : memref<50176xi32, #tpu.memory_space<vmem>>, vector<16xi32>,
        %add3A_884 = arith.constant 4 : i32
        %add3A_885 = arith.addi %add3A_875, %add3A_884 : i32
        %get3A_886 = arith.index_cast %add3A_885 : i32 to index
        %get3A_887 = tpu.vector_load %arg5[%get3A_886] {strides = array<i32>} : memref<50176xi32, #tpu.memory_space<vmem>>, vector<16xi32>,
        %mul3A_888 = arith.constant 256 : i32
        %mul3A_889 = arith.muli %add3A_869, %mul3A_888 : i32
        %add3A_890 = arith.addi %mul3A_889, %min3A_54 : i32
        %add3A_891 = vector.broadcast %add3A_890 : i32 to vector<16xi32>
        %add3A_892 = arith.addi %add3A_891, %iota3A : vector<16xi32>
        %add3A_893 = arith.constant 4 : i32
        %add3A_894 = vector.broadcast %add3A_893 : i32 to vector<16xi32>
        %add3A_895 = arith.addi %add3A_892, %add3A_894 : vector<16xi32>
        %eq3A_896 = vector.broadcast %reduce_min3A_595 : f32 to vector<16xf32>
        %eq3A_897 = arith.cmpf oeq, %get3A_877, %eq3A_896 : vector<16xf32>
        %and3A_898 = vector.broadcast %and3A_872 : i1 to vector<16xi1>
        %and3A_899 = arith.andi %and3A_898, %and3A : vector<16xi1>
        %and3A_900 = arith.andi %eq3A_897, %and3A_899 : vector<16xi1>
        %eq3A_901 = arith.constant 0 : i32
        %eq3A_902 = vector.broadcast %eq3A_901 : i32 to vector<16xi32>
        %eq3A_903 = arith.cmpi eq, %get3A_883, %eq3A_902 : vector<16xi32>
        %and3A_904 = arith.andi %and3A_900, %eq3A_903 : vector<16xi1>
        %eq3A_905 = vector.broadcast %reduce_min3A_595 : f32 to vector<16xf32>
        %eq3A_906 = arith.cmpf oeq, %get3A_881, %eq3A_905 : vector<16xf32>
        %and3A_907 = vector.broadcast %and3A_872 : i1 to vector<16xi1>
        %and3A_908 = arith.andi %and3A_907, %and3A_72 : vector<16xi1>
        %and3A_909 = arith.andi %eq3A_906, %and3A_908 : vector<16xi1>
        %eq3A_910 = arith.constant 0 : i32
        %eq3A_911 = vector.broadcast %eq3A_910 : i32 to vector<16xi32>
        %eq3A_912 = arith.cmpi eq, %get3A_887, %eq3A_911 : vector<16xi32>
        %and3A_913 = arith.andi %and3A_909, %eq3A_912 : vector<16xi1>
        %jit3A_914 = arith.constant 1073741824 : i32
        %broadcast_in_dim3A_915 = vector.broadcast %jit3A_914 : i32 to vector<16xi32>
        %select_n3A_916 = arith.select %and3A_904, %add3A_892, %broadcast_in_dim3A_915 : vector<16xi1>, vector<16xi32>
        %min3A_917 = arith.minsi %min3A_867, %select_n3A_916 : vector<16xi32>
        %jit3A_918 = arith.constant 1073741824 : i32
        %broadcast_in_dim3A_919 = vector.broadcast %jit3A_918 : i32 to vector<16xi32>
        %select_n3A_920 = arith.select %and3A_913, %add3A_895, %broadcast_in_dim3A_919 : vector<16xi1>, vector<16xi32>
        %min3A_921 = arith.minsi %min3A_917, %select_n3A_920 : vector<16xi32>
        %add3A_922 = arith.constant 6 : i32
        %add3A_923 = arith.addi %min3A_48, %add3A_922 : i32
        %ge3A_924 = arith.cmpi sge, %add3A_923, %max3A_32 : i32
        %lt3A_925 = arith.cmpi slt, %add3A_923, %min3A_35 : i32
        %and3A_926 = arith.andi %ge3A_924, %lt3A_925 : i1
        %mul3A_927 = arith.constant 224 : i32
        %mul3A_928 = arith.muli %add3A_923, %mul3A_927 : i32
        %add3A_929 = arith.addi %mul3A_928, %min3A_54 : i32
        %get3A_930 = arith.index_cast %add3A_929 : i32 to index
        %get3A_931 = tpu.vector_load %arg4[%get3A_930] {strides = array<i32>} : memref<50176xf32, #tpu.memory_space<vmem>>, vector<16xf32>,
        %add3A_932 = arith.constant 4 : i32
        %add3A_933 = arith.addi %add3A_929, %add3A_932 : i32
        %get3A_934 = arith.index_cast %add3A_933 : i32 to index
        %get3A_935 = tpu.vector_load %arg4[%get3A_934] {strides = array<i32>} : memref<50176xf32, #tpu.memory_space<vmem>>, vector<16xf32>,
        %get3A_936 = arith.index_cast %add3A_929 : i32 to index
        %get3A_937 = tpu.vector_load %arg5[%get3A_936] {strides = array<i32>} : memref<50176xi32, #tpu.memory_space<vmem>>, vector<16xi32>,
        %add3A_938 = arith.constant 4 : i32
        %add3A_939 = arith.addi %add3A_929, %add3A_938 : i32
        %get3A_940 = arith.index_cast %add3A_939 : i32 to index
        %get3A_941 = tpu.vector_load %arg5[%get3A_940] {strides = array<i32>} : memref<50176xi32, #tpu.memory_space<vmem>>, vector<16xi32>,
        %mul3A_942 = arith.constant 256 : i32
        %mul3A_943 = arith.muli %add3A_923, %mul3A_942 : i32
        %add3A_944 = arith.addi %mul3A_943, %min3A_54 : i32
        %add3A_945 = vector.broadcast %add3A_944 : i32 to vector<16xi32>
        %add3A_946 = arith.addi %add3A_945, %iota3A : vector<16xi32>
        %add3A_947 = arith.constant 4 : i32
        %add3A_948 = vector.broadcast %add3A_947 : i32 to vector<16xi32>
        %add3A_949 = arith.addi %add3A_946, %add3A_948 : vector<16xi32>
        %eq3A_950 = vector.broadcast %reduce_min3A_595 : f32 to vector<16xf32>
        %eq3A_951 = arith.cmpf oeq, %get3A_931, %eq3A_950 : vector<16xf32>
        %and3A_952 = vector.broadcast %and3A_926 : i1 to vector<16xi1>
        %and3A_953 = arith.andi %and3A_952, %and3A : vector<16xi1>
        %and3A_954 = arith.andi %eq3A_951, %and3A_953 : vector<16xi1>
        %eq3A_955 = arith.constant 0 : i32
        %eq3A_956 = vector.broadcast %eq3A_955 : i32 to vector<16xi32>
        %eq3A_957 = arith.cmpi eq, %get3A_937, %eq3A_956 : vector<16xi32>
        %and3A_958 = arith.andi %and3A_954, %eq3A_957 : vector<16xi1>
        %eq3A_959 = vector.broadcast %reduce_min3A_595 : f32 to vector<16xf32>
        %eq3A_960 = arith.cmpf oeq, %get3A_935, %eq3A_959 : vector<16xf32>
        %and3A_961 = vector.broadcast %and3A_926 : i1 to vector<16xi1>
        %and3A_962 = arith.andi %and3A_961, %and3A_72 : vector<16xi1>
        %and3A_963 = arith.andi %eq3A_960, %and3A_962 : vector<16xi1>
        %eq3A_964 = arith.constant 0 : i32
        %eq3A_965 = vector.broadcast %eq3A_964 : i32 to vector<16xi32>
        %eq3A_966 = arith.cmpi eq, %get3A_941, %eq3A_965 : vector<16xi32>
        %and3A_967 = arith.andi %and3A_963, %eq3A_966 : vector<16xi1>
        %jit3A_968 = arith.constant 1073741824 : i32
        %broadcast_in_dim3A_969 = vector.broadcast %jit3A_968 : i32 to vector<16xi32>
        %select_n3A_970 = arith.select %and3A_958, %add3A_946, %broadcast_in_dim3A_969 : vector<16xi1>, vector<16xi32>
        %min3A_971 = arith.minsi %min3A_921, %select_n3A_970 : vector<16xi32>
        %jit3A_972 = arith.constant 1073741824 : i32
        %broadcast_in_dim3A_973 = vector.broadcast %jit3A_972 : i32 to vector<16xi32>
        %select_n3A_974 = arith.select %and3A_967, %add3A_949, %broadcast_in_dim3A_973 : vector<16xi1>, vector<16xi32>
        %min3A_975 = arith.minsi %min3A_971, %select_n3A_974 : vector<16xi32>
        %add3A_976 = arith.constant 7 : i32
        %add3A_977 = arith.addi %min3A_48, %add3A_976 : i32
        %ge3A_978 = arith.cmpi sge, %add3A_977, %max3A_32 : i32
        %lt3A_979 = arith.cmpi slt, %add3A_977, %min3A_35 : i32
        %and3A_980 = arith.andi %ge3A_978, %lt3A_979 : i1
        %mul3A_981 = arith.constant 224 : i32
        %mul3A_982 = arith.muli %add3A_977, %mul3A_981 : i32
        %add3A_983 = arith.addi %mul3A_982, %min3A_54 : i32
        %get3A_984 = arith.index_cast %add3A_983 : i32 to index
        %get3A_985 = tpu.vector_load %arg4[%get3A_984] {strides = array<i32>} : memref<50176xf32, #tpu.memory_space<vmem>>, vector<16xf32>,
        %add3A_986 = arith.constant 4 : i32
        %add3A_987 = arith.addi %add3A_983, %add3A_986 : i32
        %get3A_988 = arith.index_cast %add3A_987 : i32 to index
        %get3A_989 = tpu.vector_load %arg4[%get3A_988] {strides = array<i32>} : memref<50176xf32, #tpu.memory_space<vmem>>, vector<16xf32>,
        %get3A_990 = arith.index_cast %add3A_983 : i32 to index
        %get3A_991 = tpu.vector_load %arg5[%get3A_990] {strides = array<i32>} : memref<50176xi32, #tpu.memory_space<vmem>>, vector<16xi32>,
        %add3A_992 = arith.constant 4 : i32
        %add3A_993 = arith.addi %add3A_983, %add3A_992 : i32
        %get3A_994 = arith.index_cast %add3A_993 : i32 to index
        %get3A_995 = tpu.vector_load %arg5[%get3A_994] {strides = array<i32>} : memref<50176xi32, #tpu.memory_space<vmem>>, vector<16xi32>,
        %mul3A_996 = arith.constant 256 : i32
        %mul3A_997 = arith.muli %add3A_977, %mul3A_996 : i32
        %add3A_998 = arith.addi %mul3A_997, %min3A_54 : i32
        %add3A_999 = vector.broadcast %add3A_998 : i32 to vector<16xi32>
        %add3A_1000 = arith.addi %add3A_999, %iota3A : vector<16xi32>
        %add3A_1001 = arith.constant 4 : i32
        %add3A_1002 = vector.broadcast %add3A_1001 : i32 to vector<16xi32>
        %add3A_1003 = arith.addi %add3A_1000, %add3A_1002 : vector<16xi32>
        %eq3A_1004 = vector.broadcast %reduce_min3A_595 : f32 to vector<16xf32>
        %eq3A_1005 = arith.cmpf oeq, %get3A_985, %eq3A_1004 : vector<16xf32>
        %and3A_1006 = vector.broadcast %and3A_980 : i1 to vector<16xi1>
        %and3A_1007 = arith.andi %and3A_1006, %and3A : vector<16xi1>
        %and3A_1008 = arith.andi %eq3A_1005, %and3A_1007 : vector<16xi1>
        %eq3A_1009 = arith.constant 0 : i32
        %eq3A_1010 = vector.broadcast %eq3A_1009 : i32 to vector<16xi32>
        %eq3A_1011 = arith.cmpi eq, %get3A_991, %eq3A_1010 : vector<16xi32>
        %and3A_1012 = arith.andi %and3A_1008, %eq3A_1011 : vector<16xi1>
        %eq3A_1013 = vector.broadcast %reduce_min3A_595 : f32 to vector<16xf32>
        %eq3A_1014 = arith.cmpf oeq, %get3A_989, %eq3A_1013 : vector<16xf32>
        %and3A_1015 = vector.broadcast %and3A_980 : i1 to vector<16xi1>
        %and3A_1016 = arith.andi %and3A_1015, %and3A_72 : vector<16xi1>
        %and3A_1017 = arith.andi %eq3A_1014, %and3A_1016 : vector<16xi1>
        %eq3A_1018 = arith.constant 0 : i32
        %eq3A_1019 = vector.broadcast %eq3A_1018 : i32 to vector<16xi32>
        %eq3A_1020 = arith.cmpi eq, %get3A_995, %eq3A_1019 : vector<16xi32>
        %and3A_1021 = arith.andi %and3A_1017, %eq3A_1020 : vector<16xi1>
        %jit3A_1022 = arith.constant 1073741824 : i32
        %broadcast_in_dim3A_1023 = vector.broadcast %jit3A_1022 : i32 to vector<16xi32>
        %select_n3A_1024 = arith.select %and3A_1012, %add3A_1000, %broadcast_in_dim3A_1023 : vector<16xi1>, vector<16xi32>
        %min3A_1025 = arith.minsi %min3A_975, %select_n3A_1024 : vector<16xi32>
        %jit3A_1026 = arith.constant 1073741824 : i32
        %broadcast_in_dim3A_1027 = vector.broadcast %jit3A_1026 : i32 to vector<16xi32>
        %select_n3A_1028 = arith.select %and3A_1021, %add3A_1003, %broadcast_in_dim3A_1027 : vector<16xi1>, vector<16xi32>
        %min3A_1029 = arith.minsi %min3A_1025, %select_n3A_1028 : vector<16xi32>
        %add3A_1030 = arith.constant 8 : i32
        %add3A_1031 = arith.addi %min3A_48, %add3A_1030 : i32
        %ge3A_1032 = arith.cmpi sge, %add3A_1031, %max3A_32 : i32
        %lt3A_1033 = arith.cmpi slt, %add3A_1031, %min3A_35 : i32
        %and3A_1034 = arith.andi %ge3A_1032, %lt3A_1033 : i1
        %mul3A_1035 = arith.constant 224 : i32
        %mul3A_1036 = arith.muli %add3A_1031, %mul3A_1035 : i32
        %add3A_1037 = arith.addi %mul3A_1036, %min3A_54 : i32
        %get3A_1038 = arith.index_cast %add3A_1037 : i32 to index
        %get3A_1039 = tpu.vector_load %arg4[%get3A_1038] {strides = array<i32>} : memref<50176xf32, #tpu.memory_space<vmem>>, vector<16xf32>,
        %add3A_1040 = arith.constant 4 : i32
        %add3A_1041 = arith.addi %add3A_1037, %add3A_1040 : i32
        %get3A_1042 = arith.index_cast %add3A_1041 : i32 to index
        %get3A_1043 = tpu.vector_load %arg4[%get3A_1042] {strides = array<i32>} : memref<50176xf32, #tpu.memory_space<vmem>>, vector<16xf32>,
        %get3A_1044 = arith.index_cast %add3A_1037 : i32 to index
        %get3A_1045 = tpu.vector_load %arg5[%get3A_1044] {strides = array<i32>} : memref<50176xi32, #tpu.memory_space<vmem>>, vector<16xi32>,
        %add3A_1046 = arith.constant 4 : i32
        %add3A_1047 = arith.addi %add3A_1037, %add3A_1046 : i32
        %get3A_1048 = arith.index_cast %add3A_1047 : i32 to index
        %get3A_1049 = tpu.vector_load %arg5[%get3A_1048] {strides = array<i32>} : memref<50176xi32, #tpu.memory_space<vmem>>, vector<16xi32>,
        %mul3A_1050 = arith.constant 256 : i32
        %mul3A_1051 = arith.muli %add3A_1031, %mul3A_1050 : i32
        %add3A_1052 = arith.addi %mul3A_1051, %min3A_54 : i32
        %add3A_1053 = vector.broadcast %add3A_1052 : i32 to vector<16xi32>
        %add3A_1054 = arith.addi %add3A_1053, %iota3A : vector<16xi32>
        %add3A_1055 = arith.constant 4 : i32
        %add3A_1056 = vector.broadcast %add3A_1055 : i32 to vector<16xi32>
        %add3A_1057 = arith.addi %add3A_1054, %add3A_1056 : vector<16xi32>
        %eq3A_1058 = vector.broadcast %reduce_min3A_595 : f32 to vector<16xf32>
        %eq3A_1059 = arith.cmpf oeq, %get3A_1039, %eq3A_1058 : vector<16xf32>
        %and3A_1060 = vector.broadcast %and3A_1034 : i1 to vector<16xi1>
        %and3A_1061 = arith.andi %and3A_1060, %and3A : vector<16xi1>
        %and3A_1062 = arith.andi %eq3A_1059, %and3A_1061 : vector<16xi1>
        %eq3A_1063 = arith.constant 0 : i32
        %eq3A_1064 = vector.broadcast %eq3A_1063 : i32 to vector<16xi32>
        %eq3A_1065 = arith.cmpi eq, %get3A_1045, %eq3A_1064 : vector<16xi32>
        %and3A_1066 = arith.andi %and3A_1062, %eq3A_1065 : vector<16xi1>
        %eq3A_1067 = vector.broadcast %reduce_min3A_595 : f32 to vector<16xf32>
        %eq3A_1068 = arith.cmpf oeq, %get3A_1043, %eq3A_1067 : vector<16xf32>
        %and3A_1069 = vector.broadcast %and3A_1034 : i1 to vector<16xi1>
        %and3A_1070 = arith.andi %and3A_1069, %and3A_72 : vector<16xi1>
        %and3A_1071 = arith.andi %eq3A_1068, %and3A_1070 : vector<16xi1>
        %eq3A_1072 = arith.constant 0 : i32
        %eq3A_1073 = vector.broadcast %eq3A_1072 : i32 to vector<16xi32>
        %eq3A_1074 = arith.cmpi eq, %get3A_1049, %eq3A_1073 : vector<16xi32>
        %and3A_1075 = arith.andi %and3A_1071, %eq3A_1074 : vector<16xi1>
        %jit3A_1076 = arith.constant 1073741824 : i32
        %broadcast_in_dim3A_1077 = vector.broadcast %jit3A_1076 : i32 to vector<16xi32>
        %select_n3A_1078 = arith.select %and3A_1066, %add3A_1054, %broadcast_in_dim3A_1077 : vector<16xi1>, vector<16xi32>
        %min3A_1079 = arith.minsi %min3A_1029, %select_n3A_1078 : vector<16xi32>
        %jit3A_1080 = arith.constant 1073741824 : i32
        %broadcast_in_dim3A_1081 = vector.broadcast %jit3A_1080 : i32 to vector<16xi32>
        %select_n3A_1082 = arith.select %and3A_1075, %add3A_1057, %broadcast_in_dim3A_1081 : vector<16xi1>, vector<16xi32>
        %min3A_1083 = arith.minsi %min3A_1079, %select_n3A_1082 : vector<16xi32>
        %add3A_1084 = arith.constant 9 : i32
        %add3A_1085 = arith.addi %min3A_48, %add3A_1084 : i32
        %ge3A_1086 = arith.cmpi sge, %add3A_1085, %max3A_32 : i32
        %lt3A_1087 = arith.cmpi slt, %add3A_1085, %min3A_35 : i32
        %and3A_1088 = arith.andi %ge3A_1086, %lt3A_1087 : i1
        %mul3A_1089 = arith.constant 224 : i32
        %mul3A_1090 = arith.muli %add3A_1085, %mul3A_1089 : i32
        %add3A_1091 = arith.addi %mul3A_1090, %min3A_54 : i32
        %get3A_1092 = arith.index_cast %add3A_1091 : i32 to index
        %get3A_1093 = tpu.vector_load %arg4[%get3A_1092] {strides = array<i32>} : memref<50176xf32, #tpu.memory_space<vmem>>, vector<16xf32>,
        %add3A_1094 = arith.constant 4 : i32
        %add3A_1095 = arith.addi %add3A_1091, %add3A_1094 : i32
        %get3A_1096 = arith.index_cast %add3A_1095 : i32 to index
        %get3A_1097 = tpu.vector_load %arg4[%get3A_1096] {strides = array<i32>} : memref<50176xf32, #tpu.memory_space<vmem>>, vector<16xf32>,
        %get3A_1098 = arith.index_cast %add3A_1091 : i32 to index
        %get3A_1099 = tpu.vector_load %arg5[%get3A_1098] {strides = array<i32>} : memref<50176xi32, #tpu.memory_space<vmem>>, vector<16xi32>,
        %add3A_1100 = arith.constant 4 : i32
        %add3A_1101 = arith.addi %add3A_1091, %add3A_1100 : i32
        %get3A_1102 = arith.index_cast %add3A_1101 : i32 to index
        %get3A_1103 = tpu.vector_load %arg5[%get3A_1102] {strides = array<i32>} : memref<50176xi32, #tpu.memory_space<vmem>>, vector<16xi32>,
        %mul3A_1104 = arith.constant 256 : i32
        %mul3A_1105 = arith.muli %add3A_1085, %mul3A_1104 : i32
        %add3A_1106 = arith.addi %mul3A_1105, %min3A_54 : i32
        %add3A_1107 = vector.broadcast %add3A_1106 : i32 to vector<16xi32>
        %add3A_1108 = arith.addi %add3A_1107, %iota3A : vector<16xi32>
        %add3A_1109 = arith.constant 4 : i32
        %add3A_1110 = vector.broadcast %add3A_1109 : i32 to vector<16xi32>
        %add3A_1111 = arith.addi %add3A_1108, %add3A_1110 : vector<16xi32>
        %eq3A_1112 = vector.broadcast %reduce_min3A_595 : f32 to vector<16xf32>
        %eq3A_1113 = arith.cmpf oeq, %get3A_1093, %eq3A_1112 : vector<16xf32>
        %and3A_1114 = vector.broadcast %and3A_1088 : i1 to vector<16xi1>
        %and3A_1115 = arith.andi %and3A_1114, %and3A : vector<16xi1>
        %and3A_1116 = arith.andi %eq3A_1113, %and3A_1115 : vector<16xi1>
        %eq3A_1117 = arith.constant 0 : i32
        %eq3A_1118 = vector.broadcast %eq3A_1117 : i32 to vector<16xi32>
        %eq3A_1119 = arith.cmpi eq, %get3A_1099, %eq3A_1118 : vector<16xi32>
        %and3A_1120 = arith.andi %and3A_1116, %eq3A_1119 : vector<16xi1>
        %eq3A_1121 = vector.broadcast %reduce_min3A_595 : f32 to vector<16xf32>
        %eq3A_1122 = arith.cmpf oeq, %get3A_1097, %eq3A_1121 : vector<16xf32>
        %and3A_1123 = vector.broadcast %and3A_1088 : i1 to vector<16xi1>
        %and3A_1124 = arith.andi %and3A_1123, %and3A_72 : vector<16xi1>
        %and3A_1125 = arith.andi %eq3A_1122, %and3A_1124 : vector<16xi1>
        %eq3A_1126 = arith.constant 0 : i32
        %eq3A_1127 = vector.broadcast %eq3A_1126 : i32 to vector<16xi32>
        %eq3A_1128 = arith.cmpi eq, %get3A_1103, %eq3A_1127 : vector<16xi32>
        %and3A_1129 = arith.andi %and3A_1125, %eq3A_1128 : vector<16xi1>
        %jit3A_1130 = arith.constant 1073741824 : i32
        %broadcast_in_dim3A_1131 = vector.broadcast %jit3A_1130 : i32 to vector<16xi32>
        %select_n3A_1132 = arith.select %and3A_1120, %add3A_1108, %broadcast_in_dim3A_1131 : vector<16xi1>, vector<16xi32>
        %min3A_1133 = arith.minsi %min3A_1083, %select_n3A_1132 : vector<16xi32>
        %jit3A_1134 = arith.constant 1073741824 : i32
        %broadcast_in_dim3A_1135 = vector.broadcast %jit3A_1134 : i32 to vector<16xi32>
        %select_n3A_1136 = arith.select %and3A_1129, %add3A_1111, %broadcast_in_dim3A_1135 : vector<16xi1>, vector<16xi32>
        %min3A_1137 = arith.minsi %min3A_1133, %select_n3A_1136 : vector<16xi32>
        %add3A_1138 = arith.constant 10 : i32
        %add3A_1139 = arith.addi %min3A_48, %add3A_1138 : i32
        %ge3A_1140 = arith.cmpi sge, %add3A_1139, %max3A_32 : i32
        %lt3A_1141 = arith.cmpi slt, %add3A_1139, %min3A_35 : i32
        %and3A_1142 = arith.andi %ge3A_1140, %lt3A_1141 : i1
        %mul3A_1143 = arith.constant 224 : i32
        %mul3A_1144 = arith.muli %add3A_1139, %mul3A_1143 : i32
        %add3A_1145 = arith.addi %mul3A_1144, %min3A_54 : i32
        %get3A_1146 = arith.index_cast %add3A_1145 : i32 to index
        %get3A_1147 = tpu.vector_load %arg4[%get3A_1146] {strides = array<i32>} : memref<50176xf32, #tpu.memory_space<vmem>>, vector<16xf32>,
        %add3A_1148 = arith.constant 4 : i32
        %add3A_1149 = arith.addi %add3A_1145, %add3A_1148 : i32
        %get3A_1150 = arith.index_cast %add3A_1149 : i32 to index
        %get3A_1151 = tpu.vector_load %arg4[%get3A_1150] {strides = array<i32>} : memref<50176xf32, #tpu.memory_space<vmem>>, vector<16xf32>,
        %get3A_1152 = arith.index_cast %add3A_1145 : i32 to index
        %get3A_1153 = tpu.vector_load %arg5[%get3A_1152] {strides = array<i32>} : memref<50176xi32, #tpu.memory_space<vmem>>, vector<16xi32>,
        %add3A_1154 = arith.constant 4 : i32
        %add3A_1155 = arith.addi %add3A_1145, %add3A_1154 : i32
        %get3A_1156 = arith.index_cast %add3A_1155 : i32 to index
        %get3A_1157 = tpu.vector_load %arg5[%get3A_1156] {strides = array<i32>} : memref<50176xi32, #tpu.memory_space<vmem>>, vector<16xi32>,
        %mul3A_1158 = arith.constant 256 : i32
        %mul3A_1159 = arith.muli %add3A_1139, %mul3A_1158 : i32
        %add3A_1160 = arith.addi %mul3A_1159, %min3A_54 : i32
        %add3A_1161 = vector.broadcast %add3A_1160 : i32 to vector<16xi32>
        %add3A_1162 = arith.addi %add3A_1161, %iota3A : vector<16xi32>
        %add3A_1163 = arith.constant 4 : i32
        %add3A_1164 = vector.broadcast %add3A_1163 : i32 to vector<16xi32>
        %add3A_1165 = arith.addi %add3A_1162, %add3A_1164 : vector<16xi32>
        %eq3A_1166 = vector.broadcast %reduce_min3A_595 : f32 to vector<16xf32>
        %eq3A_1167 = arith.cmpf oeq, %get3A_1147, %eq3A_1166 : vector<16xf32>
        %and3A_1168 = vector.broadcast %and3A_1142 : i1 to vector<16xi1>
        %and3A_1169 = arith.andi %and3A_1168, %and3A : vector<16xi1>
        %and3A_1170 = arith.andi %eq3A_1167, %and3A_1169 : vector<16xi1>
        %eq3A_1171 = arith.constant 0 : i32
        %eq3A_1172 = vector.broadcast %eq3A_1171 : i32 to vector<16xi32>
        %eq3A_1173 = arith.cmpi eq, %get3A_1153, %eq3A_1172 : vector<16xi32>
        %and3A_1174 = arith.andi %and3A_1170, %eq3A_1173 : vector<16xi1>
        %eq3A_1175 = vector.broadcast %reduce_min3A_595 : f32 to vector<16xf32>
        %eq3A_1176 = arith.cmpf oeq, %get3A_1151, %eq3A_1175 : vector<16xf32>
        %and3A_1177 = vector.broadcast %and3A_1142 : i1 to vector<16xi1>
        %and3A_1178 = arith.andi %and3A_1177, %and3A_72 : vector<16xi1>
        %and3A_1179 = arith.andi %eq3A_1176, %and3A_1178 : vector<16xi1>
        %eq3A_1180 = arith.constant 0 : i32
        %eq3A_1181 = vector.broadcast %eq3A_1180 : i32 to vector<16xi32>
        %eq3A_1182 = arith.cmpi eq, %get3A_1157, %eq3A_1181 : vector<16xi32>
        %and3A_1183 = arith.andi %and3A_1179, %eq3A_1182 : vector<16xi1>
        %jit3A_1184 = arith.constant 1073741824 : i32
        %broadcast_in_dim3A_1185 = vector.broadcast %jit3A_1184 : i32 to vector<16xi32>
        %select_n3A_1186 = arith.select %and3A_1174, %add3A_1162, %broadcast_in_dim3A_1185 : vector<16xi1>, vector<16xi32>
        %min3A_1187 = arith.minsi %min3A_1137, %select_n3A_1186 : vector<16xi32>
        %jit3A_1188 = arith.constant 1073741824 : i32
        %broadcast_in_dim3A_1189 = vector.broadcast %jit3A_1188 : i32 to vector<16xi32>
        %select_n3A_1190 = arith.select %and3A_1183, %add3A_1165, %broadcast_in_dim3A_1189 : vector<16xi1>, vector<16xi32>
        %min3A_1191 = arith.minsi %min3A_1187, %select_n3A_1190 : vector<16xi32>
        %add3A_1192 = arith.constant 11 : i32
        %add3A_1193 = arith.addi %min3A_48, %add3A_1192 : i32
        %ge3A_1194 = arith.cmpi sge, %add3A_1193, %max3A_32 : i32
        %lt3A_1195 = arith.cmpi slt, %add3A_1193, %min3A_35 : i32
        %and3A_1196 = arith.andi %ge3A_1194, %lt3A_1195 : i1
        %mul3A_1197 = arith.constant 224 : i32
        %mul3A_1198 = arith.muli %add3A_1193, %mul3A_1197 : i32
        %add3A_1199 = arith.addi %mul3A_1198, %min3A_54 : i32
        %get3A_1200 = arith.index_cast %add3A_1199 : i32 to index
        %get3A_1201 = tpu.vector_load %arg4[%get3A_1200] {strides = array<i32>} : memref<50176xf32, #tpu.memory_space<vmem>>, vector<16xf32>,
        %add3A_1202 = arith.constant 4 : i32
        %add3A_1203 = arith.addi %add3A_1199, %add3A_1202 : i32
        %get3A_1204 = arith.index_cast %add3A_1203 : i32 to index
        %get3A_1205 = tpu.vector_load %arg4[%get3A_1204] {strides = array<i32>} : memref<50176xf32, #tpu.memory_space<vmem>>, vector<16xf32>,
        %get3A_1206 = arith.index_cast %add3A_1199 : i32 to index
        %get3A_1207 = tpu.vector_load %arg5[%get3A_1206] {strides = array<i32>} : memref<50176xi32, #tpu.memory_space<vmem>>, vector<16xi32>,
        %add3A_1208 = arith.constant 4 : i32
        %add3A_1209 = arith.addi %add3A_1199, %add3A_1208 : i32
        %get3A_1210 = arith.index_cast %add3A_1209 : i32 to index
        %get3A_1211 = tpu.vector_load %arg5[%get3A_1210] {strides = array<i32>} : memref<50176xi32, #tpu.memory_space<vmem>>, vector<16xi32>,
        %mul3A_1212 = arith.constant 256 : i32
        %mul3A_1213 = arith.muli %add3A_1193, %mul3A_1212 : i32
        %add3A_1214 = arith.addi %mul3A_1213, %min3A_54 : i32
        %add3A_1215 = vector.broadcast %add3A_1214 : i32 to vector<16xi32>
        %add3A_1216 = arith.addi %add3A_1215, %iota3A : vector<16xi32>
        %add3A_1217 = arith.constant 4 : i32
        %add3A_1218 = vector.broadcast %add3A_1217 : i32 to vector<16xi32>
        %add3A_1219 = arith.addi %add3A_1216, %add3A_1218 : vector<16xi32>
        %eq3A_1220 = vector.broadcast %reduce_min3A_595 : f32 to vector<16xf32>
        %eq3A_1221 = arith.cmpf oeq, %get3A_1201, %eq3A_1220 : vector<16xf32>
        %and3A_1222 = vector.broadcast %and3A_1196 : i1 to vector<16xi1>
        %and3A_1223 = arith.andi %and3A_1222, %and3A : vector<16xi1>
        %and3A_1224 = arith.andi %eq3A_1221, %and3A_1223 : vector<16xi1>
        %eq3A_1225 = arith.constant 0 : i32
        %eq3A_1226 = vector.broadcast %eq3A_1225 : i32 to vector<16xi32>
        %eq3A_1227 = arith.cmpi eq, %get3A_1207, %eq3A_1226 : vector<16xi32>
        %and3A_1228 = arith.andi %and3A_1224, %eq3A_1227 : vector<16xi1>
        %eq3A_1229 = vector.broadcast %reduce_min3A_595 : f32 to vector<16xf32>
        %eq3A_1230 = arith.cmpf oeq, %get3A_1205, %eq3A_1229 : vector<16xf32>
        %and3A_1231 = vector.broadcast %and3A_1196 : i1 to vector<16xi1>
        %and3A_1232 = arith.andi %and3A_1231, %and3A_72 : vector<16xi1>
        %and3A_1233 = arith.andi %eq3A_1230, %and3A_1232 : vector<16xi1>
        %eq3A_1234 = arith.constant 0 : i32
        %eq3A_1235 = vector.broadcast %eq3A_1234 : i32 to vector<16xi32>
        %eq3A_1236 = arith.cmpi eq, %get3A_1211, %eq3A_1235 : vector<16xi32>
        %and3A_1237 = arith.andi %and3A_1233, %eq3A_1236 : vector<16xi1>
        %jit3A_1238 = arith.constant 1073741824 : i32
        %broadcast_in_dim3A_1239 = vector.broadcast %jit3A_1238 : i32 to vector<16xi32>
        %select_n3A_1240 = arith.select %and3A_1228, %add3A_1216, %broadcast_in_dim3A_1239 : vector<16xi1>, vector<16xi32>
        %min3A_1241 = arith.minsi %min3A_1191, %select_n3A_1240 : vector<16xi32>
        %jit3A_1242 = arith.constant 1073741824 : i32
        %broadcast_in_dim3A_1243 = vector.broadcast %jit3A_1242 : i32 to vector<16xi32>
        %select_n3A_1244 = arith.select %and3A_1237, %add3A_1219, %broadcast_in_dim3A_1243 : vector<16xi1>, vector<16xi32>
        %min3A_1245 = arith.minsi %min3A_1241, %select_n3A_1244 : vector<16xi32>
        %add3A_1246 = arith.constant 12 : i32
        %add3A_1247 = arith.addi %min3A_48, %add3A_1246 : i32
        %ge3A_1248 = arith.cmpi sge, %add3A_1247, %max3A_32 : i32
        %lt3A_1249 = arith.cmpi slt, %add3A_1247, %min3A_35 : i32
        %and3A_1250 = arith.andi %ge3A_1248, %lt3A_1249 : i1
        %mul3A_1251 = arith.constant 224 : i32
        %mul3A_1252 = arith.muli %add3A_1247, %mul3A_1251 : i32
        %add3A_1253 = arith.addi %mul3A_1252, %min3A_54 : i32
        %get3A_1254 = arith.index_cast %add3A_1253 : i32 to index
        %get3A_1255 = tpu.vector_load %arg4[%get3A_1254] {strides = array<i32>} : memref<50176xf32, #tpu.memory_space<vmem>>, vector<16xf32>,
        %add3A_1256 = arith.constant 4 : i32
        %add3A_1257 = arith.addi %add3A_1253, %add3A_1256 : i32
        %get3A_1258 = arith.index_cast %add3A_1257 : i32 to index
        %get3A_1259 = tpu.vector_load %arg4[%get3A_1258] {strides = array<i32>} : memref<50176xf32, #tpu.memory_space<vmem>>, vector<16xf32>,
        %get3A_1260 = arith.index_cast %add3A_1253 : i32 to index
        %get3A_1261 = tpu.vector_load %arg5[%get3A_1260] {strides = array<i32>} : memref<50176xi32, #tpu.memory_space<vmem>>, vector<16xi32>,
        %add3A_1262 = arith.constant 4 : i32
        %add3A_1263 = arith.addi %add3A_1253, %add3A_1262 : i32
        %get3A_1264 = arith.index_cast %add3A_1263 : i32 to index
        %get3A_1265 = tpu.vector_load %arg5[%get3A_1264] {strides = array<i32>} : memref<50176xi32, #tpu.memory_space<vmem>>, vector<16xi32>,
        %mul3A_1266 = arith.constant 256 : i32
        %mul3A_1267 = arith.muli %add3A_1247, %mul3A_1266 : i32
        %add3A_1268 = arith.addi %mul3A_1267, %min3A_54 : i32
        %add3A_1269 = vector.broadcast %add3A_1268 : i32 to vector<16xi32>
        %add3A_1270 = arith.addi %add3A_1269, %iota3A : vector<16xi32>
        %add3A_1271 = arith.constant 4 : i32
        %add3A_1272 = vector.broadcast %add3A_1271 : i32 to vector<16xi32>
        %add3A_1273 = arith.addi %add3A_1270, %add3A_1272 : vector<16xi32>
        %eq3A_1274 = vector.broadcast %reduce_min3A_595 : f32 to vector<16xf32>
        %eq3A_1275 = arith.cmpf oeq, %get3A_1255, %eq3A_1274 : vector<16xf32>
        %and3A_1276 = vector.broadcast %and3A_1250 : i1 to vector<16xi1>
        %and3A_1277 = arith.andi %and3A_1276, %and3A : vector<16xi1>
        %and3A_1278 = arith.andi %eq3A_1275, %and3A_1277 : vector<16xi1>
        %eq3A_1279 = arith.constant 0 : i32
        %eq3A_1280 = vector.broadcast %eq3A_1279 : i32 to vector<16xi32>
        %eq3A_1281 = arith.cmpi eq, %get3A_1261, %eq3A_1280 : vector<16xi32>
        %and3A_1282 = arith.andi %and3A_1278, %eq3A_1281 : vector<16xi1>
        %eq3A_1283 = vector.broadcast %reduce_min3A_595 : f32 to vector<16xf32>
        %eq3A_1284 = arith.cmpf oeq, %get3A_1259, %eq3A_1283 : vector<16xf32>
        %and3A_1285 = vector.broadcast %and3A_1250 : i1 to vector<16xi1>
        %and3A_1286 = arith.andi %and3A_1285, %and3A_72 : vector<16xi1>
        %and3A_1287 = arith.andi %eq3A_1284, %and3A_1286 : vector<16xi1>
        %eq3A_1288 = arith.constant 0 : i32
        %eq3A_1289 = vector.broadcast %eq3A_1288 : i32 to vector<16xi32>
        %eq3A_1290 = arith.cmpi eq, %get3A_1265, %eq3A_1289 : vector<16xi32>
        %and3A_1291 = arith.andi %and3A_1287, %eq3A_1290 : vector<16xi1>
        %jit3A_1292 = arith.constant 1073741824 : i32
        %broadcast_in_dim3A_1293 = vector.broadcast %jit3A_1292 : i32 to vector<16xi32>
        %select_n3A_1294 = arith.select %and3A_1282, %add3A_1270, %broadcast_in_dim3A_1293 : vector<16xi1>, vector<16xi32>
        %min3A_1295 = arith.minsi %min3A_1245, %select_n3A_1294 : vector<16xi32>
        %jit3A_1296 = arith.constant 1073741824 : i32
        %broadcast_in_dim3A_1297 = vector.broadcast %jit3A_1296 : i32 to vector<16xi32>
        %select_n3A_1298 = arith.select %and3A_1291, %add3A_1273, %broadcast_in_dim3A_1297 : vector<16xi1>, vector<16xi32>
        %min3A_1299 = arith.minsi %min3A_1295, %select_n3A_1298 : vector<16xi32>
        %add3A_1300 = arith.constant 13 : i32
        %add3A_1301 = arith.addi %min3A_48, %add3A_1300 : i32
        %ge3A_1302 = arith.cmpi sge, %add3A_1301, %max3A_32 : i32
        %lt3A_1303 = arith.cmpi slt, %add3A_1301, %min3A_35 : i32
        %and3A_1304 = arith.andi %ge3A_1302, %lt3A_1303 : i1
        %mul3A_1305 = arith.constant 224 : i32
        %mul3A_1306 = arith.muli %add3A_1301, %mul3A_1305 : i32
        %add3A_1307 = arith.addi %mul3A_1306, %min3A_54 : i32
        %get3A_1308 = arith.index_cast %add3A_1307 : i32 to index
        %get3A_1309 = tpu.vector_load %arg4[%get3A_1308] {strides = array<i32>} : memref<50176xf32, #tpu.memory_space<vmem>>, vector<16xf32>,
        %add3A_1310 = arith.constant 4 : i32
        %add3A_1311 = arith.addi %add3A_1307, %add3A_1310 : i32
        %get3A_1312 = arith.index_cast %add3A_1311 : i32 to index
        %get3A_1313 = tpu.vector_load %arg4[%get3A_1312] {strides = array<i32>} : memref<50176xf32, #tpu.memory_space<vmem>>, vector<16xf32>,
        %get3A_1314 = arith.index_cast %add3A_1307 : i32 to index
        %get3A_1315 = tpu.vector_load %arg5[%get3A_1314] {strides = array<i32>} : memref<50176xi32, #tpu.memory_space<vmem>>, vector<16xi32>,
        %add3A_1316 = arith.constant 4 : i32
        %add3A_1317 = arith.addi %add3A_1307, %add3A_1316 : i32
        %get3A_1318 = arith.index_cast %add3A_1317 : i32 to index
        %get3A_1319 = tpu.vector_load %arg5[%get3A_1318] {strides = array<i32>} : memref<50176xi32, #tpu.memory_space<vmem>>, vector<16xi32>,
        %mul3A_1320 = arith.constant 256 : i32
        %mul3A_1321 = arith.muli %add3A_1301, %mul3A_1320 : i32
        %add3A_1322 = arith.addi %mul3A_1321, %min3A_54 : i32
        %add3A_1323 = vector.broadcast %add3A_1322 : i32 to vector<16xi32>
        %add3A_1324 = arith.addi %add3A_1323, %iota3A : vector<16xi32>
        %add3A_1325 = arith.constant 4 : i32
        %add3A_1326 = vector.broadcast %add3A_1325 : i32 to vector<16xi32>
        %add3A_1327 = arith.addi %add3A_1324, %add3A_1326 : vector<16xi32>
        %eq3A_1328 = vector.broadcast %reduce_min3A_595 : f32 to vector<16xf32>
        %eq3A_1329 = arith.cmpf oeq, %get3A_1309, %eq3A_1328 : vector<16xf32>
        %and3A_1330 = vector.broadcast %and3A_1304 : i1 to vector<16xi1>
        %and3A_1331 = arith.andi %and3A_1330, %and3A : vector<16xi1>
        %and3A_1332 = arith.andi %eq3A_1329, %and3A_1331 : vector<16xi1>
        %eq3A_1333 = arith.constant 0 : i32
        %eq3A_1334 = vector.broadcast %eq3A_1333 : i32 to vector<16xi32>
        %eq3A_1335 = arith.cmpi eq, %get3A_1315, %eq3A_1334 : vector<16xi32>
        %and3A_1336 = arith.andi %and3A_1332, %eq3A_1335 : vector<16xi1>
        %eq3A_1337 = vector.broadcast %reduce_min3A_595 : f32 to vector<16xf32>
        %eq3A_1338 = arith.cmpf oeq, %get3A_1313, %eq3A_1337 : vector<16xf32>
        %and3A_1339 = vector.broadcast %and3A_1304 : i1 to vector<16xi1>
        %and3A_1340 = arith.andi %and3A_1339, %and3A_72 : vector<16xi1>
        %and3A_1341 = arith.andi %eq3A_1338, %and3A_1340 : vector<16xi1>
        %eq3A_1342 = arith.constant 0 : i32
        %eq3A_1343 = vector.broadcast %eq3A_1342 : i32 to vector<16xi32>
        %eq3A_1344 = arith.cmpi eq, %get3A_1319, %eq3A_1343 : vector<16xi32>
        %and3A_1345 = arith.andi %and3A_1341, %eq3A_1344 : vector<16xi1>
        %jit3A_1346 = arith.constant 1073741824 : i32
        %broadcast_in_dim3A_1347 = vector.broadcast %jit3A_1346 : i32 to vector<16xi32>
        %select_n3A_1348 = arith.select %and3A_1336, %add3A_1324, %broadcast_in_dim3A_1347 : vector<16xi1>, vector<16xi32>
        %min3A_1349 = arith.minsi %min3A_1299, %select_n3A_1348 : vector<16xi32>
        %jit3A_1350 = arith.constant 1073741824 : i32
        %broadcast_in_dim3A_1351 = vector.broadcast %jit3A_1350 : i32 to vector<16xi32>
        %select_n3A_1352 = arith.select %and3A_1345, %add3A_1327, %broadcast_in_dim3A_1351 : vector<16xi1>, vector<16xi32>
        %min3A_1353 = arith.minsi %min3A_1349, %select_n3A_1352 : vector<16xi32>
        %add3A_1354 = arith.constant 14 : i32
        %add3A_1355 = arith.addi %min3A_48, %add3A_1354 : i32
        %ge3A_1356 = arith.cmpi sge, %add3A_1355, %max3A_32 : i32
        %lt3A_1357 = arith.cmpi slt, %add3A_1355, %min3A_35 : i32
        %and3A_1358 = arith.andi %ge3A_1356, %lt3A_1357 : i1
        %mul3A_1359 = arith.constant 224 : i32
        %mul3A_1360 = arith.muli %add3A_1355, %mul3A_1359 : i32
        %add3A_1361 = arith.addi %mul3A_1360, %min3A_54 : i32
        %get3A_1362 = arith.index_cast %add3A_1361 : i32 to index
        %get3A_1363 = tpu.vector_load %arg4[%get3A_1362] {strides = array<i32>} : memref<50176xf32, #tpu.memory_space<vmem>>, vector<16xf32>,
        %add3A_1364 = arith.constant 4 : i32
        %add3A_1365 = arith.addi %add3A_1361, %add3A_1364 : i32
        %get3A_1366 = arith.index_cast %add3A_1365 : i32 to index
        %get3A_1367 = tpu.vector_load %arg4[%get3A_1366] {strides = array<i32>} : memref<50176xf32, #tpu.memory_space<vmem>>, vector<16xf32>,
        %get3A_1368 = arith.index_cast %add3A_1361 : i32 to index
        %get3A_1369 = tpu.vector_load %arg5[%get3A_1368] {strides = array<i32>} : memref<50176xi32, #tpu.memory_space<vmem>>, vector<16xi32>,
        %add3A_1370 = arith.constant 4 : i32
        %add3A_1371 = arith.addi %add3A_1361, %add3A_1370 : i32
        %get3A_1372 = arith.index_cast %add3A_1371 : i32 to index
        %get3A_1373 = tpu.vector_load %arg5[%get3A_1372] {strides = array<i32>} : memref<50176xi32, #tpu.memory_space<vmem>>, vector<16xi32>,
        %mul3A_1374 = arith.constant 256 : i32
        %mul3A_1375 = arith.muli %add3A_1355, %mul3A_1374 : i32
        %add3A_1376 = arith.addi %mul3A_1375, %min3A_54 : i32
        %add3A_1377 = vector.broadcast %add3A_1376 : i32 to vector<16xi32>
        %add3A_1378 = arith.addi %add3A_1377, %iota3A : vector<16xi32>
        %add3A_1379 = arith.constant 4 : i32
        %add3A_1380 = vector.broadcast %add3A_1379 : i32 to vector<16xi32>
        %add3A_1381 = arith.addi %add3A_1378, %add3A_1380 : vector<16xi32>
        %eq3A_1382 = vector.broadcast %reduce_min3A_595 : f32 to vector<16xf32>
        %eq3A_1383 = arith.cmpf oeq, %get3A_1363, %eq3A_1382 : vector<16xf32>
        %and3A_1384 = vector.broadcast %and3A_1358 : i1 to vector<16xi1>
        %and3A_1385 = arith.andi %and3A_1384, %and3A : vector<16xi1>
        %and3A_1386 = arith.andi %eq3A_1383, %and3A_1385 : vector<16xi1>
        %eq3A_1387 = arith.constant 0 : i32
        %eq3A_1388 = vector.broadcast %eq3A_1387 : i32 to vector<16xi32>
        %eq3A_1389 = arith.cmpi eq, %get3A_1369, %eq3A_1388 : vector<16xi32>
        %and3A_1390 = arith.andi %and3A_1386, %eq3A_1389 : vector<16xi1>
        %eq3A_1391 = vector.broadcast %reduce_min3A_595 : f32 to vector<16xf32>
        %eq3A_1392 = arith.cmpf oeq, %get3A_1367, %eq3A_1391 : vector<16xf32>
        %and3A_1393 = vector.broadcast %and3A_1358 : i1 to vector<16xi1>
        %and3A_1394 = arith.andi %and3A_1393, %and3A_72 : vector<16xi1>
        %and3A_1395 = arith.andi %eq3A_1392, %and3A_1394 : vector<16xi1>
        %eq3A_1396 = arith.constant 0 : i32
        %eq3A_1397 = vector.broadcast %eq3A_1396 : i32 to vector<16xi32>
        %eq3A_1398 = arith.cmpi eq, %get3A_1373, %eq3A_1397 : vector<16xi32>
        %and3A_1399 = arith.andi %and3A_1395, %eq3A_1398 : vector<16xi1>
        %jit3A_1400 = arith.constant 1073741824 : i32
        %broadcast_in_dim3A_1401 = vector.broadcast %jit3A_1400 : i32 to vector<16xi32>
        %select_n3A_1402 = arith.select %and3A_1390, %add3A_1378, %broadcast_in_dim3A_1401 : vector<16xi1>, vector<16xi32>
        %min3A_1403 = arith.minsi %min3A_1353, %select_n3A_1402 : vector<16xi32>
        %jit3A_1404 = arith.constant 1073741824 : i32
        %broadcast_in_dim3A_1405 = vector.broadcast %jit3A_1404 : i32 to vector<16xi32>
        %select_n3A_1406 = arith.select %and3A_1399, %add3A_1381, %broadcast_in_dim3A_1405 : vector<16xi1>, vector<16xi32>
        %min3A_1407 = arith.minsi %min3A_1403, %select_n3A_1406 : vector<16xi32>
        %add3A_1408 = arith.constant 15 : i32
        %add3A_1409 = arith.addi %min3A_48, %add3A_1408 : i32
        %ge3A_1410 = arith.cmpi sge, %add3A_1409, %max3A_32 : i32
        %lt3A_1411 = arith.cmpi slt, %add3A_1409, %min3A_35 : i32
        %and3A_1412 = arith.andi %ge3A_1410, %lt3A_1411 : i1
        %mul3A_1413 = arith.constant 224 : i32
        %mul3A_1414 = arith.muli %add3A_1409, %mul3A_1413 : i32
        %add3A_1415 = arith.addi %mul3A_1414, %min3A_54 : i32
        %get3A_1416 = arith.index_cast %add3A_1415 : i32 to index
        %get3A_1417 = tpu.vector_load %arg4[%get3A_1416] {strides = array<i32>} : memref<50176xf32, #tpu.memory_space<vmem>>, vector<16xf32>,
        %add3A_1418 = arith.constant 4 : i32
        %add3A_1419 = arith.addi %add3A_1415, %add3A_1418 : i32
        %get3A_1420 = arith.index_cast %add3A_1419 : i32 to index
        %get3A_1421 = tpu.vector_load %arg4[%get3A_1420] {strides = array<i32>} : memref<50176xf32, #tpu.memory_space<vmem>>, vector<16xf32>,
        %get3A_1422 = arith.index_cast %add3A_1415 : i32 to index
        %get3A_1423 = tpu.vector_load %arg5[%get3A_1422] {strides = array<i32>} : memref<50176xi32, #tpu.memory_space<vmem>>, vector<16xi32>,
        %add3A_1424 = arith.constant 4 : i32
        %add3A_1425 = arith.addi %add3A_1415, %add3A_1424 : i32
        %get3A_1426 = arith.index_cast %add3A_1425 : i32 to index
        %get3A_1427 = tpu.vector_load %arg5[%get3A_1426] {strides = array<i32>} : memref<50176xi32, #tpu.memory_space<vmem>>, vector<16xi32>,
        %mul3A_1428 = arith.constant 256 : i32
        %mul3A_1429 = arith.muli %add3A_1409, %mul3A_1428 : i32
        %add3A_1430 = arith.addi %mul3A_1429, %min3A_54 : i32
        %add3A_1431 = vector.broadcast %add3A_1430 : i32 to vector<16xi32>
        %add3A_1432 = arith.addi %add3A_1431, %iota3A : vector<16xi32>
        %add3A_1433 = arith.constant 4 : i32
        %add3A_1434 = vector.broadcast %add3A_1433 : i32 to vector<16xi32>
        %add3A_1435 = arith.addi %add3A_1432, %add3A_1434 : vector<16xi32>
        %eq3A_1436 = vector.broadcast %reduce_min3A_595 : f32 to vector<16xf32>
        %eq3A_1437 = arith.cmpf oeq, %get3A_1417, %eq3A_1436 : vector<16xf32>
        %and3A_1438 = vector.broadcast %and3A_1412 : i1 to vector<16xi1>
        %and3A_1439 = arith.andi %and3A_1438, %and3A : vector<16xi1>
        %and3A_1440 = arith.andi %eq3A_1437, %and3A_1439 : vector<16xi1>
        %eq3A_1441 = arith.constant 0 : i32
        %eq3A_1442 = vector.broadcast %eq3A_1441 : i32 to vector<16xi32>
        %eq3A_1443 = arith.cmpi eq, %get3A_1423, %eq3A_1442 : vector<16xi32>
        %and3A_1444 = arith.andi %and3A_1440, %eq3A_1443 : vector<16xi1>
        %eq3A_1445 = vector.broadcast %reduce_min3A_595 : f32 to vector<16xf32>
        %eq3A_1446 = arith.cmpf oeq, %get3A_1421, %eq3A_1445 : vector<16xf32>
        %and3A_1447 = vector.broadcast %and3A_1412 : i1 to vector<16xi1>
        %and3A_1448 = arith.andi %and3A_1447, %and3A_72 : vector<16xi1>
        %and3A_1449 = arith.andi %eq3A_1446, %and3A_1448 : vector<16xi1>
        %eq3A_1450 = arith.constant 0 : i32
        %eq3A_1451 = vector.broadcast %eq3A_1450 : i32 to vector<16xi32>
        %eq3A_1452 = arith.cmpi eq, %get3A_1427, %eq3A_1451 : vector<16xi32>
        %and3A_1453 = arith.andi %and3A_1449, %eq3A_1452 : vector<16xi1>
        %jit3A_1454 = arith.constant 1073741824 : i32
        %broadcast_in_dim3A_1455 = vector.broadcast %jit3A_1454 : i32 to vector<16xi32>
        %select_n3A_1456 = arith.select %and3A_1444, %add3A_1432, %broadcast_in_dim3A_1455 : vector<16xi1>, vector<16xi32>
        %min3A_1457 = arith.minsi %min3A_1407, %select_n3A_1456 : vector<16xi32>
        %jit3A_1458 = arith.constant 1073741824 : i32
        %broadcast_in_dim3A_1459 = vector.broadcast %jit3A_1458 : i32 to vector<16xi32>
        %select_n3A_1460 = arith.select %and3A_1453, %add3A_1435, %broadcast_in_dim3A_1459 : vector<16xi1>, vector<16xi32>
        %min3A_1461 = arith.minsi %min3A_1457, %select_n3A_1460 : vector<16xi32>
        %add3A_1462 = arith.constant 16 : i32
        %add3A_1463 = arith.addi %min3A_48, %add3A_1462 : i32
        %ge3A_1464 = arith.cmpi sge, %add3A_1463, %max3A_32 : i32
        %lt3A_1465 = arith.cmpi slt, %add3A_1463, %min3A_35 : i32
        %and3A_1466 = arith.andi %ge3A_1464, %lt3A_1465 : i1
        %mul3A_1467 = arith.constant 224 : i32
        %mul3A_1468 = arith.muli %add3A_1463, %mul3A_1467 : i32
        %add3A_1469 = arith.addi %mul3A_1468, %min3A_54 : i32
        %get3A_1470 = arith.index_cast %add3A_1469 : i32 to index
        %get3A_1471 = tpu.vector_load %arg4[%get3A_1470] {strides = array<i32>} : memref<50176xf32, #tpu.memory_space<vmem>>, vector<16xf32>,
        %add3A_1472 = arith.constant 4 : i32
        %add3A_1473 = arith.addi %add3A_1469, %add3A_1472 : i32
        %get3A_1474 = arith.index_cast %add3A_1473 : i32 to index
        %get3A_1475 = tpu.vector_load %arg4[%get3A_1474] {strides = array<i32>} : memref<50176xf32, #tpu.memory_space<vmem>>, vector<16xf32>,
        %get3A_1476 = arith.index_cast %add3A_1469 : i32 to index
        %get3A_1477 = tpu.vector_load %arg5[%get3A_1476] {strides = array<i32>} : memref<50176xi32, #tpu.memory_space<vmem>>, vector<16xi32>,
        %add3A_1478 = arith.constant 4 : i32
        %add3A_1479 = arith.addi %add3A_1469, %add3A_1478 : i32
        %get3A_1480 = arith.index_cast %add3A_1479 : i32 to index
        %get3A_1481 = tpu.vector_load %arg5[%get3A_1480] {strides = array<i32>} : memref<50176xi32, #tpu.memory_space<vmem>>, vector<16xi32>,
        %mul3A_1482 = arith.constant 256 : i32
        %mul3A_1483 = arith.muli %add3A_1463, %mul3A_1482 : i32
        %add3A_1484 = arith.addi %mul3A_1483, %min3A_54 : i32
        %add3A_1485 = vector.broadcast %add3A_1484 : i32 to vector<16xi32>
        %add3A_1486 = arith.addi %add3A_1485, %iota3A : vector<16xi32>
        %add3A_1487 = arith.constant 4 : i32
        %add3A_1488 = vector.broadcast %add3A_1487 : i32 to vector<16xi32>
        %add3A_1489 = arith.addi %add3A_1486, %add3A_1488 : vector<16xi32>
        %eq3A_1490 = vector.broadcast %reduce_min3A_595 : f32 to vector<16xf32>
        %eq3A_1491 = arith.cmpf oeq, %get3A_1471, %eq3A_1490 : vector<16xf32>
        %and3A_1492 = vector.broadcast %and3A_1466 : i1 to vector<16xi1>
        %and3A_1493 = arith.andi %and3A_1492, %and3A : vector<16xi1>
        %and3A_1494 = arith.andi %eq3A_1491, %and3A_1493 : vector<16xi1>
        %eq3A_1495 = arith.constant 0 : i32
        %eq3A_1496 = vector.broadcast %eq3A_1495 : i32 to vector<16xi32>
        %eq3A_1497 = arith.cmpi eq, %get3A_1477, %eq3A_1496 : vector<16xi32>
        %and3A_1498 = arith.andi %and3A_1494, %eq3A_1497 : vector<16xi1>
        %eq3A_1499 = vector.broadcast %reduce_min3A_595 : f32 to vector<16xf32>
        %eq3A_1500 = arith.cmpf oeq, %get3A_1475, %eq3A_1499 : vector<16xf32>
        %and3A_1501 = vector.broadcast %and3A_1466 : i1 to vector<16xi1>
        %and3A_1502 = arith.andi %and3A_1501, %and3A_72 : vector<16xi1>
        %and3A_1503 = arith.andi %eq3A_1500, %and3A_1502 : vector<16xi1>
        %eq3A_1504 = arith.constant 0 : i32
        %eq3A_1505 = vector.broadcast %eq3A_1504 : i32 to vector<16xi32>
        %eq3A_1506 = arith.cmpi eq, %get3A_1481, %eq3A_1505 : vector<16xi32>
        %and3A_1507 = arith.andi %and3A_1503, %eq3A_1506 : vector<16xi1>
        %jit3A_1508 = arith.constant 1073741824 : i32
        %broadcast_in_dim3A_1509 = vector.broadcast %jit3A_1508 : i32 to vector<16xi32>
        %select_n3A_1510 = arith.select %and3A_1498, %add3A_1486, %broadcast_in_dim3A_1509 : vector<16xi1>, vector<16xi32>
        %min3A_1511 = arith.minsi %min3A_1461, %select_n3A_1510 : vector<16xi32>
        %jit3A_1512 = arith.constant 1073741824 : i32
        %broadcast_in_dim3A_1513 = vector.broadcast %jit3A_1512 : i32 to vector<16xi32>
        %select_n3A_1514 = arith.select %and3A_1507, %add3A_1489, %broadcast_in_dim3A_1513 : vector<16xi1>, vector<16xi32>
        %min3A_1515 = arith.minsi %min3A_1511, %select_n3A_1514 : vector<16xi32>
        %add3A_1516 = arith.constant 17 : i32
        %add3A_1517 = arith.addi %min3A_48, %add3A_1516 : i32
        %ge3A_1518 = arith.cmpi sge, %add3A_1517, %max3A_32 : i32
        %lt3A_1519 = arith.cmpi slt, %add3A_1517, %min3A_35 : i32
        %and3A_1520 = arith.andi %ge3A_1518, %lt3A_1519 : i1
        %mul3A_1521 = arith.constant 224 : i32
        %mul3A_1522 = arith.muli %add3A_1517, %mul3A_1521 : i32
        %add3A_1523 = arith.addi %mul3A_1522, %min3A_54 : i32
        %get3A_1524 = arith.index_cast %add3A_1523 : i32 to index
        %get3A_1525 = tpu.vector_load %arg4[%get3A_1524] {strides = array<i32>} : memref<50176xf32, #tpu.memory_space<vmem>>, vector<16xf32>,
        %add3A_1526 = arith.constant 4 : i32
        %add3A_1527 = arith.addi %add3A_1523, %add3A_1526 : i32
        %get3A_1528 = arith.index_cast %add3A_1527 : i32 to index
        %get3A_1529 = tpu.vector_load %arg4[%get3A_1528] {strides = array<i32>} : memref<50176xf32, #tpu.memory_space<vmem>>, vector<16xf32>,
        %get3A_1530 = arith.index_cast %add3A_1523 : i32 to index
        %get3A_1531 = tpu.vector_load %arg5[%get3A_1530] {strides = array<i32>} : memref<50176xi32, #tpu.memory_space<vmem>>, vector<16xi32>,
        %add3A_1532 = arith.constant 4 : i32
        %add3A_1533 = arith.addi %add3A_1523, %add3A_1532 : i32
        %get3A_1534 = arith.index_cast %add3A_1533 : i32 to index
        %get3A_1535 = tpu.vector_load %arg5[%get3A_1534] {strides = array<i32>} : memref<50176xi32, #tpu.memory_space<vmem>>, vector<16xi32>,
        %mul3A_1536 = arith.constant 256 : i32
        %mul3A_1537 = arith.muli %add3A_1517, %mul3A_1536 : i32
        %add3A_1538 = arith.addi %mul3A_1537, %min3A_54 : i32
        %add3A_1539 = vector.broadcast %add3A_1538 : i32 to vector<16xi32>
        %add3A_1540 = arith.addi %add3A_1539, %iota3A : vector<16xi32>
        %add3A_1541 = arith.constant 4 : i32
        %add3A_1542 = vector.broadcast %add3A_1541 : i32 to vector<16xi32>
        %add3A_1543 = arith.addi %add3A_1540, %add3A_1542 : vector<16xi32>
        %eq3A_1544 = vector.broadcast %reduce_min3A_595 : f32 to vector<16xf32>
        %eq3A_1545 = arith.cmpf oeq, %get3A_1525, %eq3A_1544 : vector<16xf32>
        %and3A_1546 = vector.broadcast %and3A_1520 : i1 to vector<16xi1>
        %and3A_1547 = arith.andi %and3A_1546, %and3A : vector<16xi1>
        %and3A_1548 = arith.andi %eq3A_1545, %and3A_1547 : vector<16xi1>
        %eq3A_1549 = arith.constant 0 : i32
        %eq3A_1550 = vector.broadcast %eq3A_1549 : i32 to vector<16xi32>
        %eq3A_1551 = arith.cmpi eq, %get3A_1531, %eq3A_1550 : vector<16xi32>
        %and3A_1552 = arith.andi %and3A_1548, %eq3A_1551 : vector<16xi1>
        %eq3A_1553 = vector.broadcast %reduce_min3A_595 : f32 to vector<16xf32>
        %eq3A_1554 = arith.cmpf oeq, %get3A_1529, %eq3A_1553 : vector<16xf32>
        %and3A_1555 = vector.broadcast %and3A_1520 : i1 to vector<16xi1>
        %and3A_1556 = arith.andi %and3A_1555, %and3A_72 : vector<16xi1>
        %and3A_1557 = arith.andi %eq3A_1554, %and3A_1556 : vector<16xi1>
        %eq3A_1558 = arith.constant 0 : i32
        %eq3A_1559 = vector.broadcast %eq3A_1558 : i32 to vector<16xi32>
        %eq3A_1560 = arith.cmpi eq, %get3A_1535, %eq3A_1559 : vector<16xi32>
        %and3A_1561 = arith.andi %and3A_1557, %eq3A_1560 : vector<16xi1>
        %jit3A_1562 = arith.constant 1073741824 : i32
        %broadcast_in_dim3A_1563 = vector.broadcast %jit3A_1562 : i32 to vector<16xi32>
        %select_n3A_1564 = arith.select %and3A_1552, %add3A_1540, %broadcast_in_dim3A_1563 : vector<16xi1>, vector<16xi32>
        %min3A_1565 = arith.minsi %min3A_1515, %select_n3A_1564 : vector<16xi32>
        %jit3A_1566 = arith.constant 1073741824 : i32
        %broadcast_in_dim3A_1567 = vector.broadcast %jit3A_1566 : i32 to vector<16xi32>
        %select_n3A_1568 = arith.select %and3A_1561, %add3A_1543, %broadcast_in_dim3A_1567 : vector<16xi1>, vector<16xi32>
        %min3A_1569 = arith.minsi %min3A_1565, %select_n3A_1568 : vector<16xi32>
        %add3A_1570 = arith.constant 18 : i32
        %add3A_1571 = arith.addi %min3A_48, %add3A_1570 : i32
        %ge3A_1572 = arith.cmpi sge, %add3A_1571, %max3A_32 : i32
        %lt3A_1573 = arith.cmpi slt, %add3A_1571, %min3A_35 : i32
        %and3A_1574 = arith.andi %ge3A_1572, %lt3A_1573 : i1
        %mul3A_1575 = arith.constant 224 : i32
        %mul3A_1576 = arith.muli %add3A_1571, %mul3A_1575 : i32
        %add3A_1577 = arith.addi %mul3A_1576, %min3A_54 : i32
        %get3A_1578 = arith.index_cast %add3A_1577 : i32 to index
        %get3A_1579 = tpu.vector_load %arg4[%get3A_1578] {strides = array<i32>} : memref<50176xf32, #tpu.memory_space<vmem>>, vector<16xf32>,
        %add3A_1580 = arith.constant 4 : i32
        %add3A_1581 = arith.addi %add3A_1577, %add3A_1580 : i32
        %get3A_1582 = arith.index_cast %add3A_1581 : i32 to index
        %get3A_1583 = tpu.vector_load %arg4[%get3A_1582] {strides = array<i32>} : memref<50176xf32, #tpu.memory_space<vmem>>, vector<16xf32>,
        %get3A_1584 = arith.index_cast %add3A_1577 : i32 to index
        %get3A_1585 = tpu.vector_load %arg5[%get3A_1584] {strides = array<i32>} : memref<50176xi32, #tpu.memory_space<vmem>>, vector<16xi32>,
        %add3A_1586 = arith.constant 4 : i32
        %add3A_1587 = arith.addi %add3A_1577, %add3A_1586 : i32
        %get3A_1588 = arith.index_cast %add3A_1587 : i32 to index
        %get3A_1589 = tpu.vector_load %arg5[%get3A_1588] {strides = array<i32>} : memref<50176xi32, #tpu.memory_space<vmem>>, vector<16xi32>,
        %mul3A_1590 = arith.constant 256 : i32
        %mul3A_1591 = arith.muli %add3A_1571, %mul3A_1590 : i32
        %add3A_1592 = arith.addi %mul3A_1591, %min3A_54 : i32
        %add3A_1593 = vector.broadcast %add3A_1592 : i32 to vector<16xi32>
        %add3A_1594 = arith.addi %add3A_1593, %iota3A : vector<16xi32>
        %add3A_1595 = arith.constant 4 : i32
        %add3A_1596 = vector.broadcast %add3A_1595 : i32 to vector<16xi32>
        %add3A_1597 = arith.addi %add3A_1594, %add3A_1596 : vector<16xi32>
        %eq3A_1598 = vector.broadcast %reduce_min3A_595 : f32 to vector<16xf32>
        %eq3A_1599 = arith.cmpf oeq, %get3A_1579, %eq3A_1598 : vector<16xf32>
        %and3A_1600 = vector.broadcast %and3A_1574 : i1 to vector<16xi1>
        %and3A_1601 = arith.andi %and3A_1600, %and3A : vector<16xi1>
        %and3A_1602 = arith.andi %eq3A_1599, %and3A_1601 : vector<16xi1>
        %eq3A_1603 = arith.constant 0 : i32
        %eq3A_1604 = vector.broadcast %eq3A_1603 : i32 to vector<16xi32>
        %eq3A_1605 = arith.cmpi eq, %get3A_1585, %eq3A_1604 : vector<16xi32>
        %and3A_1606 = arith.andi %and3A_1602, %eq3A_1605 : vector<16xi1>
        %eq3A_1607 = vector.broadcast %reduce_min3A_595 : f32 to vector<16xf32>
        %eq3A_1608 = arith.cmpf oeq, %get3A_1583, %eq3A_1607 : vector<16xf32>
        %and3A_1609 = vector.broadcast %and3A_1574 : i1 to vector<16xi1>
        %and3A_1610 = arith.andi %and3A_1609, %and3A_72 : vector<16xi1>
        %and3A_1611 = arith.andi %eq3A_1608, %and3A_1610 : vector<16xi1>
        %eq3A_1612 = arith.constant 0 : i32
        %eq3A_1613 = vector.broadcast %eq3A_1612 : i32 to vector<16xi32>
        %eq3A_1614 = arith.cmpi eq, %get3A_1589, %eq3A_1613 : vector<16xi32>
        %and3A_1615 = arith.andi %and3A_1611, %eq3A_1614 : vector<16xi1>
        %jit3A_1616 = arith.constant 1073741824 : i32
        %broadcast_in_dim3A_1617 = vector.broadcast %jit3A_1616 : i32 to vector<16xi32>
        %select_n3A_1618 = arith.select %and3A_1606, %add3A_1594, %broadcast_in_dim3A_1617 : vector<16xi1>, vector<16xi32>
        %min3A_1619 = arith.minsi %min3A_1569, %select_n3A_1618 : vector<16xi32>
        %jit3A_1620 = arith.constant 1073741824 : i32
        %broadcast_in_dim3A_1621 = vector.broadcast %jit3A_1620 : i32 to vector<16xi32>
        %select_n3A_1622 = arith.select %and3A_1615, %add3A_1597, %broadcast_in_dim3A_1621 : vector<16xi1>, vector<16xi32>
        %min3A_1623 = arith.minsi %min3A_1619, %select_n3A_1622 : vector<16xi32>
        %add3A_1624 = arith.constant 19 : i32
        %add3A_1625 = arith.addi %min3A_48, %add3A_1624 : i32
        %ge3A_1626 = arith.cmpi sge, %add3A_1625, %max3A_32 : i32
        %lt3A_1627 = arith.cmpi slt, %add3A_1625, %min3A_35 : i32
        %and3A_1628 = arith.andi %ge3A_1626, %lt3A_1627 : i1
        %mul3A_1629 = arith.constant 224 : i32
        %mul3A_1630 = arith.muli %add3A_1625, %mul3A_1629 : i32
        %add3A_1631 = arith.addi %mul3A_1630, %min3A_54 : i32
        %get3A_1632 = arith.index_cast %add3A_1631 : i32 to index
        %get3A_1633 = tpu.vector_load %arg4[%get3A_1632] {strides = array<i32>} : memref<50176xf32, #tpu.memory_space<vmem>>, vector<16xf32>,
        %add3A_1634 = arith.constant 4 : i32
        %add3A_1635 = arith.addi %add3A_1631, %add3A_1634 : i32
        %get3A_1636 = arith.index_cast %add3A_1635 : i32 to index
        %get3A_1637 = tpu.vector_load %arg4[%get3A_1636] {strides = array<i32>} : memref<50176xf32, #tpu.memory_space<vmem>>, vector<16xf32>,
        %get3A_1638 = arith.index_cast %add3A_1631 : i32 to index
        %get3A_1639 = tpu.vector_load %arg5[%get3A_1638] {strides = array<i32>} : memref<50176xi32, #tpu.memory_space<vmem>>, vector<16xi32>,
        %add3A_1640 = arith.constant 4 : i32
        %add3A_1641 = arith.addi %add3A_1631, %add3A_1640 : i32
        %get3A_1642 = arith.index_cast %add3A_1641 : i32 to index
        %get3A_1643 = tpu.vector_load %arg5[%get3A_1642] {strides = array<i32>} : memref<50176xi32, #tpu.memory_space<vmem>>, vector<16xi32>,
        %mul3A_1644 = arith.constant 256 : i32
        %mul3A_1645 = arith.muli %add3A_1625, %mul3A_1644 : i32
        %add3A_1646 = arith.addi %mul3A_1645, %min3A_54 : i32
        %add3A_1647 = vector.broadcast %add3A_1646 : i32 to vector<16xi32>
        %add3A_1648 = arith.addi %add3A_1647, %iota3A : vector<16xi32>
        %add3A_1649 = arith.constant 4 : i32
        %add3A_1650 = vector.broadcast %add3A_1649 : i32 to vector<16xi32>
        %add3A_1651 = arith.addi %add3A_1648, %add3A_1650 : vector<16xi32>
        %eq3A_1652 = vector.broadcast %reduce_min3A_595 : f32 to vector<16xf32>
        %eq3A_1653 = arith.cmpf oeq, %get3A_1633, %eq3A_1652 : vector<16xf32>
        %and3A_1654 = vector.broadcast %and3A_1628 : i1 to vector<16xi1>
        %and3A_1655 = arith.andi %and3A_1654, %and3A : vector<16xi1>
        %and3A_1656 = arith.andi %eq3A_1653, %and3A_1655 : vector<16xi1>
        %eq3A_1657 = arith.constant 0 : i32
        %eq3A_1658 = vector.broadcast %eq3A_1657 : i32 to vector<16xi32>
        %eq3A_1659 = arith.cmpi eq, %get3A_1639, %eq3A_1658 : vector<16xi32>
        %and3A_1660 = arith.andi %and3A_1656, %eq3A_1659 : vector<16xi1>
        %eq3A_1661 = vector.broadcast %reduce_min3A_595 : f32 to vector<16xf32>
        %eq3A_1662 = arith.cmpf oeq, %get3A_1637, %eq3A_1661 : vector<16xf32>
        %and3A_1663 = vector.broadcast %and3A_1628 : i1 to vector<16xi1>
        %and3A_1664 = arith.andi %and3A_1663, %and3A_72 : vector<16xi1>
        %and3A_1665 = arith.andi %eq3A_1662, %and3A_1664 : vector<16xi1>
        %eq3A_1666 = arith.constant 0 : i32
        %eq3A_1667 = vector.broadcast %eq3A_1666 : i32 to vector<16xi32>
        %eq3A_1668 = arith.cmpi eq, %get3A_1643, %eq3A_1667 : vector<16xi32>
        %and3A_1669 = arith.andi %and3A_1665, %eq3A_1668 : vector<16xi1>
        %jit3A_1670 = arith.constant 1073741824 : i32
        %broadcast_in_dim3A_1671 = vector.broadcast %jit3A_1670 : i32 to vector<16xi32>
        %select_n3A_1672 = arith.select %and3A_1660, %add3A_1648, %broadcast_in_dim3A_1671 : vector<16xi1>, vector<16xi32>
        %min3A_1673 = arith.minsi %min3A_1623, %select_n3A_1672 : vector<16xi32>
        %jit3A_1674 = arith.constant 1073741824 : i32
        %broadcast_in_dim3A_1675 = vector.broadcast %jit3A_1674 : i32 to vector<16xi32>
        %select_n3A_1676 = arith.select %and3A_1669, %add3A_1651, %broadcast_in_dim3A_1675 : vector<16xi1>, vector<16xi32>
        %min3A_1677 = arith.minsi %min3A_1673, %select_n3A_1676 : vector<16xi32>
        %reduce_min3A_1678 = arith.constant true
        %reduce_min3A_1679 = vector.broadcast %reduce_min3A_1678 : i1 to vector<16xi1>
        %reduce_min3A_1680 = arith.constant -2147483648 : i32
        %reduce_min3A_1681 = vector.broadcast %reduce_min3A_1680 : i32 to vector<16xi32>
        %reduce_min3A_1682 = arith.xori %min3A_1677, %reduce_min3A_1681 : vector<16xi32>
        %reduce_min3A_1683 = tpu.scan <min>, %reduce_min3A_1682 masked %reduce_min3A_1679 : vector<16xi32>, vector<16xi1> -> vector<16xi32>
        %reduce_min3A_1684 = arith.xori %reduce_min3A_1683, %reduce_min3A_1681 : vector<16xi32>
        %reduce_min3A_1685 = vector.extract %reduce_min3A_1684[15] : i32 from vector<16xi32>
        %lt3A_1686 = arith.constant 1073741824 : i32
        %lt3A_1687 = arith.cmpi slt, %reduce_min3A_1685, %lt3A_1686 : i32
        %shift_right_arithmetic3A = arith.constant 8 : i32
        %shift_right_arithmetic3A_1688 = arith.shrsi %reduce_min3A_1685, %shift_right_arithmetic3A : i32
        %select_n3A_1689 = arith.select %lt3A_1687, %shift_right_arithmetic3A_1688, %add3A_26 : i32
        %and3A_1690 = arith.constant 255 : i32
        %and3A_1691 = arith.andi %reduce_min3A_1685, %and3A_1690 : i32
        %select_n3A_1692 = arith.select %lt3A_1687, %and3A_1691, %add3A_30 : i32
        %mul3A_1693 = arith.constant 224 : i32
        %mul3A_1694 = arith.muli %select_n3A_1689, %mul3A_1693 : i32
        %add3A_1695 = arith.addi %mul3A_1694, %select_n3A_1692 : i32
        %jit3A_1696 = arith.constant 0 : i32
        %select_n3A_1697 = arith.select %lt3A_1687, %add3A_1695, %jit3A_1696 : i32
        %broadcast_in_dim3A_1698 = vector.broadcast %select_n3A_1697 : i32 to vector<16xi32>
        %broadcast_in_dim3A_1699 = vector.broadcast %lt3A_1687 : i1 to vector<16xi1>
        %and3A_1700 = arith.andi %eq3A_10, %broadcast_in_dim3A_1699 : vector<16xi1>
        tpu.vector_store_idx %arg5[%broadcast_in_dim3A_1698], %broadcast_in_dim3A_11 masked %and3A_1700 : memref<50176xi32, #tpu.memory_space<vmem>>[vector<16xi32>], vector<16xi32>, vector<16xi1>
        %broadcast_in_dim3A_1701 = vector.broadcast %scan3A_20 : i32 to vector<16xi32>
        %broadcast_in_dim3A_1702 = vector.broadcast %select_n3A_1689 : i32 to vector<16xi32>
        tpu.vector_store_idx %arg6[%broadcast_in_dim3A_1701], %broadcast_in_dim3A_1702 masked %eq3A_10 : memref<512xi32, #tpu.memory_space<vmem>>[vector<16xi32>], vector<16xi32>, vector<16xi1>
        %add3A_1703 = arith.constant 256 : i32
        %add3A_1704 = arith.addi %add3A_1703, %scan3A_20 : i32
        %broadcast_in_dim3A_1705 = vector.broadcast %add3A_1704 : i32 to vector<16xi32>
        %broadcast_in_dim3A_1706 = vector.broadcast %select_n3A_1692 : i32 to vector<16xi32>
        tpu.vector_store_idx %arg6[%broadcast_in_dim3A_1705], %broadcast_in_dim3A_1706 masked %eq3A_10 : memref<512xi32, #tpu.memory_space<vmem>>[vector<16xi32>], vector<16xi32>, vector<16xi1>
        %add3A_1707 = arith.constant 1 : i32
        %add3A_1708 = arith.addi %scan3A_22, %add3A_1707 : i32
        %eq3A_1709 = arith.constant 14 : i32
        %eq3A_1710 = arith.cmpi eq, %add3A_1708, %eq3A_1709 : i32
        %convert_element_type3A_1711 = arith.extui %eq3A_1710 : i1 to i32
        %add3A_1712 = arith.addi %scan3A_21, %convert_element_type3A_1711 : i32
        %jit3A_1713 = arith.constant 0 : i32
        %select_n3A_1714 = arith.select %eq3A_1710, %jit3A_1713, %add3A_1708 : i32
        scf.yield %add3A_1712, %select_n3A_1714 : i32, i32
      }
      %scan3A_19 = arith.constant 196 : i32
      "tpu.region"() ({
        %run_scoped3A = tpu.sem_alloc : memref<!tpu.dma_semaphore, #tpu.memory_space<semaphore_mem>>
        %dma_start3A = arith.constant 0 : i32
        %dma_start3A_20 = tpu.memref_slice %arg3[%add3A, %dma_start3A] : memref<16x512xi32, #tpu.memory_space<hbm>> -> memref<1x512xi32, #tpu.memory_space<hbm>>
        %dma_start3A_21 = tpu.memref_squeeze %dma_start3A_20 : memref<1x512xi32, #tpu.memory_space<hbm>> -> memref<512xi32, #tpu.memory_space<hbm>>
        %dma_start3A_22 = arith.constant 0 : i32
        %dma_start3A_23 = tpu.memref_slice %arg3[%add3A, %dma_start3A_22] : memref<16x512xi32, #tpu.memory_space<hbm>> -> memref<1x512xi32, #tpu.memory_space<hbm>>
        %dma_start3A_24 = tpu.memref_squeeze %dma_start3A_23 : memref<1x512xi32, #tpu.memory_space<hbm>> -> memref<512xi32, #tpu.memory_space<hbm>>
        tpu.enqueue_dma source(%arg6 : memref<512xi32, #tpu.memory_space<vmem>>) target(%dma_start3A_24 : memref<512xi32, #tpu.memory_space<hbm>>) target_semaphore(%run_scoped3A : memref<!tpu.dma_semaphore, #tpu.memory_space<semaphore_mem>>)
        %dma_wait3A = arith.constant 0 : i32
        %dma_wait3A_25 = tpu.memref_slice %arg3[%add3A, %dma_wait3A] : memref<16x512xi32, #tpu.memory_space<hbm>> -> memref<1x512xi32, #tpu.memory_space<hbm>>
        %dma_wait3A_26 = tpu.memref_squeeze %dma_wait3A_25 : memref<1x512xi32, #tpu.memory_space<hbm>> -> memref<512xi32, #tpu.memory_space<hbm>>
        %dma_wait3A_27 = arith.constant 0 : i32
        %dma_wait3A_28 = tpu.memref_slice %arg3[%add3A, %dma_wait3A_27] : memref<16x512xi32, #tpu.memory_space<hbm>> -> memref<1x512xi32, #tpu.memory_space<hbm>>
        %dma_wait3A_29 = tpu.memref_squeeze %dma_wait3A_28 : memref<1x512xi32, #tpu.memory_space<hbm>> -> memref<512xi32, #tpu.memory_space<hbm>>
        tpu.wait_dma2 semaphore(%run_scoped3A : memref<!tpu.dma_semaphore, #tpu.memory_space<semaphore_mem>>) src(%arg6 : memref<512xi32, #tpu.memory_space<vmem>>) dst(%dma_wait3A_29 : memref<512xi32, #tpu.memory_space<hbm>>)
        tpu.yield
      }) : () -> ()
    } else {
    }
    return
  }
}

module attributes {stable_mosaic.version = 14 : i64} {
  func.func @_propagate_body(%arg0: memref<224x16x224xf32, #tpu.memory_space<vmem>>, %arg1: memref<16x1x224xi32, #tpu.memory_space<vmem>>, %arg2: memref<16x224x1xi32, #tpu.memory_space<vmem>>, %arg3: memref<224x16x224xi32, #tpu.memory_space<vmem>>, %arg4: memref<224x16x224xf32, #tpu.memory_space<vmem>>, %arg5: memref<224x16x224xbf16, #tpu.memory_space<vmem>>) attributes {dimension_semantics = [], scalar_prefetch = 0 : i64, scratch_operands = 2 : i64, tpu.core_type = #tpu.core_type<tc>} {
    %iota3A = tpu.iota {dimensions = array<i32: 0>} : vector<224x224xi32>
    %iota3A_0 = tpu.iota {dimensions = array<i32: 1>} : vector<224x224xi32>
    %add3A = arith.constant 1 : i32
    %add3A_1 = vector.broadcast %add3A : i32 to vector<224x224xi32>
    %add3A_2 = arith.addi %iota3A_0, %add3A_1 : vector<224x224xi32>
    %iota3A_3 = tpu.iota {dimensions = array<i32: 1>} : vector<224x224xi32>
    %get3A = arith.constant 0 : index
    %get3A_4 = arith.constant 0 : index
    %get3A_5 = arith.constant 0 : index
    %get3A_6 = vector.load %arg1[%get3A, %get3A_4, %get3A_5] : memref<16x1x224xi32, #tpu.memory_space<vmem>>, vector<1x1x224xi32>
    %get3A_7 = vector.shape_cast %get3A_6 : vector<1x1x224xi32> to vector<1x224xi32>
    %get3A_8 = arith.constant 0 : index
    %get3A_9 = arith.constant 0 : index
    %get3A_10 = arith.constant 0 : index
    %get3A_11 = vector.load %arg2[%get3A_8, %get3A_9, %get3A_10] : memref<16x224x1xi32, #tpu.memory_space<vmem>>, vector<1x224x1xi32>
    %get3A_12 = vector.shape_cast %get3A_11 : vector<1x224x1xi32> to vector<224x1xi32>
    %eq3A = vector.broadcast %get3A_7 : vector<1x224xi32> to vector<224x224xi32>
    %eq3A_13 = arith.cmpi eq, %eq3A, %iota3A : vector<224x224xi32>
    %jit3A = arith.constant 0 : i32
    %broadcast_in_dim3A = vector.broadcast %jit3A : i32 to vector<224x224xi32>
    %select_n3A = arith.select %eq3A_13, %add3A_2, %broadcast_in_dim3A : vector<224x224xi1>, vector<224x224xi32>
    %convert_element_type3A = arith.sitofp %select_n3A : vector<224x224xi32> to vector<224x224xbf16>
    %eq3A_14 = vector.broadcast %get3A_12 : vector<224x1xi32> to vector<224x224xi32>
    %eq3A_15 = arith.cmpi eq, %eq3A_14, %iota3A_3 : vector<224x224xi32>
    %convert_element_type3A_16 = arith.extui %eq3A_15 : vector<224x224xi1> to vector<224x224xi32>
    %convert_element_type3A_17 = arith.sitofp %convert_element_type3A_16 : vector<224x224xi32> to vector<224x224xf32>
    %convert_element_type3A_18 = arith.truncf %convert_element_type3A_17 : vector<224x224xf32> to vector<224x224xbf16>
    %dot_general3A = arith.constant dense<0.000000e+00> : vector<224x224xf32>
    %dot_general3A_19 = tpu.matmul %convert_element_type3A, %convert_element_type3A_18, %dot_general3A {dimension_numbers = #tpu.dot_dimension_numbers<[1], [0], [0], [1], [0, 0, 1, 1], [], []>, transpose_lhs_hint = false} : vector<224x224xbf16>, vector<224x224xbf16>, vector<224x224xf32> -> vector<224x224xf32>
    %gt3A = arith.constant 0.000000e+00 : f32
    %gt3A_20 = vector.broadcast %gt3A : f32 to vector<224x224xf32>
    %gt3A_21 = arith.cmpf ogt, %dot_general3A_19, %gt3A_20 : vector<224x224xf32>
    %sub3A = arith.constant 1.000000e+00 : f32
    %sub3A_22 = vector.broadcast %sub3A : f32 to vector<224x224xf32>
    %sub3A_23 = arith.subf %dot_general3A_19, %sub3A_22 : vector<224x224xf32>
    %convert_element_type3A_24 = arith.truncf %sub3A_23 : vector<224x224xf32> to vector<224x224xbf16>
    %reshape3A = vector.shape_cast %convert_element_type3A_24 : vector<224x224xbf16> to vector<224x1x224xbf16>
    %swap3A = arith.constant 0 : index
    %swap3A_25 = arith.constant 0 : index
    %swap3A_26 = arith.constant 0 : index
    %swap3A_27 = vector.load %arg5[%swap3A, %swap3A_25, %swap3A_26] : memref<224x16x224xbf16, #tpu.memory_space<vmem>>, vector<224x1x224xbf16>
    tpu.vector_store %arg5[%swap3A, %swap3A_25, %swap3A_26], %reshape3A {strides = array<i32>} : memref<224x16x224xbf16, #tpu.memory_space<vmem>>, vector<224x1x224xbf16>,
    %jit3A_28 = arith.constant 0.000000e+00 : f32
    %jit3A_29 = arith.constant 0x7F800000 : f32
    %broadcast_in_dim3A_30 = vector.broadcast %jit3A_28 : f32 to vector<224x224xf32>
    %broadcast_in_dim3A_31 = vector.broadcast %jit3A_29 : f32 to vector<224x224xf32>
    %select_n3A_32 = arith.select %gt3A_21, %broadcast_in_dim3A_30, %broadcast_in_dim3A_31 : vector<224x224xi1>, vector<224x224xf32>
    %reshape3A_33 = vector.shape_cast %select_n3A_32 : vector<224x224xf32> to vector<224x1x224xf32>
    %swap3A_34 = arith.constant 0 : index
    %swap3A_35 = arith.constant 0 : index
    %swap3A_36 = arith.constant 0 : index
    %swap3A_37 = vector.load %arg4[%swap3A_34, %swap3A_35, %swap3A_36] : memref<224x16x224xf32, #tpu.memory_space<vmem>>, vector<224x1x224xf32>
    tpu.vector_store %arg4[%swap3A_34, %swap3A_35, %swap3A_36], %reshape3A_33 {strides = array<i32>} : memref<224x16x224xf32, #tpu.memory_space<vmem>>, vector<224x1x224xf32>,
    %get3A_38 = arith.constant 1 : index
    %get3A_39 = arith.constant 0 : index
    %get3A_40 = arith.constant 0 : index
    %get3A_41 = vector.load %arg1[%get3A_38, %get3A_39, %get3A_40] : memref<16x1x224xi32, #tpu.memory_space<vmem>>, vector<1x1x224xi32>
    %get3A_42 = vector.shape_cast %get3A_41 : vector<1x1x224xi32> to vector<1x224xi32>
    %get3A_43 = arith.constant 1 : index
    %get3A_44 = arith.constant 0 : index
    %get3A_45 = arith.constant 0 : index
    %get3A_46 = vector.load %arg2[%get3A_43, %get3A_44, %get3A_45] : memref<16x224x1xi32, #tpu.memory_space<vmem>>, vector<1x224x1xi32>
    %get3A_47 = vector.shape_cast %get3A_46 : vector<1x224x1xi32> to vector<224x1xi32>
    %eq3A_48 = vector.broadcast %get3A_42 : vector<1x224xi32> to vector<224x224xi32>
    %eq3A_49 = arith.cmpi eq, %eq3A_48, %iota3A : vector<224x224xi32>
    %jit3A_50 = arith.constant 0 : i32
    %broadcast_in_dim3A_51 = vector.broadcast %jit3A_50 : i32 to vector<224x224xi32>
    %select_n3A_52 = arith.select %eq3A_49, %add3A_2, %broadcast_in_dim3A_51 : vector<224x224xi1>, vector<224x224xi32>
    %convert_element_type3A_53 = arith.sitofp %select_n3A_52 : vector<224x224xi32> to vector<224x224xbf16>
    %eq3A_54 = vector.broadcast %get3A_47 : vector<224x1xi32> to vector<224x224xi32>
    %eq3A_55 = arith.cmpi eq, %eq3A_54, %iota3A_3 : vector<224x224xi32>
    %convert_element_type3A_56 = arith.extui %eq3A_55 : vector<224x224xi1> to vector<224x224xi32>
    %convert_element_type3A_57 = arith.sitofp %convert_element_type3A_56 : vector<224x224xi32> to vector<224x224xf32>
    %convert_element_type3A_58 = arith.truncf %convert_element_type3A_57 : vector<224x224xf32> to vector<224x224xbf16>
    %dot_general3A_59 = arith.constant dense<0.000000e+00> : vector<224x224xf32>
    %dot_general3A_60 = tpu.matmul %convert_element_type3A_53, %convert_element_type3A_58, %dot_general3A_59 {dimension_numbers = #tpu.dot_dimension_numbers<[1], [0], [0], [1], [0, 0, 1, 1], [], []>, transpose_lhs_hint = false} : vector<224x224xbf16>, vector<224x224xbf16>, vector<224x224xf32> -> vector<224x224xf32>
    %gt3A_61 = arith.constant 0.000000e+00 : f32
    %gt3A_62 = vector.broadcast %gt3A_61 : f32 to vector<224x224xf32>
    %gt3A_63 = arith.cmpf ogt, %dot_general3A_60, %gt3A_62 : vector<224x224xf32>
    %sub3A_64 = arith.constant 1.000000e+00 : f32
    %sub3A_65 = vector.broadcast %sub3A_64 : f32 to vector<224x224xf32>
    %sub3A_66 = arith.subf %dot_general3A_60, %sub3A_65 : vector<224x224xf32>
    %convert_element_type3A_67 = arith.truncf %sub3A_66 : vector<224x224xf32> to vector<224x224xbf16>
    %reshape3A_68 = vector.shape_cast %convert_element_type3A_67 : vector<224x224xbf16> to vector<224x1x224xbf16>
    %swap3A_69 = arith.constant 0 : index
    %swap3A_70 = arith.constant 1 : index
    %swap3A_71 = arith.constant 0 : index
    %swap3A_72 = vector.load %arg5[%swap3A_69, %swap3A_70, %swap3A_71] : memref<224x16x224xbf16, #tpu.memory_space<vmem>>, vector<224x1x224xbf16>
    tpu.vector_store %arg5[%swap3A_69, %swap3A_70, %swap3A_71], %reshape3A_68 {strides = array<i32>} : memref<224x16x224xbf16, #tpu.memory_space<vmem>>, vector<224x1x224xbf16>,
    %jit3A_73 = arith.constant 0.000000e+00 : f32
    %jit3A_74 = arith.constant 0x7F800000 : f32
    %broadcast_in_dim3A_75 = vector.broadcast %jit3A_73 : f32 to vector<224x224xf32>
    %broadcast_in_dim3A_76 = vector.broadcast %jit3A_74 : f32 to vector<224x224xf32>
    %select_n3A_77 = arith.select %gt3A_63, %broadcast_in_dim3A_75, %broadcast_in_dim3A_76 : vector<224x224xi1>, vector<224x224xf32>
    %reshape3A_78 = vector.shape_cast %select_n3A_77 : vector<224x224xf32> to vector<224x1x224xf32>
    %swap3A_79 = arith.constant 0 : index
    %swap3A_80 = arith.constant 1 : index
    %swap3A_81 = arith.constant 0 : index
    %swap3A_82 = vector.load %arg4[%swap3A_79, %swap3A_80, %swap3A_81] : memref<224x16x224xf32, #tpu.memory_space<vmem>>, vector<224x1x224xf32>
    tpu.vector_store %arg4[%swap3A_79, %swap3A_80, %swap3A_81], %reshape3A_78 {strides = array<i32>} : memref<224x16x224xf32, #tpu.memory_space<vmem>>, vector<224x1x224xf32>,
    %get3A_83 = arith.constant 2 : index
    %get3A_84 = arith.constant 0 : index
    %get3A_85 = arith.constant 0 : index
    %get3A_86 = vector.load %arg1[%get3A_83, %get3A_84, %get3A_85] : memref<16x1x224xi32, #tpu.memory_space<vmem>>, vector<1x1x224xi32>
    %get3A_87 = vector.shape_cast %get3A_86 : vector<1x1x224xi32> to vector<1x224xi32>
    %get3A_88 = arith.constant 2 : index
    %get3A_89 = arith.constant 0 : index
    %get3A_90 = arith.constant 0 : index
    %get3A_91 = vector.load %arg2[%get3A_88, %get3A_89, %get3A_90] : memref<16x224x1xi32, #tpu.memory_space<vmem>>, vector<1x224x1xi32>
    %get3A_92 = vector.shape_cast %get3A_91 : vector<1x224x1xi32> to vector<224x1xi32>
    %eq3A_93 = vector.broadcast %get3A_87 : vector<1x224xi32> to vector<224x224xi32>
    %eq3A_94 = arith.cmpi eq, %eq3A_93, %iota3A : vector<224x224xi32>
    %jit3A_95 = arith.constant 0 : i32
    %broadcast_in_dim3A_96 = vector.broadcast %jit3A_95 : i32 to vector<224x224xi32>
    %select_n3A_97 = arith.select %eq3A_94, %add3A_2, %broadcast_in_dim3A_96 : vector<224x224xi1>, vector<224x224xi32>
    %convert_element_type3A_98 = arith.sitofp %select_n3A_97 : vector<224x224xi32> to vector<224x224xbf16>
    %eq3A_99 = vector.broadcast %get3A_92 : vector<224x1xi32> to vector<224x224xi32>
    %eq3A_100 = arith.cmpi eq, %eq3A_99, %iota3A_3 : vector<224x224xi32>
    %convert_element_type3A_101 = arith.extui %eq3A_100 : vector<224x224xi1> to vector<224x224xi32>
    %convert_element_type3A_102 = arith.sitofp %convert_element_type3A_101 : vector<224x224xi32> to vector<224x224xf32>
    %convert_element_type3A_103 = arith.truncf %convert_element_type3A_102 : vector<224x224xf32> to vector<224x224xbf16>
    %dot_general3A_104 = arith.constant dense<0.000000e+00> : vector<224x224xf32>
    %dot_general3A_105 = tpu.matmul %convert_element_type3A_98, %convert_element_type3A_103, %dot_general3A_104 {dimension_numbers = #tpu.dot_dimension_numbers<[1], [0], [0], [1], [0, 0, 1, 1], [], []>, transpose_lhs_hint = false} : vector<224x224xbf16>, vector<224x224xbf16>, vector<224x224xf32> -> vector<224x224xf32>
    %gt3A_106 = arith.constant 0.000000e+00 : f32
    %gt3A_107 = vector.broadcast %gt3A_106 : f32 to vector<224x224xf32>
    %gt3A_108 = arith.cmpf ogt, %dot_general3A_105, %gt3A_107 : vector<224x224xf32>
    %sub3A_109 = arith.constant 1.000000e+00 : f32
    %sub3A_110 = vector.broadcast %sub3A_109 : f32 to vector<224x224xf32>
    %sub3A_111 = arith.subf %dot_general3A_105, %sub3A_110 : vector<224x224xf32>
    %convert_element_type3A_112 = arith.truncf %sub3A_111 : vector<224x224xf32> to vector<224x224xbf16>
    %reshape3A_113 = vector.shape_cast %convert_element_type3A_112 : vector<224x224xbf16> to vector<224x1x224xbf16>
    %swap3A_114 = arith.constant 0 : index
    %swap3A_115 = arith.constant 2 : index
    %swap3A_116 = arith.constant 0 : index
    %swap3A_117 = vector.load %arg5[%swap3A_114, %swap3A_115, %swap3A_116] : memref<224x16x224xbf16, #tpu.memory_space<vmem>>, vector<224x1x224xbf16>
    tpu.vector_store %arg5[%swap3A_114, %swap3A_115, %swap3A_116], %reshape3A_113 {strides = array<i32>} : memref<224x16x224xbf16, #tpu.memory_space<vmem>>, vector<224x1x224xbf16>,
    %jit3A_118 = arith.constant 0.000000e+00 : f32
    %jit3A_119 = arith.constant 0x7F800000 : f32
    %broadcast_in_dim3A_120 = vector.broadcast %jit3A_118 : f32 to vector<224x224xf32>
    %broadcast_in_dim3A_121 = vector.broadcast %jit3A_119 : f32 to vector<224x224xf32>
    %select_n3A_122 = arith.select %gt3A_108, %broadcast_in_dim3A_120, %broadcast_in_dim3A_121 : vector<224x224xi1>, vector<224x224xf32>
    %reshape3A_123 = vector.shape_cast %select_n3A_122 : vector<224x224xf32> to vector<224x1x224xf32>
    %swap3A_124 = arith.constant 0 : index
    %swap3A_125 = arith.constant 2 : index
    %swap3A_126 = arith.constant 0 : index
    %swap3A_127 = vector.load %arg4[%swap3A_124, %swap3A_125, %swap3A_126] : memref<224x16x224xf32, #tpu.memory_space<vmem>>, vector<224x1x224xf32>
    tpu.vector_store %arg4[%swap3A_124, %swap3A_125, %swap3A_126], %reshape3A_123 {strides = array<i32>} : memref<224x16x224xf32, #tpu.memory_space<vmem>>, vector<224x1x224xf32>,
    %get3A_128 = arith.constant 3 : index
    %get3A_129 = arith.constant 0 : index
    %get3A_130 = arith.constant 0 : index
    %get3A_131 = vector.load %arg1[%get3A_128, %get3A_129, %get3A_130] : memref<16x1x224xi32, #tpu.memory_space<vmem>>, vector<1x1x224xi32>
    %get3A_132 = vector.shape_cast %get3A_131 : vector<1x1x224xi32> to vector<1x224xi32>
    %get3A_133 = arith.constant 3 : index
    %get3A_134 = arith.constant 0 : index
    %get3A_135 = arith.constant 0 : index
    %get3A_136 = vector.load %arg2[%get3A_133, %get3A_134, %get3A_135] : memref<16x224x1xi32, #tpu.memory_space<vmem>>, vector<1x224x1xi32>
    %get3A_137 = vector.shape_cast %get3A_136 : vector<1x224x1xi32> to vector<224x1xi32>
    %eq3A_138 = vector.broadcast %get3A_132 : vector<1x224xi32> to vector<224x224xi32>
    %eq3A_139 = arith.cmpi eq, %eq3A_138, %iota3A : vector<224x224xi32>
    %jit3A_140 = arith.constant 0 : i32
    %broadcast_in_dim3A_141 = vector.broadcast %jit3A_140 : i32 to vector<224x224xi32>
    %select_n3A_142 = arith.select %eq3A_139, %add3A_2, %broadcast_in_dim3A_141 : vector<224x224xi1>, vector<224x224xi32>
    %convert_element_type3A_143 = arith.sitofp %select_n3A_142 : vector<224x224xi32> to vector<224x224xbf16>
    %eq3A_144 = vector.broadcast %get3A_137 : vector<224x1xi32> to vector<224x224xi32>
    %eq3A_145 = arith.cmpi eq, %eq3A_144, %iota3A_3 : vector<224x224xi32>
    %convert_element_type3A_146 = arith.extui %eq3A_145 : vector<224x224xi1> to vector<224x224xi32>
    %convert_element_type3A_147 = arith.sitofp %convert_element_type3A_146 : vector<224x224xi32> to vector<224x224xf32>
    %convert_element_type3A_148 = arith.truncf %convert_element_type3A_147 : vector<224x224xf32> to vector<224x224xbf16>
    %dot_general3A_149 = arith.constant dense<0.000000e+00> : vector<224x224xf32>
    %dot_general3A_150 = tpu.matmul %convert_element_type3A_143, %convert_element_type3A_148, %dot_general3A_149 {dimension_numbers = #tpu.dot_dimension_numbers<[1], [0], [0], [1], [0, 0, 1, 1], [], []>, transpose_lhs_hint = false} : vector<224x224xbf16>, vector<224x224xbf16>, vector<224x224xf32> -> vector<224x224xf32>
    %gt3A_151 = arith.constant 0.000000e+00 : f32
    %gt3A_152 = vector.broadcast %gt3A_151 : f32 to vector<224x224xf32>
    %gt3A_153 = arith.cmpf ogt, %dot_general3A_150, %gt3A_152 : vector<224x224xf32>
    %sub3A_154 = arith.constant 1.000000e+00 : f32
    %sub3A_155 = vector.broadcast %sub3A_154 : f32 to vector<224x224xf32>
    %sub3A_156 = arith.subf %dot_general3A_150, %sub3A_155 : vector<224x224xf32>
    %convert_element_type3A_157 = arith.truncf %sub3A_156 : vector<224x224xf32> to vector<224x224xbf16>
    %reshape3A_158 = vector.shape_cast %convert_element_type3A_157 : vector<224x224xbf16> to vector<224x1x224xbf16>
    %swap3A_159 = arith.constant 0 : index
    %swap3A_160 = arith.constant 3 : index
    %swap3A_161 = arith.constant 0 : index
    %swap3A_162 = vector.load %arg5[%swap3A_159, %swap3A_160, %swap3A_161] : memref<224x16x224xbf16, #tpu.memory_space<vmem>>, vector<224x1x224xbf16>
    tpu.vector_store %arg5[%swap3A_159, %swap3A_160, %swap3A_161], %reshape3A_158 {strides = array<i32>} : memref<224x16x224xbf16, #tpu.memory_space<vmem>>, vector<224x1x224xbf16>,
    %jit3A_163 = arith.constant 0.000000e+00 : f32
    %jit3A_164 = arith.constant 0x7F800000 : f32
    %broadcast_in_dim3A_165 = vector.broadcast %jit3A_163 : f32 to vector<224x224xf32>
    %broadcast_in_dim3A_166 = vector.broadcast %jit3A_164 : f32 to vector<224x224xf32>
    %select_n3A_167 = arith.select %gt3A_153, %broadcast_in_dim3A_165, %broadcast_in_dim3A_166 : vector<224x224xi1>, vector<224x224xf32>
    %reshape3A_168 = vector.shape_cast %select_n3A_167 : vector<224x224xf32> to vector<224x1x224xf32>
    %swap3A_169 = arith.constant 0 : index
    %swap3A_170 = arith.constant 3 : index
    %swap3A_171 = arith.constant 0 : index
    %swap3A_172 = vector.load %arg4[%swap3A_169, %swap3A_170, %swap3A_171] : memref<224x16x224xf32, #tpu.memory_space<vmem>>, vector<224x1x224xf32>
    tpu.vector_store %arg4[%swap3A_169, %swap3A_170, %swap3A_171], %reshape3A_168 {strides = array<i32>} : memref<224x16x224xf32, #tpu.memory_space<vmem>>, vector<224x1x224xf32>,
    %get3A_173 = arith.constant 4 : index
    %get3A_174 = arith.constant 0 : index
    %get3A_175 = arith.constant 0 : index
    %get3A_176 = vector.load %arg1[%get3A_173, %get3A_174, %get3A_175] : memref<16x1x224xi32, #tpu.memory_space<vmem>>, vector<1x1x224xi32>
    %get3A_177 = vector.shape_cast %get3A_176 : vector<1x1x224xi32> to vector<1x224xi32>
    %get3A_178 = arith.constant 4 : index
    %get3A_179 = arith.constant 0 : index
    %get3A_180 = arith.constant 0 : index
    %get3A_181 = vector.load %arg2[%get3A_178, %get3A_179, %get3A_180] : memref<16x224x1xi32, #tpu.memory_space<vmem>>, vector<1x224x1xi32>
    %get3A_182 = vector.shape_cast %get3A_181 : vector<1x224x1xi32> to vector<224x1xi32>
    %eq3A_183 = vector.broadcast %get3A_177 : vector<1x224xi32> to vector<224x224xi32>
    %eq3A_184 = arith.cmpi eq, %eq3A_183, %iota3A : vector<224x224xi32>
    %jit3A_185 = arith.constant 0 : i32
    %broadcast_in_dim3A_186 = vector.broadcast %jit3A_185 : i32 to vector<224x224xi32>
    %select_n3A_187 = arith.select %eq3A_184, %add3A_2, %broadcast_in_dim3A_186 : vector<224x224xi1>, vector<224x224xi32>
    %convert_element_type3A_188 = arith.sitofp %select_n3A_187 : vector<224x224xi32> to vector<224x224xbf16>
    %eq3A_189 = vector.broadcast %get3A_182 : vector<224x1xi32> to vector<224x224xi32>
    %eq3A_190 = arith.cmpi eq, %eq3A_189, %iota3A_3 : vector<224x224xi32>
    %convert_element_type3A_191 = arith.extui %eq3A_190 : vector<224x224xi1> to vector<224x224xi32>
    %convert_element_type3A_192 = arith.sitofp %convert_element_type3A_191 : vector<224x224xi32> to vector<224x224xf32>
    %convert_element_type3A_193 = arith.truncf %convert_element_type3A_192 : vector<224x224xf32> to vector<224x224xbf16>
    %dot_general3A_194 = arith.constant dense<0.000000e+00> : vector<224x224xf32>
    %dot_general3A_195 = tpu.matmul %convert_element_type3A_188, %convert_element_type3A_193, %dot_general3A_194 {dimension_numbers = #tpu.dot_dimension_numbers<[1], [0], [0], [1], [0, 0, 1, 1], [], []>, transpose_lhs_hint = false} : vector<224x224xbf16>, vector<224x224xbf16>, vector<224x224xf32> -> vector<224x224xf32>
    %gt3A_196 = arith.constant 0.000000e+00 : f32
    %gt3A_197 = vector.broadcast %gt3A_196 : f32 to vector<224x224xf32>
    %gt3A_198 = arith.cmpf ogt, %dot_general3A_195, %gt3A_197 : vector<224x224xf32>
    %sub3A_199 = arith.constant 1.000000e+00 : f32
    %sub3A_200 = vector.broadcast %sub3A_199 : f32 to vector<224x224xf32>
    %sub3A_201 = arith.subf %dot_general3A_195, %sub3A_200 : vector<224x224xf32>
    %convert_element_type3A_202 = arith.truncf %sub3A_201 : vector<224x224xf32> to vector<224x224xbf16>
    %reshape3A_203 = vector.shape_cast %convert_element_type3A_202 : vector<224x224xbf16> to vector<224x1x224xbf16>
    %swap3A_204 = arith.constant 0 : index
    %swap3A_205 = arith.constant 4 : index
    %swap3A_206 = arith.constant 0 : index
    %swap3A_207 = vector.load %arg5[%swap3A_204, %swap3A_205, %swap3A_206] : memref<224x16x224xbf16, #tpu.memory_space<vmem>>, vector<224x1x224xbf16>
    tpu.vector_store %arg5[%swap3A_204, %swap3A_205, %swap3A_206], %reshape3A_203 {strides = array<i32>} : memref<224x16x224xbf16, #tpu.memory_space<vmem>>, vector<224x1x224xbf16>,
    %jit3A_208 = arith.constant 0.000000e+00 : f32
    %jit3A_209 = arith.constant 0x7F800000 : f32
    %broadcast_in_dim3A_210 = vector.broadcast %jit3A_208 : f32 to vector<224x224xf32>
    %broadcast_in_dim3A_211 = vector.broadcast %jit3A_209 : f32 to vector<224x224xf32>
    %select_n3A_212 = arith.select %gt3A_198, %broadcast_in_dim3A_210, %broadcast_in_dim3A_211 : vector<224x224xi1>, vector<224x224xf32>
    %reshape3A_213 = vector.shape_cast %select_n3A_212 : vector<224x224xf32> to vector<224x1x224xf32>
    %swap3A_214 = arith.constant 0 : index
    %swap3A_215 = arith.constant 4 : index
    %swap3A_216 = arith.constant 0 : index
    %swap3A_217 = vector.load %arg4[%swap3A_214, %swap3A_215, %swap3A_216] : memref<224x16x224xf32, #tpu.memory_space<vmem>>, vector<224x1x224xf32>
    tpu.vector_store %arg4[%swap3A_214, %swap3A_215, %swap3A_216], %reshape3A_213 {strides = array<i32>} : memref<224x16x224xf32, #tpu.memory_space<vmem>>, vector<224x1x224xf32>,
    %get3A_218 = arith.constant 5 : index
    %get3A_219 = arith.constant 0 : index
    %get3A_220 = arith.constant 0 : index
    %get3A_221 = vector.load %arg1[%get3A_218, %get3A_219, %get3A_220] : memref<16x1x224xi32, #tpu.memory_space<vmem>>, vector<1x1x224xi32>
    %get3A_222 = vector.shape_cast %get3A_221 : vector<1x1x224xi32> to vector<1x224xi32>
    %get3A_223 = arith.constant 5 : index
    %get3A_224 = arith.constant 0 : index
    %get3A_225 = arith.constant 0 : index
    %get3A_226 = vector.load %arg2[%get3A_223, %get3A_224, %get3A_225] : memref<16x224x1xi32, #tpu.memory_space<vmem>>, vector<1x224x1xi32>
    %get3A_227 = vector.shape_cast %get3A_226 : vector<1x224x1xi32> to vector<224x1xi32>
    %eq3A_228 = vector.broadcast %get3A_222 : vector<1x224xi32> to vector<224x224xi32>
    %eq3A_229 = arith.cmpi eq, %eq3A_228, %iota3A : vector<224x224xi32>
    %jit3A_230 = arith.constant 0 : i32
    %broadcast_in_dim3A_231 = vector.broadcast %jit3A_230 : i32 to vector<224x224xi32>
    %select_n3A_232 = arith.select %eq3A_229, %add3A_2, %broadcast_in_dim3A_231 : vector<224x224xi1>, vector<224x224xi32>
    %convert_element_type3A_233 = arith.sitofp %select_n3A_232 : vector<224x224xi32> to vector<224x224xbf16>
    %eq3A_234 = vector.broadcast %get3A_227 : vector<224x1xi32> to vector<224x224xi32>
    %eq3A_235 = arith.cmpi eq, %eq3A_234, %iota3A_3 : vector<224x224xi32>
    %convert_element_type3A_236 = arith.extui %eq3A_235 : vector<224x224xi1> to vector<224x224xi32>
    %convert_element_type3A_237 = arith.sitofp %convert_element_type3A_236 : vector<224x224xi32> to vector<224x224xf32>
    %convert_element_type3A_238 = arith.truncf %convert_element_type3A_237 : vector<224x224xf32> to vector<224x224xbf16>
    %dot_general3A_239 = arith.constant dense<0.000000e+00> : vector<224x224xf32>
    %dot_general3A_240 = tpu.matmul %convert_element_type3A_233, %convert_element_type3A_238, %dot_general3A_239 {dimension_numbers = #tpu.dot_dimension_numbers<[1], [0], [0], [1], [0, 0, 1, 1], [], []>, transpose_lhs_hint = false} : vector<224x224xbf16>, vector<224x224xbf16>, vector<224x224xf32> -> vector<224x224xf32>
    %gt3A_241 = arith.constant 0.000000e+00 : f32
    %gt3A_242 = vector.broadcast %gt3A_241 : f32 to vector<224x224xf32>
    %gt3A_243 = arith.cmpf ogt, %dot_general3A_240, %gt3A_242 : vector<224x224xf32>
    %sub3A_244 = arith.constant 1.000000e+00 : f32
    %sub3A_245 = vector.broadcast %sub3A_244 : f32 to vector<224x224xf32>
    %sub3A_246 = arith.subf %dot_general3A_240, %sub3A_245 : vector<224x224xf32>
    %convert_element_type3A_247 = arith.truncf %sub3A_246 : vector<224x224xf32> to vector<224x224xbf16>
    %reshape3A_248 = vector.shape_cast %convert_element_type3A_247 : vector<224x224xbf16> to vector<224x1x224xbf16>
    %swap3A_249 = arith.constant 0 : index
    %swap3A_250 = arith.constant 5 : index
    %swap3A_251 = arith.constant 0 : index
    %swap3A_252 = vector.load %arg5[%swap3A_249, %swap3A_250, %swap3A_251] : memref<224x16x224xbf16, #tpu.memory_space<vmem>>, vector<224x1x224xbf16>
    tpu.vector_store %arg5[%swap3A_249, %swap3A_250, %swap3A_251], %reshape3A_248 {strides = array<i32>} : memref<224x16x224xbf16, #tpu.memory_space<vmem>>, vector<224x1x224xbf16>,
    %jit3A_253 = arith.constant 0.000000e+00 : f32
    %jit3A_254 = arith.constant 0x7F800000 : f32
    %broadcast_in_dim3A_255 = vector.broadcast %jit3A_253 : f32 to vector<224x224xf32>
    %broadcast_in_dim3A_256 = vector.broadcast %jit3A_254 : f32 to vector<224x224xf32>
    %select_n3A_257 = arith.select %gt3A_243, %broadcast_in_dim3A_255, %broadcast_in_dim3A_256 : vector<224x224xi1>, vector<224x224xf32>
    %reshape3A_258 = vector.shape_cast %select_n3A_257 : vector<224x224xf32> to vector<224x1x224xf32>
    %swap3A_259 = arith.constant 0 : index
    %swap3A_260 = arith.constant 5 : index
    %swap3A_261 = arith.constant 0 : index
    %swap3A_262 = vector.load %arg4[%swap3A_259, %swap3A_260, %swap3A_261] : memref<224x16x224xf32, #tpu.memory_space<vmem>>, vector<224x1x224xf32>
    tpu.vector_store %arg4[%swap3A_259, %swap3A_260, %swap3A_261], %reshape3A_258 {strides = array<i32>} : memref<224x16x224xf32, #tpu.memory_space<vmem>>, vector<224x1x224xf32>,
    %get3A_263 = arith.constant 6 : index
    %get3A_264 = arith.constant 0 : index
    %get3A_265 = arith.constant 0 : index
    %get3A_266 = vector.load %arg1[%get3A_263, %get3A_264, %get3A_265] : memref<16x1x224xi32, #tpu.memory_space<vmem>>, vector<1x1x224xi32>
    %get3A_267 = vector.shape_cast %get3A_266 : vector<1x1x224xi32> to vector<1x224xi32>
    %get3A_268 = arith.constant 6 : index
    %get3A_269 = arith.constant 0 : index
    %get3A_270 = arith.constant 0 : index
    %get3A_271 = vector.load %arg2[%get3A_268, %get3A_269, %get3A_270] : memref<16x224x1xi32, #tpu.memory_space<vmem>>, vector<1x224x1xi32>
    %get3A_272 = vector.shape_cast %get3A_271 : vector<1x224x1xi32> to vector<224x1xi32>
    %eq3A_273 = vector.broadcast %get3A_267 : vector<1x224xi32> to vector<224x224xi32>
    %eq3A_274 = arith.cmpi eq, %eq3A_273, %iota3A : vector<224x224xi32>
    %jit3A_275 = arith.constant 0 : i32
    %broadcast_in_dim3A_276 = vector.broadcast %jit3A_275 : i32 to vector<224x224xi32>
    %select_n3A_277 = arith.select %eq3A_274, %add3A_2, %broadcast_in_dim3A_276 : vector<224x224xi1>, vector<224x224xi32>
    %convert_element_type3A_278 = arith.sitofp %select_n3A_277 : vector<224x224xi32> to vector<224x224xbf16>
    %eq3A_279 = vector.broadcast %get3A_272 : vector<224x1xi32> to vector<224x224xi32>
    %eq3A_280 = arith.cmpi eq, %eq3A_279, %iota3A_3 : vector<224x224xi32>
    %convert_element_type3A_281 = arith.extui %eq3A_280 : vector<224x224xi1> to vector<224x224xi32>
    %convert_element_type3A_282 = arith.sitofp %convert_element_type3A_281 : vector<224x224xi32> to vector<224x224xf32>
    %convert_element_type3A_283 = arith.truncf %convert_element_type3A_282 : vector<224x224xf32> to vector<224x224xbf16>
    %dot_general3A_284 = arith.constant dense<0.000000e+00> : vector<224x224xf32>
    %dot_general3A_285 = tpu.matmul %convert_element_type3A_278, %convert_element_type3A_283, %dot_general3A_284 {dimension_numbers = #tpu.dot_dimension_numbers<[1], [0], [0], [1], [0, 0, 1, 1], [], []>, transpose_lhs_hint = false} : vector<224x224xbf16>, vector<224x224xbf16>, vector<224x224xf32> -> vector<224x224xf32>
    %gt3A_286 = arith.constant 0.000000e+00 : f32
    %gt3A_287 = vector.broadcast %gt3A_286 : f32 to vector<224x224xf32>
    %gt3A_288 = arith.cmpf ogt, %dot_general3A_285, %gt3A_287 : vector<224x224xf32>
    %sub3A_289 = arith.constant 1.000000e+00 : f32
    %sub3A_290 = vector.broadcast %sub3A_289 : f32 to vector<224x224xf32>
    %sub3A_291 = arith.subf %dot_general3A_285, %sub3A_290 : vector<224x224xf32>
    %convert_element_type3A_292 = arith.truncf %sub3A_291 : vector<224x224xf32> to vector<224x224xbf16>
    %reshape3A_293 = vector.shape_cast %convert_element_type3A_292 : vector<224x224xbf16> to vector<224x1x224xbf16>
    %swap3A_294 = arith.constant 0 : index
    %swap3A_295 = arith.constant 6 : index
    %swap3A_296 = arith.constant 0 : index
    %swap3A_297 = vector.load %arg5[%swap3A_294, %swap3A_295, %swap3A_296] : memref<224x16x224xbf16, #tpu.memory_space<vmem>>, vector<224x1x224xbf16>
    tpu.vector_store %arg5[%swap3A_294, %swap3A_295, %swap3A_296], %reshape3A_293 {strides = array<i32>} : memref<224x16x224xbf16, #tpu.memory_space<vmem>>, vector<224x1x224xbf16>,
    %jit3A_298 = arith.constant 0.000000e+00 : f32
    %jit3A_299 = arith.constant 0x7F800000 : f32
    %broadcast_in_dim3A_300 = vector.broadcast %jit3A_298 : f32 to vector<224x224xf32>
    %broadcast_in_dim3A_301 = vector.broadcast %jit3A_299 : f32 to vector<224x224xf32>
    %select_n3A_302 = arith.select %gt3A_288, %broadcast_in_dim3A_300, %broadcast_in_dim3A_301 : vector<224x224xi1>, vector<224x224xf32>
    %reshape3A_303 = vector.shape_cast %select_n3A_302 : vector<224x224xf32> to vector<224x1x224xf32>
    %swap3A_304 = arith.constant 0 : index
    %swap3A_305 = arith.constant 6 : index
    %swap3A_306 = arith.constant 0 : index
    %swap3A_307 = vector.load %arg4[%swap3A_304, %swap3A_305, %swap3A_306] : memref<224x16x224xf32, #tpu.memory_space<vmem>>, vector<224x1x224xf32>
    tpu.vector_store %arg4[%swap3A_304, %swap3A_305, %swap3A_306], %reshape3A_303 {strides = array<i32>} : memref<224x16x224xf32, #tpu.memory_space<vmem>>, vector<224x1x224xf32>,
    %get3A_308 = arith.constant 7 : index
    %get3A_309 = arith.constant 0 : index
    %get3A_310 = arith.constant 0 : index
    %get3A_311 = vector.load %arg1[%get3A_308, %get3A_309, %get3A_310] : memref<16x1x224xi32, #tpu.memory_space<vmem>>, vector<1x1x224xi32>
    %get3A_312 = vector.shape_cast %get3A_311 : vector<1x1x224xi32> to vector<1x224xi32>
    %get3A_313 = arith.constant 7 : index
    %get3A_314 = arith.constant 0 : index
    %get3A_315 = arith.constant 0 : index
    %get3A_316 = vector.load %arg2[%get3A_313, %get3A_314, %get3A_315] : memref<16x224x1xi32, #tpu.memory_space<vmem>>, vector<1x224x1xi32>
    %get3A_317 = vector.shape_cast %get3A_316 : vector<1x224x1xi32> to vector<224x1xi32>
    %eq3A_318 = vector.broadcast %get3A_312 : vector<1x224xi32> to vector<224x224xi32>
    %eq3A_319 = arith.cmpi eq, %eq3A_318, %iota3A : vector<224x224xi32>
    %jit3A_320 = arith.constant 0 : i32
    %broadcast_in_dim3A_321 = vector.broadcast %jit3A_320 : i32 to vector<224x224xi32>
    %select_n3A_322 = arith.select %eq3A_319, %add3A_2, %broadcast_in_dim3A_321 : vector<224x224xi1>, vector<224x224xi32>
    %convert_element_type3A_323 = arith.sitofp %select_n3A_322 : vector<224x224xi32> to vector<224x224xbf16>
    %eq3A_324 = vector.broadcast %get3A_317 : vector<224x1xi32> to vector<224x224xi32>
    %eq3A_325 = arith.cmpi eq, %eq3A_324, %iota3A_3 : vector<224x224xi32>
    %convert_element_type3A_326 = arith.extui %eq3A_325 : vector<224x224xi1> to vector<224x224xi32>
    %convert_element_type3A_327 = arith.sitofp %convert_element_type3A_326 : vector<224x224xi32> to vector<224x224xf32>
    %convert_element_type3A_328 = arith.truncf %convert_element_type3A_327 : vector<224x224xf32> to vector<224x224xbf16>
    %dot_general3A_329 = arith.constant dense<0.000000e+00> : vector<224x224xf32>
    %dot_general3A_330 = tpu.matmul %convert_element_type3A_323, %convert_element_type3A_328, %dot_general3A_329 {dimension_numbers = #tpu.dot_dimension_numbers<[1], [0], [0], [1], [0, 0, 1, 1], [], []>, transpose_lhs_hint = false} : vector<224x224xbf16>, vector<224x224xbf16>, vector<224x224xf32> -> vector<224x224xf32>
    %gt3A_331 = arith.constant 0.000000e+00 : f32
    %gt3A_332 = vector.broadcast %gt3A_331 : f32 to vector<224x224xf32>
    %gt3A_333 = arith.cmpf ogt, %dot_general3A_330, %gt3A_332 : vector<224x224xf32>
    %sub3A_334 = arith.constant 1.000000e+00 : f32
    %sub3A_335 = vector.broadcast %sub3A_334 : f32 to vector<224x224xf32>
    %sub3A_336 = arith.subf %dot_general3A_330, %sub3A_335 : vector<224x224xf32>
    %convert_element_type3A_337 = arith.truncf %sub3A_336 : vector<224x224xf32> to vector<224x224xbf16>
    %reshape3A_338 = vector.shape_cast %convert_element_type3A_337 : vector<224x224xbf16> to vector<224x1x224xbf16>
    %swap3A_339 = arith.constant 0 : index
    %swap3A_340 = arith.constant 7 : index
    %swap3A_341 = arith.constant 0 : index
    %swap3A_342 = vector.load %arg5[%swap3A_339, %swap3A_340, %swap3A_341] : memref<224x16x224xbf16, #tpu.memory_space<vmem>>, vector<224x1x224xbf16>
    tpu.vector_store %arg5[%swap3A_339, %swap3A_340, %swap3A_341], %reshape3A_338 {strides = array<i32>} : memref<224x16x224xbf16, #tpu.memory_space<vmem>>, vector<224x1x224xbf16>,
    %jit3A_343 = arith.constant 0.000000e+00 : f32
    %jit3A_344 = arith.constant 0x7F800000 : f32
    %broadcast_in_dim3A_345 = vector.broadcast %jit3A_343 : f32 to vector<224x224xf32>
    %broadcast_in_dim3A_346 = vector.broadcast %jit3A_344 : f32 to vector<224x224xf32>
    %select_n3A_347 = arith.select %gt3A_333, %broadcast_in_dim3A_345, %broadcast_in_dim3A_346 : vector<224x224xi1>, vector<224x224xf32>
    %reshape3A_348 = vector.shape_cast %select_n3A_347 : vector<224x224xf32> to vector<224x1x224xf32>
    %swap3A_349 = arith.constant 0 : index
    %swap3A_350 = arith.constant 7 : index
    %swap3A_351 = arith.constant 0 : index
    %swap3A_352 = vector.load %arg4[%swap3A_349, %swap3A_350, %swap3A_351] : memref<224x16x224xf32, #tpu.memory_space<vmem>>, vector<224x1x224xf32>
    tpu.vector_store %arg4[%swap3A_349, %swap3A_350, %swap3A_351], %reshape3A_348 {strides = array<i32>} : memref<224x16x224xf32, #tpu.memory_space<vmem>>, vector<224x1x224xf32>,
    %get3A_353 = arith.constant 8 : index
    %get3A_354 = arith.constant 0 : index
    %get3A_355 = arith.constant 0 : index
    %get3A_356 = vector.load %arg1[%get3A_353, %get3A_354, %get3A_355] : memref<16x1x224xi32, #tpu.memory_space<vmem>>, vector<1x1x224xi32>
    %get3A_357 = vector.shape_cast %get3A_356 : vector<1x1x224xi32> to vector<1x224xi32>
    %get3A_358 = arith.constant 8 : index
    %get3A_359 = arith.constant 0 : index
    %get3A_360 = arith.constant 0 : index
    %get3A_361 = vector.load %arg2[%get3A_358, %get3A_359, %get3A_360] : memref<16x224x1xi32, #tpu.memory_space<vmem>>, vector<1x224x1xi32>
    %get3A_362 = vector.shape_cast %get3A_361 : vector<1x224x1xi32> to vector<224x1xi32>
    %eq3A_363 = vector.broadcast %get3A_357 : vector<1x224xi32> to vector<224x224xi32>
    %eq3A_364 = arith.cmpi eq, %eq3A_363, %iota3A : vector<224x224xi32>
    %jit3A_365 = arith.constant 0 : i32
    %broadcast_in_dim3A_366 = vector.broadcast %jit3A_365 : i32 to vector<224x224xi32>
    %select_n3A_367 = arith.select %eq3A_364, %add3A_2, %broadcast_in_dim3A_366 : vector<224x224xi1>, vector<224x224xi32>
    %convert_element_type3A_368 = arith.sitofp %select_n3A_367 : vector<224x224xi32> to vector<224x224xbf16>
    %eq3A_369 = vector.broadcast %get3A_362 : vector<224x1xi32> to vector<224x224xi32>
    %eq3A_370 = arith.cmpi eq, %eq3A_369, %iota3A_3 : vector<224x224xi32>
    %convert_element_type3A_371 = arith.extui %eq3A_370 : vector<224x224xi1> to vector<224x224xi32>
    %convert_element_type3A_372 = arith.sitofp %convert_element_type3A_371 : vector<224x224xi32> to vector<224x224xf32>
    %convert_element_type3A_373 = arith.truncf %convert_element_type3A_372 : vector<224x224xf32> to vector<224x224xbf16>
    %dot_general3A_374 = arith.constant dense<0.000000e+00> : vector<224x224xf32>
    %dot_general3A_375 = tpu.matmul %convert_element_type3A_368, %convert_element_type3A_373, %dot_general3A_374 {dimension_numbers = #tpu.dot_dimension_numbers<[1], [0], [0], [1], [0, 0, 1, 1], [], []>, transpose_lhs_hint = false} : vector<224x224xbf16>, vector<224x224xbf16>, vector<224x224xf32> -> vector<224x224xf32>
    %gt3A_376 = arith.constant 0.000000e+00 : f32
    %gt3A_377 = vector.broadcast %gt3A_376 : f32 to vector<224x224xf32>
    %gt3A_378 = arith.cmpf ogt, %dot_general3A_375, %gt3A_377 : vector<224x224xf32>
    %sub3A_379 = arith.constant 1.000000e+00 : f32
    %sub3A_380 = vector.broadcast %sub3A_379 : f32 to vector<224x224xf32>
    %sub3A_381 = arith.subf %dot_general3A_375, %sub3A_380 : vector<224x224xf32>
    %convert_element_type3A_382 = arith.truncf %sub3A_381 : vector<224x224xf32> to vector<224x224xbf16>
    %reshape3A_383 = vector.shape_cast %convert_element_type3A_382 : vector<224x224xbf16> to vector<224x1x224xbf16>
    %swap3A_384 = arith.constant 0 : index
    %swap3A_385 = arith.constant 8 : index
    %swap3A_386 = arith.constant 0 : index
    %swap3A_387 = vector.load %arg5[%swap3A_384, %swap3A_385, %swap3A_386] : memref<224x16x224xbf16, #tpu.memory_space<vmem>>, vector<224x1x224xbf16>
    tpu.vector_store %arg5[%swap3A_384, %swap3A_385, %swap3A_386], %reshape3A_383 {strides = array<i32>} : memref<224x16x224xbf16, #tpu.memory_space<vmem>>, vector<224x1x224xbf16>,
    %jit3A_388 = arith.constant 0.000000e+00 : f32
    %jit3A_389 = arith.constant 0x7F800000 : f32
    %broadcast_in_dim3A_390 = vector.broadcast %jit3A_388 : f32 to vector<224x224xf32>
    %broadcast_in_dim3A_391 = vector.broadcast %jit3A_389 : f32 to vector<224x224xf32>
    %select_n3A_392 = arith.select %gt3A_378, %broadcast_in_dim3A_390, %broadcast_in_dim3A_391 : vector<224x224xi1>, vector<224x224xf32>
    %reshape3A_393 = vector.shape_cast %select_n3A_392 : vector<224x224xf32> to vector<224x1x224xf32>
    %swap3A_394 = arith.constant 0 : index
    %swap3A_395 = arith.constant 8 : index
    %swap3A_396 = arith.constant 0 : index
    %swap3A_397 = vector.load %arg4[%swap3A_394, %swap3A_395, %swap3A_396] : memref<224x16x224xf32, #tpu.memory_space<vmem>>, vector<224x1x224xf32>
    tpu.vector_store %arg4[%swap3A_394, %swap3A_395, %swap3A_396], %reshape3A_393 {strides = array<i32>} : memref<224x16x224xf32, #tpu.memory_space<vmem>>, vector<224x1x224xf32>,
    %get3A_398 = arith.constant 9 : index
    %get3A_399 = arith.constant 0 : index
    %get3A_400 = arith.constant 0 : index
    %get3A_401 = vector.load %arg1[%get3A_398, %get3A_399, %get3A_400] : memref<16x1x224xi32, #tpu.memory_space<vmem>>, vector<1x1x224xi32>
    %get3A_402 = vector.shape_cast %get3A_401 : vector<1x1x224xi32> to vector<1x224xi32>
    %get3A_403 = arith.constant 9 : index
    %get3A_404 = arith.constant 0 : index
    %get3A_405 = arith.constant 0 : index
    %get3A_406 = vector.load %arg2[%get3A_403, %get3A_404, %get3A_405] : memref<16x224x1xi32, #tpu.memory_space<vmem>>, vector<1x224x1xi32>
    %get3A_407 = vector.shape_cast %get3A_406 : vector<1x224x1xi32> to vector<224x1xi32>
    %eq3A_408 = vector.broadcast %get3A_402 : vector<1x224xi32> to vector<224x224xi32>
    %eq3A_409 = arith.cmpi eq, %eq3A_408, %iota3A : vector<224x224xi32>
    %jit3A_410 = arith.constant 0 : i32
    %broadcast_in_dim3A_411 = vector.broadcast %jit3A_410 : i32 to vector<224x224xi32>
    %select_n3A_412 = arith.select %eq3A_409, %add3A_2, %broadcast_in_dim3A_411 : vector<224x224xi1>, vector<224x224xi32>
    %convert_element_type3A_413 = arith.sitofp %select_n3A_412 : vector<224x224xi32> to vector<224x224xbf16>
    %eq3A_414 = vector.broadcast %get3A_407 : vector<224x1xi32> to vector<224x224xi32>
    %eq3A_415 = arith.cmpi eq, %eq3A_414, %iota3A_3 : vector<224x224xi32>
    %convert_element_type3A_416 = arith.extui %eq3A_415 : vector<224x224xi1> to vector<224x224xi32>
    %convert_element_type3A_417 = arith.sitofp %convert_element_type3A_416 : vector<224x224xi32> to vector<224x224xf32>
    %convert_element_type3A_418 = arith.truncf %convert_element_type3A_417 : vector<224x224xf32> to vector<224x224xbf16>
    %dot_general3A_419 = arith.constant dense<0.000000e+00> : vector<224x224xf32>
    %dot_general3A_420 = tpu.matmul %convert_element_type3A_413, %convert_element_type3A_418, %dot_general3A_419 {dimension_numbers = #tpu.dot_dimension_numbers<[1], [0], [0], [1], [0, 0, 1, 1], [], []>, transpose_lhs_hint = false} : vector<224x224xbf16>, vector<224x224xbf16>, vector<224x224xf32> -> vector<224x224xf32>
    %gt3A_421 = arith.constant 0.000000e+00 : f32
    %gt3A_422 = vector.broadcast %gt3A_421 : f32 to vector<224x224xf32>
    %gt3A_423 = arith.cmpf ogt, %dot_general3A_420, %gt3A_422 : vector<224x224xf32>
    %sub3A_424 = arith.constant 1.000000e+00 : f32
    %sub3A_425 = vector.broadcast %sub3A_424 : f32 to vector<224x224xf32>
    %sub3A_426 = arith.subf %dot_general3A_420, %sub3A_425 : vector<224x224xf32>
    %convert_element_type3A_427 = arith.truncf %sub3A_426 : vector<224x224xf32> to vector<224x224xbf16>
    %reshape3A_428 = vector.shape_cast %convert_element_type3A_427 : vector<224x224xbf16> to vector<224x1x224xbf16>
    %swap3A_429 = arith.constant 0 : index
    %swap3A_430 = arith.constant 9 : index
    %swap3A_431 = arith.constant 0 : index
    %swap3A_432 = vector.load %arg5[%swap3A_429, %swap3A_430, %swap3A_431] : memref<224x16x224xbf16, #tpu.memory_space<vmem>>, vector<224x1x224xbf16>
    tpu.vector_store %arg5[%swap3A_429, %swap3A_430, %swap3A_431], %reshape3A_428 {strides = array<i32>} : memref<224x16x224xbf16, #tpu.memory_space<vmem>>, vector<224x1x224xbf16>,
    %jit3A_433 = arith.constant 0.000000e+00 : f32
    %jit3A_434 = arith.constant 0x7F800000 : f32
    %broadcast_in_dim3A_435 = vector.broadcast %jit3A_433 : f32 to vector<224x224xf32>
    %broadcast_in_dim3A_436 = vector.broadcast %jit3A_434 : f32 to vector<224x224xf32>
    %select_n3A_437 = arith.select %gt3A_423, %broadcast_in_dim3A_435, %broadcast_in_dim3A_436 : vector<224x224xi1>, vector<224x224xf32>
    %reshape3A_438 = vector.shape_cast %select_n3A_437 : vector<224x224xf32> to vector<224x1x224xf32>
    %swap3A_439 = arith.constant 0 : index
    %swap3A_440 = arith.constant 9 : index
    %swap3A_441 = arith.constant 0 : index
    %swap3A_442 = vector.load %arg4[%swap3A_439, %swap3A_440, %swap3A_441] : memref<224x16x224xf32, #tpu.memory_space<vmem>>, vector<224x1x224xf32>
    tpu.vector_store %arg4[%swap3A_439, %swap3A_440, %swap3A_441], %reshape3A_438 {strides = array<i32>} : memref<224x16x224xf32, #tpu.memory_space<vmem>>, vector<224x1x224xf32>,
    %get3A_443 = arith.constant 10 : index
    %get3A_444 = arith.constant 0 : index
    %get3A_445 = arith.constant 0 : index
    %get3A_446 = vector.load %arg1[%get3A_443, %get3A_444, %get3A_445] : memref<16x1x224xi32, #tpu.memory_space<vmem>>, vector<1x1x224xi32>
    %get3A_447 = vector.shape_cast %get3A_446 : vector<1x1x224xi32> to vector<1x224xi32>
    %get3A_448 = arith.constant 10 : index
    %get3A_449 = arith.constant 0 : index
    %get3A_450 = arith.constant 0 : index
    %get3A_451 = vector.load %arg2[%get3A_448, %get3A_449, %get3A_450] : memref<16x224x1xi32, #tpu.memory_space<vmem>>, vector<1x224x1xi32>
    %get3A_452 = vector.shape_cast %get3A_451 : vector<1x224x1xi32> to vector<224x1xi32>
    %eq3A_453 = vector.broadcast %get3A_447 : vector<1x224xi32> to vector<224x224xi32>
    %eq3A_454 = arith.cmpi eq, %eq3A_453, %iota3A : vector<224x224xi32>
    %jit3A_455 = arith.constant 0 : i32
    %broadcast_in_dim3A_456 = vector.broadcast %jit3A_455 : i32 to vector<224x224xi32>
    %select_n3A_457 = arith.select %eq3A_454, %add3A_2, %broadcast_in_dim3A_456 : vector<224x224xi1>, vector<224x224xi32>
    %convert_element_type3A_458 = arith.sitofp %select_n3A_457 : vector<224x224xi32> to vector<224x224xbf16>
    %eq3A_459 = vector.broadcast %get3A_452 : vector<224x1xi32> to vector<224x224xi32>
    %eq3A_460 = arith.cmpi eq, %eq3A_459, %iota3A_3 : vector<224x224xi32>
    %convert_element_type3A_461 = arith.extui %eq3A_460 : vector<224x224xi1> to vector<224x224xi32>
    %convert_element_type3A_462 = arith.sitofp %convert_element_type3A_461 : vector<224x224xi32> to vector<224x224xf32>
    %convert_element_type3A_463 = arith.truncf %convert_element_type3A_462 : vector<224x224xf32> to vector<224x224xbf16>
    %dot_general3A_464 = arith.constant dense<0.000000e+00> : vector<224x224xf32>
    %dot_general3A_465 = tpu.matmul %convert_element_type3A_458, %convert_element_type3A_463, %dot_general3A_464 {dimension_numbers = #tpu.dot_dimension_numbers<[1], [0], [0], [1], [0, 0, 1, 1], [], []>, transpose_lhs_hint = false} : vector<224x224xbf16>, vector<224x224xbf16>, vector<224x224xf32> -> vector<224x224xf32>
    %gt3A_466 = arith.constant 0.000000e+00 : f32
    %gt3A_467 = vector.broadcast %gt3A_466 : f32 to vector<224x224xf32>
    %gt3A_468 = arith.cmpf ogt, %dot_general3A_465, %gt3A_467 : vector<224x224xf32>
    %sub3A_469 = arith.constant 1.000000e+00 : f32
    %sub3A_470 = vector.broadcast %sub3A_469 : f32 to vector<224x224xf32>
    %sub3A_471 = arith.subf %dot_general3A_465, %sub3A_470 : vector<224x224xf32>
    %convert_element_type3A_472 = arith.truncf %sub3A_471 : vector<224x224xf32> to vector<224x224xbf16>
    %reshape3A_473 = vector.shape_cast %convert_element_type3A_472 : vector<224x224xbf16> to vector<224x1x224xbf16>
    %swap3A_474 = arith.constant 0 : index
    %swap3A_475 = arith.constant 10 : index
    %swap3A_476 = arith.constant 0 : index
    %swap3A_477 = vector.load %arg5[%swap3A_474, %swap3A_475, %swap3A_476] : memref<224x16x224xbf16, #tpu.memory_space<vmem>>, vector<224x1x224xbf16>
    tpu.vector_store %arg5[%swap3A_474, %swap3A_475, %swap3A_476], %reshape3A_473 {strides = array<i32>} : memref<224x16x224xbf16, #tpu.memory_space<vmem>>, vector<224x1x224xbf16>,
    %jit3A_478 = arith.constant 0.000000e+00 : f32
    %jit3A_479 = arith.constant 0x7F800000 : f32
    %broadcast_in_dim3A_480 = vector.broadcast %jit3A_478 : f32 to vector<224x224xf32>
    %broadcast_in_dim3A_481 = vector.broadcast %jit3A_479 : f32 to vector<224x224xf32>
    %select_n3A_482 = arith.select %gt3A_468, %broadcast_in_dim3A_480, %broadcast_in_dim3A_481 : vector<224x224xi1>, vector<224x224xf32>
    %reshape3A_483 = vector.shape_cast %select_n3A_482 : vector<224x224xf32> to vector<224x1x224xf32>
    %swap3A_484 = arith.constant 0 : index
    %swap3A_485 = arith.constant 10 : index
    %swap3A_486 = arith.constant 0 : index
    %swap3A_487 = vector.load %arg4[%swap3A_484, %swap3A_485, %swap3A_486] : memref<224x16x224xf32, #tpu.memory_space<vmem>>, vector<224x1x224xf32>
    tpu.vector_store %arg4[%swap3A_484, %swap3A_485, %swap3A_486], %reshape3A_483 {strides = array<i32>} : memref<224x16x224xf32, #tpu.memory_space<vmem>>, vector<224x1x224xf32>,
    %get3A_488 = arith.constant 11 : index
    %get3A_489 = arith.constant 0 : index
    %get3A_490 = arith.constant 0 : index
    %get3A_491 = vector.load %arg1[%get3A_488, %get3A_489, %get3A_490] : memref<16x1x224xi32, #tpu.memory_space<vmem>>, vector<1x1x224xi32>
    %get3A_492 = vector.shape_cast %get3A_491 : vector<1x1x224xi32> to vector<1x224xi32>
    %get3A_493 = arith.constant 11 : index
    %get3A_494 = arith.constant 0 : index
    %get3A_495 = arith.constant 0 : index
    %get3A_496 = vector.load %arg2[%get3A_493, %get3A_494, %get3A_495] : memref<16x224x1xi32, #tpu.memory_space<vmem>>, vector<1x224x1xi32>
    %get3A_497 = vector.shape_cast %get3A_496 : vector<1x224x1xi32> to vector<224x1xi32>
    %eq3A_498 = vector.broadcast %get3A_492 : vector<1x224xi32> to vector<224x224xi32>
    %eq3A_499 = arith.cmpi eq, %eq3A_498, %iota3A : vector<224x224xi32>
    %jit3A_500 = arith.constant 0 : i32
    %broadcast_in_dim3A_501 = vector.broadcast %jit3A_500 : i32 to vector<224x224xi32>
    %select_n3A_502 = arith.select %eq3A_499, %add3A_2, %broadcast_in_dim3A_501 : vector<224x224xi1>, vector<224x224xi32>
    %convert_element_type3A_503 = arith.sitofp %select_n3A_502 : vector<224x224xi32> to vector<224x224xbf16>
    %eq3A_504 = vector.broadcast %get3A_497 : vector<224x1xi32> to vector<224x224xi32>
    %eq3A_505 = arith.cmpi eq, %eq3A_504, %iota3A_3 : vector<224x224xi32>
    %convert_element_type3A_506 = arith.extui %eq3A_505 : vector<224x224xi1> to vector<224x224xi32>
    %convert_element_type3A_507 = arith.sitofp %convert_element_type3A_506 : vector<224x224xi32> to vector<224x224xf32>
    %convert_element_type3A_508 = arith.truncf %convert_element_type3A_507 : vector<224x224xf32> to vector<224x224xbf16>
    %dot_general3A_509 = arith.constant dense<0.000000e+00> : vector<224x224xf32>
    %dot_general3A_510 = tpu.matmul %convert_element_type3A_503, %convert_element_type3A_508, %dot_general3A_509 {dimension_numbers = #tpu.dot_dimension_numbers<[1], [0], [0], [1], [0, 0, 1, 1], [], []>, transpose_lhs_hint = false} : vector<224x224xbf16>, vector<224x224xbf16>, vector<224x224xf32> -> vector<224x224xf32>
    %gt3A_511 = arith.constant 0.000000e+00 : f32
    %gt3A_512 = vector.broadcast %gt3A_511 : f32 to vector<224x224xf32>
    %gt3A_513 = arith.cmpf ogt, %dot_general3A_510, %gt3A_512 : vector<224x224xf32>
    %sub3A_514 = arith.constant 1.000000e+00 : f32
    %sub3A_515 = vector.broadcast %sub3A_514 : f32 to vector<224x224xf32>
    %sub3A_516 = arith.subf %dot_general3A_510, %sub3A_515 : vector<224x224xf32>
    %convert_element_type3A_517 = arith.truncf %sub3A_516 : vector<224x224xf32> to vector<224x224xbf16>
    %reshape3A_518 = vector.shape_cast %convert_element_type3A_517 : vector<224x224xbf16> to vector<224x1x224xbf16>
    %swap3A_519 = arith.constant 0 : index
    %swap3A_520 = arith.constant 11 : index
    %swap3A_521 = arith.constant 0 : index
    %swap3A_522 = vector.load %arg5[%swap3A_519, %swap3A_520, %swap3A_521] : memref<224x16x224xbf16, #tpu.memory_space<vmem>>, vector<224x1x224xbf16>
    tpu.vector_store %arg5[%swap3A_519, %swap3A_520, %swap3A_521], %reshape3A_518 {strides = array<i32>} : memref<224x16x224xbf16, #tpu.memory_space<vmem>>, vector<224x1x224xbf16>,
    %jit3A_523 = arith.constant 0.000000e+00 : f32
    %jit3A_524 = arith.constant 0x7F800000 : f32
    %broadcast_in_dim3A_525 = vector.broadcast %jit3A_523 : f32 to vector<224x224xf32>
    %broadcast_in_dim3A_526 = vector.broadcast %jit3A_524 : f32 to vector<224x224xf32>
    %select_n3A_527 = arith.select %gt3A_513, %broadcast_in_dim3A_525, %broadcast_in_dim3A_526 : vector<224x224xi1>, vector<224x224xf32>
    %reshape3A_528 = vector.shape_cast %select_n3A_527 : vector<224x224xf32> to vector<224x1x224xf32>
    %swap3A_529 = arith.constant 0 : index
    %swap3A_530 = arith.constant 11 : index
    %swap3A_531 = arith.constant 0 : index
    %swap3A_532 = vector.load %arg4[%swap3A_529, %swap3A_530, %swap3A_531] : memref<224x16x224xf32, #tpu.memory_space<vmem>>, vector<224x1x224xf32>
    tpu.vector_store %arg4[%swap3A_529, %swap3A_530, %swap3A_531], %reshape3A_528 {strides = array<i32>} : memref<224x16x224xf32, #tpu.memory_space<vmem>>, vector<224x1x224xf32>,
    %get3A_533 = arith.constant 12 : index
    %get3A_534 = arith.constant 0 : index
    %get3A_535 = arith.constant 0 : index
    %get3A_536 = vector.load %arg1[%get3A_533, %get3A_534, %get3A_535] : memref<16x1x224xi32, #tpu.memory_space<vmem>>, vector<1x1x224xi32>
    %get3A_537 = vector.shape_cast %get3A_536 : vector<1x1x224xi32> to vector<1x224xi32>
    %get3A_538 = arith.constant 12 : index
    %get3A_539 = arith.constant 0 : index
    %get3A_540 = arith.constant 0 : index
    %get3A_541 = vector.load %arg2[%get3A_538, %get3A_539, %get3A_540] : memref<16x224x1xi32, #tpu.memory_space<vmem>>, vector<1x224x1xi32>
    %get3A_542 = vector.shape_cast %get3A_541 : vector<1x224x1xi32> to vector<224x1xi32>
    %eq3A_543 = vector.broadcast %get3A_537 : vector<1x224xi32> to vector<224x224xi32>
    %eq3A_544 = arith.cmpi eq, %eq3A_543, %iota3A : vector<224x224xi32>
    %jit3A_545 = arith.constant 0 : i32
    %broadcast_in_dim3A_546 = vector.broadcast %jit3A_545 : i32 to vector<224x224xi32>
    %select_n3A_547 = arith.select %eq3A_544, %add3A_2, %broadcast_in_dim3A_546 : vector<224x224xi1>, vector<224x224xi32>
    %convert_element_type3A_548 = arith.sitofp %select_n3A_547 : vector<224x224xi32> to vector<224x224xbf16>
    %eq3A_549 = vector.broadcast %get3A_542 : vector<224x1xi32> to vector<224x224xi32>
    %eq3A_550 = arith.cmpi eq, %eq3A_549, %iota3A_3 : vector<224x224xi32>
    %convert_element_type3A_551 = arith.extui %eq3A_550 : vector<224x224xi1> to vector<224x224xi32>
    %convert_element_type3A_552 = arith.sitofp %convert_element_type3A_551 : vector<224x224xi32> to vector<224x224xf32>
    %convert_element_type3A_553 = arith.truncf %convert_element_type3A_552 : vector<224x224xf32> to vector<224x224xbf16>
    %dot_general3A_554 = arith.constant dense<0.000000e+00> : vector<224x224xf32>
    %dot_general3A_555 = tpu.matmul %convert_element_type3A_548, %convert_element_type3A_553, %dot_general3A_554 {dimension_numbers = #tpu.dot_dimension_numbers<[1], [0], [0], [1], [0, 0, 1, 1], [], []>, transpose_lhs_hint = false} : vector<224x224xbf16>, vector<224x224xbf16>, vector<224x224xf32> -> vector<224x224xf32>
    %gt3A_556 = arith.constant 0.000000e+00 : f32
    %gt3A_557 = vector.broadcast %gt3A_556 : f32 to vector<224x224xf32>
    %gt3A_558 = arith.cmpf ogt, %dot_general3A_555, %gt3A_557 : vector<224x224xf32>
    %sub3A_559 = arith.constant 1.000000e+00 : f32
    %sub3A_560 = vector.broadcast %sub3A_559 : f32 to vector<224x224xf32>
    %sub3A_561 = arith.subf %dot_general3A_555, %sub3A_560 : vector<224x224xf32>
    %convert_element_type3A_562 = arith.truncf %sub3A_561 : vector<224x224xf32> to vector<224x224xbf16>
    %reshape3A_563 = vector.shape_cast %convert_element_type3A_562 : vector<224x224xbf16> to vector<224x1x224xbf16>
    %swap3A_564 = arith.constant 0 : index
    %swap3A_565 = arith.constant 12 : index
    %swap3A_566 = arith.constant 0 : index
    %swap3A_567 = vector.load %arg5[%swap3A_564, %swap3A_565, %swap3A_566] : memref<224x16x224xbf16, #tpu.memory_space<vmem>>, vector<224x1x224xbf16>
    tpu.vector_store %arg5[%swap3A_564, %swap3A_565, %swap3A_566], %reshape3A_563 {strides = array<i32>} : memref<224x16x224xbf16, #tpu.memory_space<vmem>>, vector<224x1x224xbf16>,
    %jit3A_568 = arith.constant 0.000000e+00 : f32
    %jit3A_569 = arith.constant 0x7F800000 : f32
    %broadcast_in_dim3A_570 = vector.broadcast %jit3A_568 : f32 to vector<224x224xf32>
    %broadcast_in_dim3A_571 = vector.broadcast %jit3A_569 : f32 to vector<224x224xf32>
    %select_n3A_572 = arith.select %gt3A_558, %broadcast_in_dim3A_570, %broadcast_in_dim3A_571 : vector<224x224xi1>, vector<224x224xf32>
    %reshape3A_573 = vector.shape_cast %select_n3A_572 : vector<224x224xf32> to vector<224x1x224xf32>
    %swap3A_574 = arith.constant 0 : index
    %swap3A_575 = arith.constant 12 : index
    %swap3A_576 = arith.constant 0 : index
    %swap3A_577 = vector.load %arg4[%swap3A_574, %swap3A_575, %swap3A_576] : memref<224x16x224xf32, #tpu.memory_space<vmem>>, vector<224x1x224xf32>
    tpu.vector_store %arg4[%swap3A_574, %swap3A_575, %swap3A_576], %reshape3A_573 {strides = array<i32>} : memref<224x16x224xf32, #tpu.memory_space<vmem>>, vector<224x1x224xf32>,
    %get3A_578 = arith.constant 13 : index
    %get3A_579 = arith.constant 0 : index
    %get3A_580 = arith.constant 0 : index
    %get3A_581 = vector.load %arg1[%get3A_578, %get3A_579, %get3A_580] : memref<16x1x224xi32, #tpu.memory_space<vmem>>, vector<1x1x224xi32>
    %get3A_582 = vector.shape_cast %get3A_581 : vector<1x1x224xi32> to vector<1x224xi32>
    %get3A_583 = arith.constant 13 : index
    %get3A_584 = arith.constant 0 : index
    %get3A_585 = arith.constant 0 : index
    %get3A_586 = vector.load %arg2[%get3A_583, %get3A_584, %get3A_585] : memref<16x224x1xi32, #tpu.memory_space<vmem>>, vector<1x224x1xi32>
    %get3A_587 = vector.shape_cast %get3A_586 : vector<1x224x1xi32> to vector<224x1xi32>
    %eq3A_588 = vector.broadcast %get3A_582 : vector<1x224xi32> to vector<224x224xi32>
    %eq3A_589 = arith.cmpi eq, %eq3A_588, %iota3A : vector<224x224xi32>
    %jit3A_590 = arith.constant 0 : i32
    %broadcast_in_dim3A_591 = vector.broadcast %jit3A_590 : i32 to vector<224x224xi32>
    %select_n3A_592 = arith.select %eq3A_589, %add3A_2, %broadcast_in_dim3A_591 : vector<224x224xi1>, vector<224x224xi32>
    %convert_element_type3A_593 = arith.sitofp %select_n3A_592 : vector<224x224xi32> to vector<224x224xbf16>
    %eq3A_594 = vector.broadcast %get3A_587 : vector<224x1xi32> to vector<224x224xi32>
    %eq3A_595 = arith.cmpi eq, %eq3A_594, %iota3A_3 : vector<224x224xi32>
    %convert_element_type3A_596 = arith.extui %eq3A_595 : vector<224x224xi1> to vector<224x224xi32>
    %convert_element_type3A_597 = arith.sitofp %convert_element_type3A_596 : vector<224x224xi32> to vector<224x224xf32>
    %convert_element_type3A_598 = arith.truncf %convert_element_type3A_597 : vector<224x224xf32> to vector<224x224xbf16>
    %dot_general3A_599 = arith.constant dense<0.000000e+00> : vector<224x224xf32>
    %dot_general3A_600 = tpu.matmul %convert_element_type3A_593, %convert_element_type3A_598, %dot_general3A_599 {dimension_numbers = #tpu.dot_dimension_numbers<[1], [0], [0], [1], [0, 0, 1, 1], [], []>, transpose_lhs_hint = false} : vector<224x224xbf16>, vector<224x224xbf16>, vector<224x224xf32> -> vector<224x224xf32>
    %gt3A_601 = arith.constant 0.000000e+00 : f32
    %gt3A_602 = vector.broadcast %gt3A_601 : f32 to vector<224x224xf32>
    %gt3A_603 = arith.cmpf ogt, %dot_general3A_600, %gt3A_602 : vector<224x224xf32>
    %sub3A_604 = arith.constant 1.000000e+00 : f32
    %sub3A_605 = vector.broadcast %sub3A_604 : f32 to vector<224x224xf32>
    %sub3A_606 = arith.subf %dot_general3A_600, %sub3A_605 : vector<224x224xf32>
    %convert_element_type3A_607 = arith.truncf %sub3A_606 : vector<224x224xf32> to vector<224x224xbf16>
    %reshape3A_608 = vector.shape_cast %convert_element_type3A_607 : vector<224x224xbf16> to vector<224x1x224xbf16>
    %swap3A_609 = arith.constant 0 : index
    %swap3A_610 = arith.constant 13 : index
    %swap3A_611 = arith.constant 0 : index
    %swap3A_612 = vector.load %arg5[%swap3A_609, %swap3A_610, %swap3A_611] : memref<224x16x224xbf16, #tpu.memory_space<vmem>>, vector<224x1x224xbf16>
    tpu.vector_store %arg5[%swap3A_609, %swap3A_610, %swap3A_611], %reshape3A_608 {strides = array<i32>} : memref<224x16x224xbf16, #tpu.memory_space<vmem>>, vector<224x1x224xbf16>,
    %jit3A_613 = arith.constant 0.000000e+00 : f32
    %jit3A_614 = arith.constant 0x7F800000 : f32
    %broadcast_in_dim3A_615 = vector.broadcast %jit3A_613 : f32 to vector<224x224xf32>
    %broadcast_in_dim3A_616 = vector.broadcast %jit3A_614 : f32 to vector<224x224xf32>
    %select_n3A_617 = arith.select %gt3A_603, %broadcast_in_dim3A_615, %broadcast_in_dim3A_616 : vector<224x224xi1>, vector<224x224xf32>
    %reshape3A_618 = vector.shape_cast %select_n3A_617 : vector<224x224xf32> to vector<224x1x224xf32>
    %swap3A_619 = arith.constant 0 : index
    %swap3A_620 = arith.constant 13 : index
    %swap3A_621 = arith.constant 0 : index
    %swap3A_622 = vector.load %arg4[%swap3A_619, %swap3A_620, %swap3A_621] : memref<224x16x224xf32, #tpu.memory_space<vmem>>, vector<224x1x224xf32>
    tpu.vector_store %arg4[%swap3A_619, %swap3A_620, %swap3A_621], %reshape3A_618 {strides = array<i32>} : memref<224x16x224xf32, #tpu.memory_space<vmem>>, vector<224x1x224xf32>,
    %get3A_623 = arith.constant 14 : index
    %get3A_624 = arith.constant 0 : index
    %get3A_625 = arith.constant 0 : index
    %get3A_626 = vector.load %arg1[%get3A_623, %get3A_624, %get3A_625] : memref<16x1x224xi32, #tpu.memory_space<vmem>>, vector<1x1x224xi32>
    %get3A_627 = vector.shape_cast %get3A_626 : vector<1x1x224xi32> to vector<1x224xi32>
    %get3A_628 = arith.constant 14 : index
    %get3A_629 = arith.constant 0 : index
    %get3A_630 = arith.constant 0 : index
    %get3A_631 = vector.load %arg2[%get3A_628, %get3A_629, %get3A_630] : memref<16x224x1xi32, #tpu.memory_space<vmem>>, vector<1x224x1xi32>
    %get3A_632 = vector.shape_cast %get3A_631 : vector<1x224x1xi32> to vector<224x1xi32>
    %eq3A_633 = vector.broadcast %get3A_627 : vector<1x224xi32> to vector<224x224xi32>
    %eq3A_634 = arith.cmpi eq, %eq3A_633, %iota3A : vector<224x224xi32>
    %jit3A_635 = arith.constant 0 : i32
    %broadcast_in_dim3A_636 = vector.broadcast %jit3A_635 : i32 to vector<224x224xi32>
    %select_n3A_637 = arith.select %eq3A_634, %add3A_2, %broadcast_in_dim3A_636 : vector<224x224xi1>, vector<224x224xi32>
    %convert_element_type3A_638 = arith.sitofp %select_n3A_637 : vector<224x224xi32> to vector<224x224xbf16>
    %eq3A_639 = vector.broadcast %get3A_632 : vector<224x1xi32> to vector<224x224xi32>
    %eq3A_640 = arith.cmpi eq, %eq3A_639, %iota3A_3 : vector<224x224xi32>
    %convert_element_type3A_641 = arith.extui %eq3A_640 : vector<224x224xi1> to vector<224x224xi32>
    %convert_element_type3A_642 = arith.sitofp %convert_element_type3A_641 : vector<224x224xi32> to vector<224x224xf32>
    %convert_element_type3A_643 = arith.truncf %convert_element_type3A_642 : vector<224x224xf32> to vector<224x224xbf16>
    %dot_general3A_644 = arith.constant dense<0.000000e+00> : vector<224x224xf32>
    %dot_general3A_645 = tpu.matmul %convert_element_type3A_638, %convert_element_type3A_643, %dot_general3A_644 {dimension_numbers = #tpu.dot_dimension_numbers<[1], [0], [0], [1], [0, 0, 1, 1], [], []>, transpose_lhs_hint = false} : vector<224x224xbf16>, vector<224x224xbf16>, vector<224x224xf32> -> vector<224x224xf32>
    %gt3A_646 = arith.constant 0.000000e+00 : f32
    %gt3A_647 = vector.broadcast %gt3A_646 : f32 to vector<224x224xf32>
    %gt3A_648 = arith.cmpf ogt, %dot_general3A_645, %gt3A_647 : vector<224x224xf32>
    %sub3A_649 = arith.constant 1.000000e+00 : f32
    %sub3A_650 = vector.broadcast %sub3A_649 : f32 to vector<224x224xf32>
    %sub3A_651 = arith.subf %dot_general3A_645, %sub3A_650 : vector<224x224xf32>
    %convert_element_type3A_652 = arith.truncf %sub3A_651 : vector<224x224xf32> to vector<224x224xbf16>
    %reshape3A_653 = vector.shape_cast %convert_element_type3A_652 : vector<224x224xbf16> to vector<224x1x224xbf16>
    %swap3A_654 = arith.constant 0 : index
    %swap3A_655 = arith.constant 14 : index
    %swap3A_656 = arith.constant 0 : index
    %swap3A_657 = vector.load %arg5[%swap3A_654, %swap3A_655, %swap3A_656] : memref<224x16x224xbf16, #tpu.memory_space<vmem>>, vector<224x1x224xbf16>
    tpu.vector_store %arg5[%swap3A_654, %swap3A_655, %swap3A_656], %reshape3A_653 {strides = array<i32>} : memref<224x16x224xbf16, #tpu.memory_space<vmem>>, vector<224x1x224xbf16>,
    %jit3A_658 = arith.constant 0.000000e+00 : f32
    %jit3A_659 = arith.constant 0x7F800000 : f32
    %broadcast_in_dim3A_660 = vector.broadcast %jit3A_658 : f32 to vector<224x224xf32>
    %broadcast_in_dim3A_661 = vector.broadcast %jit3A_659 : f32 to vector<224x224xf32>
    %select_n3A_662 = arith.select %gt3A_648, %broadcast_in_dim3A_660, %broadcast_in_dim3A_661 : vector<224x224xi1>, vector<224x224xf32>
    %reshape3A_663 = vector.shape_cast %select_n3A_662 : vector<224x224xf32> to vector<224x1x224xf32>
    %swap3A_664 = arith.constant 0 : index
    %swap3A_665 = arith.constant 14 : index
    %swap3A_666 = arith.constant 0 : index
    %swap3A_667 = vector.load %arg4[%swap3A_664, %swap3A_665, %swap3A_666] : memref<224x16x224xf32, #tpu.memory_space<vmem>>, vector<224x1x224xf32>
    tpu.vector_store %arg4[%swap3A_664, %swap3A_665, %swap3A_666], %reshape3A_663 {strides = array<i32>} : memref<224x16x224xf32, #tpu.memory_space<vmem>>, vector<224x1x224xf32>,
    %get3A_668 = arith.constant 15 : index
    %get3A_669 = arith.constant 0 : index
    %get3A_670 = arith.constant 0 : index
    %get3A_671 = vector.load %arg1[%get3A_668, %get3A_669, %get3A_670] : memref<16x1x224xi32, #tpu.memory_space<vmem>>, vector<1x1x224xi32>
    %get3A_672 = vector.shape_cast %get3A_671 : vector<1x1x224xi32> to vector<1x224xi32>
    %get3A_673 = arith.constant 15 : index
    %get3A_674 = arith.constant 0 : index
    %get3A_675 = arith.constant 0 : index
    %get3A_676 = vector.load %arg2[%get3A_673, %get3A_674, %get3A_675] : memref<16x224x1xi32, #tpu.memory_space<vmem>>, vector<1x224x1xi32>
    %get3A_677 = vector.shape_cast %get3A_676 : vector<1x224x1xi32> to vector<224x1xi32>
    %eq3A_678 = vector.broadcast %get3A_672 : vector<1x224xi32> to vector<224x224xi32>
    %eq3A_679 = arith.cmpi eq, %eq3A_678, %iota3A : vector<224x224xi32>
    %jit3A_680 = arith.constant 0 : i32
    %broadcast_in_dim3A_681 = vector.broadcast %jit3A_680 : i32 to vector<224x224xi32>
    %select_n3A_682 = arith.select %eq3A_679, %add3A_2, %broadcast_in_dim3A_681 : vector<224x224xi1>, vector<224x224xi32>
    %convert_element_type3A_683 = arith.sitofp %select_n3A_682 : vector<224x224xi32> to vector<224x224xbf16>
    %eq3A_684 = vector.broadcast %get3A_677 : vector<224x1xi32> to vector<224x224xi32>
    %eq3A_685 = arith.cmpi eq, %eq3A_684, %iota3A_3 : vector<224x224xi32>
    %convert_element_type3A_686 = arith.extui %eq3A_685 : vector<224x224xi1> to vector<224x224xi32>
    %convert_element_type3A_687 = arith.sitofp %convert_element_type3A_686 : vector<224x224xi32> to vector<224x224xf32>
    %convert_element_type3A_688 = arith.truncf %convert_element_type3A_687 : vector<224x224xf32> to vector<224x224xbf16>
    %dot_general3A_689 = arith.constant dense<0.000000e+00> : vector<224x224xf32>
    %dot_general3A_690 = tpu.matmul %convert_element_type3A_683, %convert_element_type3A_688, %dot_general3A_689 {dimension_numbers = #tpu.dot_dimension_numbers<[1], [0], [0], [1], [0, 0, 1, 1], [], []>, transpose_lhs_hint = false} : vector<224x224xbf16>, vector<224x224xbf16>, vector<224x224xf32> -> vector<224x224xf32>
    %gt3A_691 = arith.constant 0.000000e+00 : f32
    %gt3A_692 = vector.broadcast %gt3A_691 : f32 to vector<224x224xf32>
    %gt3A_693 = arith.cmpf ogt, %dot_general3A_690, %gt3A_692 : vector<224x224xf32>
    %sub3A_694 = arith.constant 1.000000e+00 : f32
    %sub3A_695 = vector.broadcast %sub3A_694 : f32 to vector<224x224xf32>
    %sub3A_696 = arith.subf %dot_general3A_690, %sub3A_695 : vector<224x224xf32>
    %convert_element_type3A_697 = arith.truncf %sub3A_696 : vector<224x224xf32> to vector<224x224xbf16>
    %reshape3A_698 = vector.shape_cast %convert_element_type3A_697 : vector<224x224xbf16> to vector<224x1x224xbf16>
    %swap3A_699 = arith.constant 0 : index
    %swap3A_700 = arith.constant 15 : index
    %swap3A_701 = arith.constant 0 : index
    %swap3A_702 = vector.load %arg5[%swap3A_699, %swap3A_700, %swap3A_701] : memref<224x16x224xbf16, #tpu.memory_space<vmem>>, vector<224x1x224xbf16>
    tpu.vector_store %arg5[%swap3A_699, %swap3A_700, %swap3A_701], %reshape3A_698 {strides = array<i32>} : memref<224x16x224xbf16, #tpu.memory_space<vmem>>, vector<224x1x224xbf16>,
    %jit3A_703 = arith.constant 0.000000e+00 : f32
    %jit3A_704 = arith.constant 0x7F800000 : f32
    %broadcast_in_dim3A_705 = vector.broadcast %jit3A_703 : f32 to vector<224x224xf32>
    %broadcast_in_dim3A_706 = vector.broadcast %jit3A_704 : f32 to vector<224x224xf32>
    %select_n3A_707 = arith.select %gt3A_693, %broadcast_in_dim3A_705, %broadcast_in_dim3A_706 : vector<224x224xi1>, vector<224x224xf32>
    %reshape3A_708 = vector.shape_cast %select_n3A_707 : vector<224x224xf32> to vector<224x1x224xf32>
    %swap3A_709 = arith.constant 0 : index
    %swap3A_710 = arith.constant 15 : index
    %swap3A_711 = arith.constant 0 : index
    %swap3A_712 = vector.load %arg4[%swap3A_709, %swap3A_710, %swap3A_711] : memref<224x16x224xf32, #tpu.memory_space<vmem>>, vector<224x1x224xf32>
    tpu.vector_store %arg4[%swap3A_709, %swap3A_710, %swap3A_711], %reshape3A_708 {strides = array<i32>} : memref<224x16x224xf32, #tpu.memory_space<vmem>>, vector<224x1x224xf32>,
    %get3A_713 = arith.constant 0 : index
    %get3A_714 = arith.constant 0 : index
    %get3A_715 = arith.constant 0 : index
    %get3A_716 = vector.load %arg0[%get3A_713, %get3A_714, %get3A_715] : memref<224x16x224xf32, #tpu.memory_space<vmem>>, vector<224x16x224xf32>
    %scan3A = arith.constant 0 : i32
    %scan3A_717 = arith.constant 50 : i32
    %scan3A_718 = arith.addi %scan3A, %scan3A_717 : i32
    %scan3A_719 = arith.constant 1 : i32
    scf.for %scan3A_736 = %scan3A to %scan3A_718 step %scan3A_719  : i32 {
      %get3A_737 = arith.constant 0 : index
      %get3A_738 = arith.constant 0 : index
      %get3A_739 = arith.constant 0 : index
      %get3A_740 = vector.load %arg4[%get3A_737, %get3A_738, %get3A_739] : memref<224x16x224xf32, #tpu.memory_space<vmem>>, vector<224x16x224xf32>
      %get3A_741 = arith.constant 0 : index
      %get3A_742 = arith.constant 0 : index
      %get3A_743 = arith.constant 0 : index
      %get3A_744 = vector.load %arg5[%get3A_741, %get3A_742, %get3A_743] : memref<224x16x224xbf16, #tpu.memory_space<vmem>>, vector<224x16x224xbf16>
      %slice3A = vector.extract_strided_slice %get3A_740 {offsets = [1, 0, 0], sizes = [223, 16, 224], strides = [1, 1, 1]} : vector<224x16x224xf32> to vector<223x16x224xf32>
      %slice3A_745 = vector.extract_strided_slice %get3A_740 {offsets = [0, 0, 0], sizes = [1, 16, 224], strides = [1, 1, 1]} : vector<224x16x224xf32> to vector<1x16x224xf32>
      %concatenate3A = tpu.concatenate %slice3A, %slice3A_745 in 0 : vector<223x16x224xf32>, vector<1x16x224xf32> -> vector<224x16x224xf32>
      %slice3A_746 = vector.extract_strided_slice %get3A_744 {offsets = [1, 0, 0], sizes = [223, 16, 224], strides = [1, 1, 1]} : vector<224x16x224xbf16> to vector<223x16x224xbf16>
      %slice3A_747 = vector.extract_strided_slice %get3A_744 {offsets = [0, 0, 0], sizes = [1, 16, 224], strides = [1, 1, 1]} : vector<224x16x224xbf16> to vector<1x16x224xbf16>
      %concatenate3A_748 = tpu.concatenate %slice3A_746, %slice3A_747 in 0 : vector<223x16x224xbf16>, vector<1x16x224xbf16> -> vector<224x16x224xbf16>
      %add3A_749 = arith.addf %concatenate3A, %get3A_716 : vector<224x16x224xf32>
      %lt3A = arith.cmpf olt, %add3A_749, %get3A_740 : vector<224x16x224xf32>
      %select_n3A_750 = arith.select %lt3A, %add3A_749, %get3A_740 : vector<224x16x224xi1>, vector<224x16x224xf32>
      %swap3A_751 = arith.constant 0 : index
      %swap3A_752 = arith.constant 0 : index
      %swap3A_753 = arith.constant 0 : index
      %swap3A_754 = vector.load %arg4[%swap3A_751, %swap3A_752, %swap3A_753] : memref<224x16x224xf32, #tpu.memory_space<vmem>>, vector<224x16x224xf32>
      tpu.vector_store %arg4[%swap3A_751, %swap3A_752, %swap3A_753], %select_n3A_750 {strides = array<i32>} : memref<224x16x224xf32, #tpu.memory_space<vmem>>, vector<224x16x224xf32>,
      %select_n3A_755 = arith.select %lt3A, %concatenate3A_748, %get3A_744 : vector<224x16x224xi1>, vector<224x16x224xbf16>
      %swap3A_756 = arith.constant 0 : index
      %swap3A_757 = arith.constant 0 : index
      %swap3A_758 = arith.constant 0 : index
      %swap3A_759 = vector.load %arg5[%swap3A_756, %swap3A_757, %swap3A_758] : memref<224x16x224xbf16, #tpu.memory_space<vmem>>, vector<224x16x224xbf16>
      tpu.vector_store %arg5[%swap3A_756, %swap3A_757, %swap3A_758], %select_n3A_755 {strides = array<i32>} : memref<224x16x224xbf16, #tpu.memory_space<vmem>>, vector<224x16x224xbf16>,
      %get3A_760 = arith.constant 0 : index
      %get3A_761 = arith.constant 0 : index
      %get3A_762 = arith.constant 0 : index
      %get3A_763 = vector.load %arg4[%get3A_760, %get3A_761, %get3A_762] : memref<224x16x224xf32, #tpu.memory_space<vmem>>, vector<224x16x224xf32>
      %get3A_764 = arith.constant 0 : index
      %get3A_765 = arith.constant 0 : index
      %get3A_766 = arith.constant 0 : index
      %get3A_767 = vector.load %arg5[%get3A_764, %get3A_765, %get3A_766] : memref<224x16x224xbf16, #tpu.memory_space<vmem>>, vector<224x16x224xbf16>
      %slice3A_768 = vector.extract_strided_slice %get3A_763 {offsets = [223, 0, 0], sizes = [1, 16, 224], strides = [1, 1, 1]} : vector<224x16x224xf32> to vector<1x16x224xf32>
      %slice3A_769 = vector.extract_strided_slice %get3A_763 {offsets = [0, 0, 0], sizes = [223, 16, 224], strides = [1, 1, 1]} : vector<224x16x224xf32> to vector<223x16x224xf32>
      %concatenate3A_770 = tpu.concatenate %slice3A_768, %slice3A_769 in 0 : vector<1x16x224xf32>, vector<223x16x224xf32> -> vector<224x16x224xf32>
      %slice3A_771 = vector.extract_strided_slice %get3A_767 {offsets = [223, 0, 0], sizes = [1, 16, 224], strides = [1, 1, 1]} : vector<224x16x224xbf16> to vector<1x16x224xbf16>
      %slice3A_772 = vector.extract_strided_slice %get3A_767 {offsets = [0, 0, 0], sizes = [223, 16, 224], strides = [1, 1, 1]} : vector<224x16x224xbf16> to vector<223x16x224xbf16>
      %concatenate3A_773 = tpu.concatenate %slice3A_771, %slice3A_772 in 0 : vector<1x16x224xbf16>, vector<223x16x224xbf16> -> vector<224x16x224xbf16>
      %add3A_774 = arith.addf %concatenate3A_770, %get3A_716 : vector<224x16x224xf32>
      %lt3A_775 = arith.cmpf olt, %add3A_774, %get3A_763 : vector<224x16x224xf32>
      %select_n3A_776 = arith.select %lt3A_775, %add3A_774, %get3A_763 : vector<224x16x224xi1>, vector<224x16x224xf32>
      %swap3A_777 = arith.constant 0 : index
      %swap3A_778 = arith.constant 0 : index
      %swap3A_779 = arith.constant 0 : index
      %swap3A_780 = vector.load %arg4[%swap3A_777, %swap3A_778, %swap3A_779] : memref<224x16x224xf32, #tpu.memory_space<vmem>>, vector<224x16x224xf32>
      tpu.vector_store %arg4[%swap3A_777, %swap3A_778, %swap3A_779], %select_n3A_776 {strides = array<i32>} : memref<224x16x224xf32, #tpu.memory_space<vmem>>, vector<224x16x224xf32>,
      %select_n3A_781 = arith.select %lt3A_775, %concatenate3A_773, %get3A_767 : vector<224x16x224xi1>, vector<224x16x224xbf16>
      %swap3A_782 = arith.constant 0 : index
      %swap3A_783 = arith.constant 0 : index
      %swap3A_784 = arith.constant 0 : index
      %swap3A_785 = vector.load %arg5[%swap3A_782, %swap3A_783, %swap3A_784] : memref<224x16x224xbf16, #tpu.memory_space<vmem>>, vector<224x16x224xbf16>
      tpu.vector_store %arg5[%swap3A_782, %swap3A_783, %swap3A_784], %select_n3A_781 {strides = array<i32>} : memref<224x16x224xbf16, #tpu.memory_space<vmem>>, vector<224x16x224xbf16>,
      %get3A_786 = arith.constant 0 : index
      %get3A_787 = arith.constant 0 : index
      %get3A_788 = arith.constant 0 : index
      %get3A_789 = vector.load %arg4[%get3A_786, %get3A_787, %get3A_788] : memref<224x16x224xf32, #tpu.memory_space<vmem>>, vector<224x16x224xf32>
      %get3A_790 = arith.constant 0 : index
      %get3A_791 = arith.constant 0 : index
      %get3A_792 = arith.constant 0 : index
      %get3A_793 = vector.load %arg5[%get3A_790, %get3A_791, %get3A_792] : memref<224x16x224xbf16, #tpu.memory_space<vmem>>, vector<224x16x224xbf16>
      %slice3A_794 = vector.extract_strided_slice %get3A_789 {offsets = [0, 0, 1], sizes = [224, 16, 223], strides = [1, 1, 1]} : vector<224x16x224xf32> to vector<224x16x223xf32>
      %slice3A_795 = vector.extract_strided_slice %get3A_789 {offsets = [0, 0, 0], sizes = [224, 16, 1], strides = [1, 1, 1]} : vector<224x16x224xf32> to vector<224x16x1xf32>
      %concatenate3A_796 = tpu.concatenate %slice3A_794, %slice3A_795 in 2 : vector<224x16x223xf32>, vector<224x16x1xf32> -> vector<224x16x224xf32>
      %slice3A_797 = vector.extract_strided_slice %get3A_793 {offsets = [0, 0, 1], sizes = [224, 16, 223], strides = [1, 1, 1]} : vector<224x16x224xbf16> to vector<224x16x223xbf16>
      %slice3A_798 = vector.extract_strided_slice %get3A_793 {offsets = [0, 0, 0], sizes = [224, 16, 1], strides = [1, 1, 1]} : vector<224x16x224xbf16> to vector<224x16x1xbf16>
      %concatenate3A_799 = tpu.concatenate %slice3A_797, %slice3A_798 in 2 : vector<224x16x223xbf16>, vector<224x16x1xbf16> -> vector<224x16x224xbf16>
      %add3A_800 = arith.addf %concatenate3A_796, %get3A_716 : vector<224x16x224xf32>
      %lt3A_801 = arith.cmpf olt, %add3A_800, %get3A_789 : vector<224x16x224xf32>
      %select_n3A_802 = arith.select %lt3A_801, %add3A_800, %get3A_789 : vector<224x16x224xi1>, vector<224x16x224xf32>
      %swap3A_803 = arith.constant 0 : index
      %swap3A_804 = arith.constant 0 : index
      %swap3A_805 = arith.constant 0 : index
      %swap3A_806 = vector.load %arg4[%swap3A_803, %swap3A_804, %swap3A_805] : memref<224x16x224xf32, #tpu.memory_space<vmem>>, vector<224x16x224xf32>
      tpu.vector_store %arg4[%swap3A_803, %swap3A_804, %swap3A_805], %select_n3A_802 {strides = array<i32>} : memref<224x16x224xf32, #tpu.memory_space<vmem>>, vector<224x16x224xf32>,
      %select_n3A_807 = arith.select %lt3A_801, %concatenate3A_799, %get3A_793 : vector<224x16x224xi1>, vector<224x16x224xbf16>
      %swap3A_808 = arith.constant 0 : index
      %swap3A_809 = arith.constant 0 : index
      %swap3A_810 = arith.constant 0 : index
      %swap3A_811 = vector.load %arg5[%swap3A_808, %swap3A_809, %swap3A_810] : memref<224x16x224xbf16, #tpu.memory_space<vmem>>, vector<224x16x224xbf16>
      tpu.vector_store %arg5[%swap3A_808, %swap3A_809, %swap3A_810], %select_n3A_807 {strides = array<i32>} : memref<224x16x224xbf16, #tpu.memory_space<vmem>>, vector<224x16x224xbf16>,
      %get3A_812 = arith.constant 0 : index
      %get3A_813 = arith.constant 0 : index
      %get3A_814 = arith.constant 0 : index
      %get3A_815 = vector.load %arg4[%get3A_812, %get3A_813, %get3A_814] : memref<224x16x224xf32, #tpu.memory_space<vmem>>, vector<224x16x224xf32>
      %get3A_816 = arith.constant 0 : index
      %get3A_817 = arith.constant 0 : index
      %get3A_818 = arith.constant 0 : index
      %get3A_819 = vector.load %arg5[%get3A_816, %get3A_817, %get3A_818] : memref<224x16x224xbf16, #tpu.memory_space<vmem>>, vector<224x16x224xbf16>
      %slice3A_820 = vector.extract_strided_slice %get3A_815 {offsets = [0, 0, 223], sizes = [224, 16, 1], strides = [1, 1, 1]} : vector<224x16x224xf32> to vector<224x16x1xf32>
      %slice3A_821 = vector.extract_strided_slice %get3A_815 {offsets = [0, 0, 0], sizes = [224, 16, 223], strides = [1, 1, 1]} : vector<224x16x224xf32> to vector<224x16x223xf32>
      %concatenate3A_822 = tpu.concatenate %slice3A_820, %slice3A_821 in 2 : vector<224x16x1xf32>, vector<224x16x223xf32> -> vector<224x16x224xf32>
      %slice3A_823 = vector.extract_strided_slice %get3A_819 {offsets = [0, 0, 223], sizes = [224, 16, 1], strides = [1, 1, 1]} : vector<224x16x224xbf16> to vector<224x16x1xbf16>
      %slice3A_824 = vector.extract_strided_slice %get3A_819 {offsets = [0, 0, 0], sizes = [224, 16, 223], strides = [1, 1, 1]} : vector<224x16x224xbf16> to vector<224x16x223xbf16>
      %concatenate3A_825 = tpu.concatenate %slice3A_823, %slice3A_824 in 2 : vector<224x16x1xbf16>, vector<224x16x223xbf16> -> vector<224x16x224xbf16>
      %add3A_826 = arith.addf %concatenate3A_822, %get3A_716 : vector<224x16x224xf32>
      %lt3A_827 = arith.cmpf olt, %add3A_826, %get3A_815 : vector<224x16x224xf32>
      %select_n3A_828 = arith.select %lt3A_827, %add3A_826, %get3A_815 : vector<224x16x224xi1>, vector<224x16x224xf32>
      %swap3A_829 = arith.constant 0 : index
      %swap3A_830 = arith.constant 0 : index
      %swap3A_831 = arith.constant 0 : index
      %swap3A_832 = vector.load %arg4[%swap3A_829, %swap3A_830, %swap3A_831] : memref<224x16x224xf32, #tpu.memory_space<vmem>>, vector<224x16x224xf32>
      tpu.vector_store %arg4[%swap3A_829, %swap3A_830, %swap3A_831], %select_n3A_828 {strides = array<i32>} : memref<224x16x224xf32, #tpu.memory_space<vmem>>, vector<224x16x224xf32>,
      %select_n3A_833 = arith.select %lt3A_827, %concatenate3A_825, %get3A_819 : vector<224x16x224xi1>, vector<224x16x224xbf16>
      %swap3A_834 = arith.constant 0 : index
      %swap3A_835 = arith.constant 0 : index
      %swap3A_836 = arith.constant 0 : index
      %swap3A_837 = vector.load %arg5[%swap3A_834, %swap3A_835, %swap3A_836] : memref<224x16x224xbf16, #tpu.memory_space<vmem>>, vector<224x16x224xbf16>
      tpu.vector_store %arg5[%swap3A_834, %swap3A_835, %swap3A_836], %select_n3A_833 {strides = array<i32>} : memref<224x16x224xbf16, #tpu.memory_space<vmem>>, vector<224x16x224xbf16>,
    }
    %get3A_720 = arith.constant 0 : index
    %get3A_721 = arith.constant 0 : index
    %get3A_722 = arith.constant 0 : index
    %get3A_723 = vector.load %arg5[%get3A_720, %get3A_721, %get3A_722] : memref<224x16x224xbf16, #tpu.memory_space<vmem>>, vector<224x16x224xbf16>
    %convert_element_type3A_724 = arith.extf %get3A_723 : vector<224x16x224xbf16> to vector<224x16x224xf32>
    %eq3A_725 = arith.constant -1.000000e+00 : f32
    %eq3A_726 = vector.broadcast %eq3A_725 : f32 to vector<224x16x224xf32>
    %eq3A_727 = arith.cmpf oeq, %convert_element_type3A_724, %eq3A_726 : vector<224x16x224xf32>
    %jit3A_728 = arith.constant 0.000000e+00 : f32
    %broadcast_in_dim3A_729 = vector.broadcast %jit3A_728 : f32 to vector<224x16x224xf32>
    %select_n3A_730 = arith.select %eq3A_727, %broadcast_in_dim3A_729, %convert_element_type3A_724 : vector<224x16x224xi1>, vector<224x16x224xf32>
    %convert_element_type3A_731 = arith.fptosi %select_n3A_730 : vector<224x16x224xf32> to vector<224x16x224xi32>
    %swap3A_732 = arith.constant 0 : index
    %swap3A_733 = arith.constant 0 : index
    %swap3A_734 = arith.constant 0 : index
    %swap3A_735 = vector.load %arg3[%swap3A_732, %swap3A_733, %swap3A_734] : memref<224x16x224xi32, #tpu.memory_space<vmem>>, vector<224x16x224xi32>
    tpu.vector_store %arg3[%swap3A_732, %swap3A_733, %swap3A_734], %convert_element_type3A_731 {strides = array<i32>} : memref<224x16x224xi32, #tpu.memory_space<vmem>>, vector<224x16x224xi32>,
    return
  }
}

</mosaic_0001>

<sc_bundles>
// kernel: kernel.4.cloned.1.call-start
scs
__scs_entry_jumppad:
0x0: {  	(pc) =	sbr.rel $0x88, $3  }
0x1: {  	(tag) =	ssettag $0x0;
	lr =	simm.s32 $0x1  }
0x2: {  	[smem:$0x3FA0] =	sst lr;
	_ =	strace $0xD0000000  }
0x3: {  	_ = 	snop  }
0x4: {  	_ = 	snop  }
0x5: {  	_ = 	snop  }
0x6: {  	_ = 	snop  }
0x7: {  	_ = 	snop  }
__scs_overlays_trampoline_lowered:
0x8: {  	[smem:$0x3FAF] =	sst s0  }
0x9: {  	[smem:$0x3FB0] =	sst s1  }
0xa: {  	[smem:$0x3FB1] =	sst s2  }
0xb: {  	[smem:$0x3FB2] =	sst s3  }
0xc: {  	[smem:$0x3FB3] =	sst s4  }
0xd: {  	[smem:$0x3FB4] =	sst s5  }
0xe: {  	[smem:$0x3FB5] =	sst s6  }
0xf: {  	[smem:$0x3FB6] =	sst s7  }
0x10: {  	[smem:$0x3FB7] =	sst s8  }
0x11: {  	[smem:$0x3FB8] =	sst s9;
	s0 =	simm.s32 @!p0 $0x0  }
0x12: {  	s1 =	sld [smem:$0x3F9E];
	s0 =	simm.s32 @p0 $0x1  }
0x13: {  	[smem:$0x3FB9] =	sst s0;
	s0 =	simm.s32 @!p1 $0x0  }
0x14: {  	s2 =	sld [smem:$0x3F9D];
	s0 =	simm.s32 @p1 $0x1  }
0x15: {  	[smem:$0x3FBA] =	sst s0;
	s0 =	simm.s32 @!p2 $0x0  }
0x16: {  	s3 =	sld [smem:$0x3FDB];
	s0 =	simm.s32 @p2 $0x1  }
0x17: {  	s4 =	simm.s32 $0x1BF5;
	[smem:$0x3FBC] =	sst s0  }
0x18: {  	s0 =	sld [smem:$0x3F9F];
	_ =	swait.ge [sflag:s4], $0x0  }
0x19: {  	s7 =	sld [smem:$0x3FA0]  }
0x1a: {  	s8 =	sadd.s32 $0xFFFFE003, lr  }
0x1b: {  	s9 =	sadd.s32 $0xFFFFFEF7, lr;
	s5 =	simm.s32 $0xFFFFFFFF;
	p2 =	slt.u32 s8, $0xFFFFF086  }
0x1c: {  	p1 =	slt.u32 s9, $0xF7A;
	s5 =	simm.s32 @!p2 $0x0  }
0x1d: {  	s5 =	simm.s32 @p1 $0x1;
	p0 =	seq.s32 s7, s2  }
0x1e: {  	s7 =	smul.u32 @!p0 $0xF7A, s2;
	p2 =	seq.s32 @!p0 s5, $0x0  }
0x1f: {  	s9 =	smul.u32 $0xF7A, s1;
	s8 =	simm.s32 @!p0 $0x1BF5;
	p2 =	por !p2, p0  }
0x20: {  	[sflag:s8] =	ssyncset.s32 @!p0 $0xFFFFF086;
	s6 =	sadd.s32 @!p0 s3, s7;
	s7 =	simm.s32 @!p0 $0x108  }
0x21: {  	s3 =	sadd.s32 s3, s9;
	s6 =	sadd.s32 @!p0 $0x88, s6;
	s7 =	simm.s32 @p2 $0x1082  }
0x22: {  	[simem:s7], [sflag:s8] =	dma.local @!p0 [hbm:s6], $0xF7A  }
0x23: {  	s9 =	sor.u32 $0xD0000000, s2;
	s6 =	simm.s32 $0x108;
	_ =	swait.ge @!p0 [sflag:s8], $0x0  }
0x24: {  	s3 =	sadd.s32 $0x88, s3;
	s6 =	simm.s32 @!p1 $0x1082;
	[sflag:s4] =	ssyncset.s32 $0xFFFFF086  }
0x25: {  	[simem:s6], [sflag:s4] =	dma.local [hbm:s3], $0xF7A  }
0x26: {  	[smem:$0x3FA0] =	sst s1;
	(tag) =	ssettag s2;
	_ =	strace s9  }
0x27: {  	s1 =	sld [smem:$0x3FB0]  }
0x28: {  	s2 =	sld [smem:$0x3FB1]  }
0x29: {  	s4 =	sld [smem:$0x3FB3]  }
0x2a: {  	p0 =	seq.s32 s5, $0x0;
	s5 =	sld [smem:$0x3FB4]  }
0x2b: {  	s6 =	sld [smem:$0x3FB5]  }
0x2c: {  	s7 =	sld [smem:$0x3FB6]  }
0x2d: {  	s3 =	simm.s32 $0x108;
	s8 =	sld [smem:$0x3FB7]  }
0x2e: {  	s3 =	simm.s32 @!p0 $0x1082;
	s9 =	sld [smem:$0x3FB8]  }
0x2f: {  	lr =	sadd.s32 s0, s3;
	s0 =	sld [smem:$0x3FAF]  }
0x30: {  	s3 =	sld [smem:$0x3FB2]  }
0x31: {  	[smem:$0x3FBB] =	sst s10  }
0x32: {  	s10 =	sld [smem:$0x3FB9];
	_ =	sdelay $0x3  }
0x33: {  	p0 =	seq.s32 s10, $0x1;
	s10 =	sld [smem:$0x3FBB];
	_ =	sdelay $0x3  }
0x34: {  	[smem:$0x3FBB] =	sst s10  }
0x35: {  	s10 =	sld [smem:$0x3FBA];
	_ =	sdelay $0x3  }
0x36: {  	p1 =	seq.s32 s10, $0x1;
	s10 =	sld [smem:$0x3FBB];
	_ =	sdelay $0x3  }
0x37: {  	[smem:$0x3FBB] =	sst s10  }
0x38: {  	s10 =	sld [smem:$0x3FBC]  }
0x39: {  	_ = 	snop;
	(pc) =	sbr.ind lr, $3  }
0x3a: {  	_ = 	snop  }
0x3b: {  	_ = 	snop  }
0x3c: {  	p2 =	seq.s32 s10, $0x1;
	s10 =	sld [smem:$0x3FBB]  }
0x3d: {  	_ =	shalt  }
0x3e: {  	_ =	shalt  }
0x3f: {  	_ =	shalt  }
0x40: {  	_ =	shalt  }
0x41: {  	_ =	shalt  }
0x42: {  	_ =	shalt  }
0x43: {  	_ =	shalt  }
0x44: {  	_ =	shalt  }
0x45: {  	_ =	shalt  }
0x46: {  	_ =	shalt  }
0x47: {  	_ =	shalt  }
0x48: {  	_ =	shalt  }
0x49: {  	_ =	shalt  }
0x4a: {  	_ =	shalt  }
0x4b: {  	_ =	shalt  }
0x4c: {  	_ =	shalt  }
0x4d: {  	_ =	shalt  }
0x4e: {  	_ =	shalt  }
0x4f: {  	_ =	shalt  }
0x50: {  	_ =	shalt  }
0x51: {  	_ =	shalt  }
0x52: {  	_ =	shalt  }
0x53: {  	_ =	shalt  }
0x54: {  	_ =	shalt  }
0x55: {  	_ =	shalt  }
0x56: {  	_ =	shalt  }
0x57: {  	_ =	shalt  }
0x58: {  	_ =	shalt  }
0x59: {  	_ =	shalt  }
0x5a: {  	_ =	shalt  }
0x5b: {  	_ =	shalt  }
0x5c: {  	_ =	shalt  }
0x5d: {  	_ =	shalt  }
0x5e: {  	_ =	shalt  }
0x5f: {  	_ =	shalt  }
0x60: {  	_ =	shalt  }
0x61: {  	_ =	shalt  }
0x62: {  	_ =	shalt  }
0x63: {  	_ =	shalt  }
0x64: {  	_ =	shalt  }
0x65: {  	_ =	shalt  }
0x66: {  	_ =	shalt  }
0x67: {  	_ =	shalt  }
0x68: {  	_ =	shalt  }
0x69: {  	_ =	shalt  }
0x6a: {  	_ =	shalt  }
0x6b: {  	_ =	shalt  }
0x6c: {  	_ =	shalt  }
0x6d: {  	_ =	shalt  }
0x6e: {  	_ =	shalt  }
0x6f: {  	_ =	shalt  }
0x70: {  	_ =	shalt  }
0x71: {  	_ =	shalt  }
0x72: {  	_ =	shalt  }
0x73: {  	_ =	shalt  }
0x74: {  	_ =	shalt  }
0x75: {  	_ =	shalt  }
0x76: {  	_ =	shalt  }
0x77: {  	_ =	shalt  }
0x78: {  	_ =	shalt  }
0x79: {  	_ =	shalt  }
0x7a: {  	_ =	shalt  }
0x7b: {  	_ =	shalt  }
0x7c: {  	_ =	shalt  }
0x7d: {  	_ =	shalt  }
0x7e: {  	_ =	shalt  }
0x7f: {  	_ =	shalt  }
0x80: {  	_ =	shalt  }
0x81: {  	_ =	shalt  }
0x82: {  	_ =	shalt  }
0x83: {  	_ =	shalt  }
0x84: {  	_ =	shalt  }
0x85: {  	_ =	shalt  }
0x86: {  	_ =	shalt  }
0x87: {  	_ =	shalt  }
.Lfunc_end0:
.L_simem_size_0:
called_computation_lowered:
.L_overlay_start_0:
0x88: {  	s2 =	sld [smem:$0x3FD9]  }
0x89: {  	s3 =	sld [smem:$0x3FFE];
	_ =	sdelay $0x1  }
0x8a: {  	s1 =	srdreg.scid  }
0x8b: {  	s0 =	sand.u32 $0x1, s1  }
0x8c: {  	s15 =	sshll.u32 s0, $0xA;
	s2 =	sadd.s32 s3, s2  }
0x8d: {  	s2 =	sadd.s32 s2, s15  }
0x8e: {  	[smem:$0x3FC7] =	sst s2  }
0x8f: {  	_ = 	snop  }
0x90: {  	s2 =	sld [smem:$0x3FD0];
	_ =	sdelay $0x2  }
0x91: {  	s16 =	simm.s32 $0xA;
	s4 =	simm.s32 $0x10  }
0x92: {  	[smem:s4], [sflag:s16] =	dma.local [hbm:s2], $0x1  }
0x93: {  	_ =	swait.eq [sflag:s16], $0x1  }
0x94: {  	[sflag:s16] =	ssyncset.done $0x0  }
0x95: {  	s17 =	sld [smem:$0x10];
	[sflag:s16] =	ssyncadd.s32 $0xFFFFFFFF  }
0x96: {  	s18 =	sld [smem:$0x11];
	(tm) =	ssettm $0x1  }
0x97: {  	s19 =	sld [smem:$0x3FFB];
	_ =	sdelay $0x3  }
0x98: {  	_ =	strace s19  }
0x99: {  	s4 =	sld [smem:$0x3FFC];
	_ =	sdelay $0x3  }
0x9a: {  	_ =	strace s4  }
0x9b: {  	s4 =	sld [smem:$0x3FFD];
	_ =	sdelay $0x3  }
0x9c: {  	_ =	strace s4  }
0x9d: {  	_ =	strace $0x8FFFFFFF  }
0x9e: {  	s20 =	sld [smem:$0x3FDB];
	_ =	sdelay $0x1  }
0x9f: {  	s5 =	simm.s32 $_scs_section_size  }
0xa0: {  	s6 =	simm.s32 $_size__tile_overlayer_lowered;
	s7 =	simm.s32 $_tile_overlayer_lowered  }
0xa1: {  	s23 =	simm.s32 $0x1BFF;
	s22 =	sshll.u32 s7, $0x1;
	s4 =	sadd.s32 s5, s20  }
0xa2: {  	s8 =	simm.s32 $0x0;
	s21 =	sshll.u32 s6, $0x1;
	s6 =	sadd.s32 s22, s4  }
0xa3: {  	[timem:s8], [sflag:s23] =	dma.local [hbm:s6], s21  }
0xa4: {  	_ =	swait.ge [sflag:s23], s21  }
0xa5: {  	s5 =	ssub.s32 $0x0, s21;
	[sflag:s23] =	ssyncset.done $0x0  }
0xa6: {  	[sflag:s23] =	ssyncadd.s32 s5;
	_ =	sdelay $0x1  }
0xa7: {  	s24 =	simm.s32 $0x1B8B  }
0xa8: {  	_ =	swait.ge [sflag:s24], $0x1  }
0xa9: {  	[sflag:s24] =	ssyncset.done $0x0  }
0xaa: {  	s25 =	simm.s32 $0x1B8E;
	[sflag:s24] =	ssyncadd.s32 $0xFFFFFFFF  }
0xab: {  	s26 =	simm.s32 $execute0_lowered;
	[smem:$0x3FD2] =	sst s25  }
0xac: {  	s5 =	sshll.u32 s26, $0x1;
	_ =	strace $0x80000046;
	[dreg:$0x1] =	wrdreg $0xFFFFFFFF  }
0xad: {  	s28 =	simm.s32 $_size_execute0_lowered;
	s4 =	sadd.s32 s4, s5;
	[dreg:$0x0] =	wrdreg $0x0  }
0xae: {  	s5 =	sshll.u32 s28, $0x1;
	[dreg:$0x2] =	wrdreg s4  }
0xaf: {  	[dreg:$0x3] =	wrdreg s5  }
0xb0: {  	[dreg:$0x4] =	wrdreg $0xC0  }
0xb1: {  	_ =	task [dreg:s8], $0x5FFFF  }
0xb2: {  	[dreg:$0x1] =	wrdreg $0xFFFFFFFF  }
0xb3: {  	[dreg:$0x0] =	wrdreg $0x60  }
0xb4: {  	[dreg:$0x2] =	wrdreg s18  }
0xb5: {  	[dreg:$0x3] =	wrdreg s17  }
0xb6: {  	[dreg:$0x4] =	wrdreg $0x9  }
0xb7: {  	_ =	task.clear_ibuf [dreg:s8], $0x5FFFF;
	_ =	strace $0x90000046  }
0xb8: {  	s29 =	simm.s32 $0x9;
	_ =	strace $0x80000048  }
0xb9: {  	_ =	swait.ge [sflag:s29], $0x1  }
0xba: {  	[sflag:s29] =	ssyncadd.s32 $0xFFFFFFFF  }
0xbb: {  	_ =	strace $0x90000048  }
0xbc: {  	_ =	sfence  }
0xbd: {  	s30 =	sld [smem:$0x0];
	_ =	sdelay $0x2  }
0xbe: {  	s31 =	sshll.u32 s1, $0xD;
	s1 =	sshrl.u32 s1, $0x2  }
0xbf: {  	s3 =	sand.u32 $0x4000, s31;
	s1 =	sadd.s32 s1, s30  }
0xc0: {  	s0 =	sor.u32 s3, s0;
	s1 =	sshll.u32 s1, $0x11  }
0xc1: {  	s0 =	sor.u32 s1, s0  }
0xc2: {  	s0 =	sadd.s32 $0x8F2B, s0  }
0xc3: {  	[sflag:s0] =	ssyncadd.remote.s32 $0x1  }
0xc4: {  	_ =	sfence.sel $0xFFFF  }
0xc5: {  	[dreg:$0x0] =	wrdreg $0xFFFFFFFF;
	(pc) =	sbr.abs _section_cstart, $3  }
0xc6: {  	[dreg:$0x1] =	wrdreg $0xFFFFFFFF  }
0xc7: {  	_ =	task.clear_ibuf [dreg:s8], $0x2FFFF;
	_ =	strace $0x9FFFFFFF  }
0xc8: {  	(tm) =	ssettm $0x7FFFFFFF  }
0xc9: {  	_ =	shalt  }
tec
execute0_lowered:
.L_overlay_start_1:
0x0: {  	(tag) =	ssettag $0x1  }
0x1: {  	s2 =	stileid.u32  }
0x2: {  	p0 =	sgt.u32 s2, $0x7  }
.Ltmp0:
0x3: {  	_ = 	snop;
	(pc) =	sbr.rel @p0 .LBB2_7-.Ltmp0, $4  }
0x4: {  	_ = 	snop  }
0x5: {  	s0 =	rddreg [dreg:$0x0];
	s7 =	simm.s32 $0x0  }
0x6: {  	[smem:$0x7FF] =	sst s7  }
0x7: {  	s1 =	rddreg [dreg:$0x1];
	_ =	strace $0x80000047  }
0x8: {  	s2 =	srdreg.scid;
	s4 =	stileid.u32  }
0x9: {  	s31 =	simm.s32 $0xC400;
	s9 =	simm.s32 $0x18800;
	s2 =	sand.u32 $0x1, s2  }
0xa: {  	s3 =	sshrl.u32 s4, $0x2;
	s4 =	sshll.u32 s4, $0x8;
	s5 =	sshll.u32 s2, $0x7  }
0xb: {  	s4 =	sand.u32 $0x300, s4;
	s6 =	smul.u32 $0x62000, s3;
	s2 =	ssub.s32 $0x2, s2  }
0xc: {  	s3 =	sshll.u32 s3, $0xC;
	s4 =	sor.u32 s5, s4;
	s29 =	sshrl.u32 s2, $0x1  }
0xd: {  	[dreg:$0x3] =	wrdreg s31;
	s3 =	sor.u32 s3, s4;
	s2 =	ssub.s32 s2, s29  }
0xe: {  	s4 =	sor.u32 s6, s4;
	s3 =	sshrl.u32 s3, $0x3;
	s30 =	smax.u32 s2, $0x1  }
0xf: {  	v0 =	vimm.s32 $0x0;
	vm1 =	vmmov $0x1;
	v4 =	vimm.s32 $0x0;
	s4 =	sshrl.u32 s4, $0x3;
	s1 =	sadd.s32 s1, s3;
	[dreg:$0x7] =	wrdreg s30  }
0x10: {  	v1 =	vlaneseq.u32;
	vm3 =	vcmask $0x3F30;
	v4 =	vsel vm1, $0xFFFFFFFF, v4;
	s2 =	simm.s32 $0x400;
	s0 =	sadd.s32 s0, s4;
	[dreg:$0x5] =	wrdreg s1  }
0x11: {  	vm13 =	vmxor vm13, vm13;
	v3 =	vimm.s32 $0x1;
	v2 =	vadd.s32 $0x4, v1;
	[tilespmem:$0x1FFF0] =	vst v4;
	s3 =	simm.s32 $0x1;
	[dreg:$0x6] =	wrdreg s0;
	s1 =	simm.s32 $0x80  }
.LBB2_2:
0x12: {  	[dreg:$0x4] =	wrdreg s7  }
0x13: {  	s10 =	simm.s32 $0x0;
	s0 =	rddreg [dreg:$0x6]  }
0x14: {  	[tilespmem:s10], [sflag:$0x1] =	stream.strided.gather [hbm4b:s0+s1], $0xC400, s2, s1, $0x38;
	[tilespmem:$0x18A00] =	vst v63  }
0x15: {  	_ =	swait.ge [sflag:s3], $0xC400  }
0x16: {  	[sflag:s3] =	ssyncset.done $0x0  }
0x17: {  	s0 =	simm.s32 $0x40;
	s1 =	simm.s32 $0x0;
	[sflag:s3] =	ssyncadd.s32 $0xFFFF3C00  }
.LBB2_3:
0x18: {  	p0 =	sne.s32 s0, $0x30FC0;
	[tilespmem:s1+$0xC400] =	vst v0;
	s1 =	smov.u32 s0;
	s0 =	sadd.s32 $0x40, s0  }
.Ltmp1:
0x19: {  	(pc) =	sbr.rel @p0 .LBB2_3-.Ltmp1, $2  }
0x1a: {  	_ =	sdelay $0x2  }
0x1b: {  	s1 =	sshra.s32 s1, $0x2  }
0x1c: {  	[tilespmem:s1+$0xC400] =	vst v0;
	s11 =	simm.s32 $0x0;
	s12 =	simm.s32 $0x0  }
.LBB2_5:
0x1d: {  	s14 =	sshll.u32 s11, $0x4  }
0x1e: {  	s7 =	sadd.s32 $0xFFFFFFFE, s14  }
0x1f: {  	s13 =	sshll.u32 s10, $0x4;
	p0 =	sgt.s32 s7, $0x0;
	s0 =	smov.u32 s7  }
0x20: {  	s1 =	sadd.s32 $0xFFFFFFFE, s13;
	s0 =	simm.s32 @!p0 $0x0  }
0x21: {  	s3 =	sadd.s32 $0x12, s13;
	p0 =	sgt.s32 s1, $0x0;
	s22 =	smin.u32 s0, $0xCC  }
0x22: {  	s2 =	sadd.s32 $0x12, s14;
	s1 =	simm.s32 @!p0 $0x0;
	s0 =	smul.u32 $0xE0, s22  }
0x23: {  	p5 =	slt.s32 s7, $0xCD;
	p0 =	slt.s32 s3, $0xE0;
	s15 =	smin.u32 s1, $0xCC  }
0x24: {  	s20 =	sor.u32 $0x1, s22;
	s4 =	sadd.s32 $0x4, s15;
	s16 =	sadd.s32 s15, s0  }
0x25: {  	s3 =	simm.s32 @!p0 $0xE0;
	p1 =	sgt.s32 s2, s22;
	s21 =	smul.u32 $0xE0, s20;
	v4 =	vadd.s32 s4, v1;
	v26 =	vld [tilespmem:s16+$0x4]  }
0x26: {  	p0 =	por !p5, !p1;
	vm0 =	vge.u32 v4, s1;
	vm1 =	vlt.s32 v4, s3;
	v41 =	vld [tilespmem:s16+$0x0]  }
0x27: {  	vm2 =	vmmov vm13;
	p1 =	slt.s32 s2, $0xE0;
	p0 =	por !p0, !p0;
	s4 =	sadd.s32 s15, s21;
	vm0 =	vmand vm0, vm1  }
0x28: {  	s2 =	simm.s32 @!p1 $0xE0;
	v4 =	vadd.s32 s15, v1;
	vm2 =	vmneg @p0 vm2;
	v34 =	vld [tilespmem:s4+$0x0];
	vm0 =	vmand vm0, vm3  }
0x29: {  	p6 =	sle.s32 s7, s20;
	p1 =	slt.s32 s20, s2;
	vm1 =	vge.u32 v4, s1;
	vm3 =	vlt.s32 v4, s3;
	vm10 =	vmand vm2, vm0  }
0x2a: {  	p0 =	por !p6, !p1;
	v44 =	vld [tilespmem:s4+$0x4];
	vm1 =	vmand vm1, vm3;
	v4 =	vnsel vm10, $0x7F800000, v26  }
0x2b: {  	s6 =	sadd.s32 $0x2, s22;
	p0 =	por !p0, !p0;
	vm3 =	vmmov vm13;
	vm2 =	vmand vm2, vm1;
	v5 =	vmin.f32 v41, v4  }
0x2c: {  	p2 =	slt.s32 s6, s2;
	p1 =	sle.s32 s7, s6;
	vm3 =	vmneg @p0 vm3;
	v4 =	vsel vm2, v5, v4  }
0x2d: {  	v37 =	vld [tilespmem:s16+$0x1C0];
	p0 =	por !p1, !p2;
	vm11 =	vmand vm3, vm1;
	v5 =	vmin.f32 v4, v34  }
0x2e: {  	vm4 =	vmmov vm13;
	p0 =	por !p0, !p0;
	v4 =	vsel vm11, v5, v4  }
0x2f: {  	v43 =	vld [tilespmem:s16+$0x1C4];
	vm3 =	vmand vm3, vm0;
	vm4 =	vmneg @p0 vm4;
	v5 =	vmin.f32 v4, v44  }
0x30: {  	s1 =	sadd.s32 $0x3, s22;
	vm5 =	vmand vm4, vm1;
	v4 =	vsel vm3, v5, v4;
	v5 =	vimm.s32 $0x0  }
0x31: {  	p3 =	sle.s32 s7, s1;
	p4 =	slt.s32 s1, s2;
	v5 =	vsel vm5, $0xFFFFFFFF, v5  }
0x32: {  	v35 =	vld [tilespmem:s16+$0x2A0];
	p0 =	por !p3, !p4;
	[tilespmem:$0x1FE20] =	vst v5;
	v5 =	vmin.f32 v4, v37  }
0x33: {  	p0 =	por !p0, !p0;
	v4 =	vsel vm5, v5, v4;
	vm5 =	vmmov vm13  }
0x34: {  	v42 =	vld [tilespmem:s16+$0x2A4];
	vm4 =	vmand vm4, vm0;
	v5 =	vmin.f32 v4, v43;
	vm5 =	vmneg @p0 vm5  }
0x35: {  	s0 =	sadd.s32 $0x4, s22;
	v4 =	vsel vm4, v5, v4;
	vm6 =	vmand vm5, vm1;
	v5 =	vimm.s32 $0x0  }
0x36: {  	p5 =	sle.s32 s7, s0;
	p6 =	slt.s32 s0, s2;
	v5 =	vsel vm6, $0xFFFFFFFF, v5  }
0x37: {  	v32 =	vld [tilespmem:s16+$0x380];
	p0 =	por !p5, !p6;
	[tilespmem:$0x1FE30] =	vst v5;
	v5 =	vmin.f32 v4, v35  }
0x38: {  	p0 =	por !p0, !p0;
	v4 =	vsel vm6, v5, v4;
	vm6 =	vmmov vm13  }
0x39: {  	v40 =	vld [tilespmem:s16+$0x384];
	vm5 =	vmand vm5, vm0;
	v5 =	vmin.f32 v4, v42;
	vm6 =	vmneg @p0 vm6  }
0x3a: {  	s30 =	sadd.s32 $0x5, s22;
	v4 =	vsel vm5, v5, v4;
	vm7 =	vmand vm6, vm1;
	v5 =	vimm.s32 $0x0  }
0x3b: {  	p1 =	sle.s32 s7, s30;
	p2 =	slt.s32 s30, s2;
	v5 =	vsel vm7, $0xFFFFFFFF, v5  }
0x3c: {  	v30 =	vld [tilespmem:s16+$0x460];
	p0 =	por !p1, !p2;
	[tilespmem:$0x1FE40] =	vst v5;
	v5 =	vmin.f32 v4, v32  }
0x3d: {  	p0 =	por !p0, !p0;
	v4 =	vsel vm7, v5, v4;
	vm7 =	vmmov vm13  }
0x3e: {  	v39 =	vld [tilespmem:s16+$0x464];
	vm6 =	vmand vm6, vm0;
	v5 =	vmin.f32 v4, v40;
	vm7 =	vmneg @p0 vm7  }
0x3f: {  	s29 =	sadd.s32 $0x6, s22;
	v4 =	vsel vm6, v5, v4;
	vm8 =	vmand vm7, vm1;
	v5 =	vimm.s32 $0x0  }
0x40: {  	p3 =	sle.s32 s7, s29;
	p4 =	slt.s32 s29, s2;
	v5 =	vsel vm8, $0xFFFFFFFF, v5  }
0x41: {  	v29 =	vld [tilespmem:s16+$0x540];
	p0 =	por !p3, !p4;
	[tilespmem:$0x1FE50] =	vst v5;
	v5 =	vmin.f32 v4, v30  }
0x42: {  	p0 =	por !p0, !p0;
	v4 =	vsel vm8, v5, v4;
	vm8 =	vmmov vm13  }
0x43: {  	v38 =	vld [tilespmem:s16+$0x544];
	vm7 =	vmand vm7, vm0;
	v5 =	vmin.f32 v4, v39;
	vm8 =	vmneg @p0 vm8  }
0x44: {  	v4 =	vsel vm7, v5, v4;
	vm9 =	vmand vm8, vm1;
	v5 =	vimm.s32 $0x0  }
0x45: {  	s28 =	sadd.s32 $0x7, s22;
	v27 =	vld [tilespmem:s16+$0x620];
	v5 =	vsel vm9, $0xFFFFFFFF, v5  }
0x46: {  	p5 =	sle.s32 s7, s28;
	p6 =	slt.s32 s28, s2;
	[tilespmem:$0x1FE60] =	vst v5;
	v5 =	vmin.f32 v4, v29  }
0x47: {  	v36 =	vld [tilespmem:s16+$0x624];
	p0 =	por !p5, !p6;
	v4 =	vsel vm9, v5, v4  }
0x48: {  	vm8 =	vmand vm8, vm0;
	p0 =	por !p0, !p0;
	vm9 =	vmmov vm13;
	v5 =	vmin.f32 v4, v38  }
0x49: {  	s25 =	sadd.s32 $0x8, s22;
	v23 =	vld [tilespmem:s16+$0x700];
	vm9 =	vmneg @p0 vm9;
	v4 =	vsel vm8, v5, v4  }
0x4a: {  	p1 =	sle.s32 s7, s25;
	p2 =	slt.s32 s25, s2;
	vm12 =	vmand vm9, vm1;
	v5 =	vmin.f32 v4, v27  }
0x4b: {  	v6 =	vimm.s32 $0x0;
	v33 =	vld [tilespmem:s16+$0x704];
	p0 =	por !p1, !p2;
	vm9 =	vmand vm9, vm0;
	v4 =	vsel vm12, v5, v4  }
0x4c: {  	s26 =	sadd.s32 $0x9, s22;
	p0 =	por !p0, !p0;
	v6 =	vsel vm12, $0xFFFFFFFF, v6;
	vm12 =	vmmov vm13;
	v5 =	vmin.f32 v4, v36  }
0x4d: {  	v24 =	vld [tilespmem:s16+$0x7E0];
	p3 =	sle.s32 s7, s26;
	p4 =	slt.s32 s26, s2;
	vm12 =	vmneg @p0 vm12;
	v4 =	vsel vm9, v5, v4  }
0x4e: {  	v62 =	vimm.s32 $0x0;
	p0 =	por !p3, !p4;
	vm14 =	vmand vm12, vm1;
	v5 =	vmin.f32 v4, v23  }
0x4f: {  	[tilespmem:$0x1FE70] =	vst v6;
	p0 =	por !p0, !p0;
	v6 =	vsel vm14, $0xFFFFFFFF, v62;
	v4 =	vsel vm14, v5, v4;
	vm14 =	vmmov vm13  }
0x50: {  	v31 =	vld [tilespmem:s16+$0x7E4];
	vm12 =	vmand vm12, vm0;
	v5 =	vmin.f32 v4, v33;
	vm14 =	vmneg @p0 vm14  }
0x51: {  	v63 =	vimm.s32 $0x0;
	s24 =	sadd.s32 $0xA, s22;
	v4 =	vsel vm12, v5, v4;
	vm15 =	vmand vm14, vm1  }
0x52: {  	v28 =	vld [tilespmem:s16+$0x8C0];
	p5 =	sle.s32 s7, s24;
	p6 =	slt.s32 s24, s2;
	[tilespmem:$0x1FE80] =	vst v6;
	v5 =	vmin.f32 v4, v24;
	v6 =	vsel vm15, $0xFFFFFFFF, v63  }
0x53: {  	p0 =	por !p5, !p6;
	v4 =	vsel vm15, v5, v4;
	vm15 =	vmand vm14, vm0;
	v5 =	vimm.s32 $0x0  }
0x54: {  	p0 =	por !p0, !p0;
	vm14 =	vmmov vm13;
	v5 =	vsel vm15, $0xFFFFFFFF, v5  }
0x55: {  	v25 =	vld [tilespmem:s16+$0x8C4];
	vm14 =	vmneg @p0 vm14;
	[tilespmem:$0x1FEA0] =	vst v5;
	v5 =	vmin.f32 v4, v31  }
0x56: {  	v9 =	vimm.s32 $0x0;
	s21 =	sadd.s32 $0xB, s22;
	v4 =	vsel vm15, v5, v4;
	vm15 =	vmand vm14, vm1  }
0x57: {  	v22 =	vld [tilespmem:s16+$0x9A0];
	p1 =	sle.s32 s7, s21;
	p2 =	slt.s32 s21, s2;
	[tilespmem:$0x1FE90] =	vst v6;
	v5 =	vmin.f32 v4, v28;
	v6 =	vsel vm15, $0xFFFFFFFF, v9  }
0x58: {  	p0 =	por !p1, !p2;
	v4 =	vsel vm15, v5, v4;
	vm15 =	vmand vm14, vm0;
	v5 =	vimm.s32 $0x0  }
0x59: {  	p0 =	por !p0, !p0;
	vm14 =	vmmov vm13;
	v5 =	vsel vm15, $0xFFFFFFFF, v5  }
0x5a: {  	v21 =	vld [tilespmem:s16+$0x9A4];
	vm14 =	vmneg @p0 vm14;
	[tilespmem:$0x1FEC0] =	vst v5;
	v5 =	vmin.f32 v4, v25  }
0x5b: {  	v10 =	vimm.s32 $0x0;
	s18 =	sadd.s32 $0xC, s22;
	v4 =	vsel vm15, v5, v4;
	vm15 =	vmand vm14, vm1  }
0x5c: {  	v19 =	vld [tilespmem:s16+$0xA80];
	p3 =	sle.s32 s7, s18;
	p4 =	slt.s32 s18, s2;
	[tilespmem:$0x1FEB0] =	vst v6;
	v5 =	vmin.f32 v4, v22;
	v6 =	vsel vm15, $0xFFFFFFFF, v10  }
0x5d: {  	p0 =	por !p3, !p4;
	v4 =	vsel vm15, v5, v4;
	vm15 =	vmand vm14, vm0;
	v5 =	vimm.s32 $0x0  }
0x5e: {  	p0 =	por !p0, !p0;
	vm14 =	vmmov vm13;
	v5 =	vsel vm15, $0xFFFFFFFF, v5  }
0x5f: {  	v20 =	vld [tilespmem:s16+$0xA84];
	vm14 =	vmneg @p0 vm14;
	[tilespmem:$0x1FEE0] =	vst v5;
	v5 =	vmin.f32 v4, v21  }
0x60: {  	v11 =	vimm.s32 $0x0;
	s19 =	sadd.s32 $0xD, s22;
	v4 =	vsel vm15, v5, v4;
	vm15 =	vmand vm14, vm1  }
0x61: {  	v18 =	vld [tilespmem:s16+$0xB60];
	p5 =	sle.s32 s7, s19;
	p6 =	slt.s32 s19, s2;
	[tilespmem:$0x1FED0] =	vst v6;
	v5 =	vmin.f32 v4, v19;
	v6 =	vsel vm15, $0xFFFFFFFF, v11  }
0x62: {  	p0 =	por !p5, !p6;
	v4 =	vsel vm15, v5, v4;
	vm15 =	vmand vm14, vm0;
	v5 =	vimm.s32 $0x0  }
0x63: {  	v7 =	vld [tilespmem:s16+$0xB64];
	p0 =	por !p0, !p0;
	vm14 =	vmmov vm13;
	v5 =	vsel vm15, $0xFFFFFFFF, v5  }
0x64: {  	s23 =	sadd.s32 $0xE, s22;
	vm14 =	vmneg @p0 vm14;
	[tilespmem:$0x1FF00] =	vst v5;
	v5 =	vmin.f32 v4, v20  }
0x65: {  	v8 =	vimm.s32 $0x0;
	p1 =	sle.s32 s7, s23;
	p2 =	slt.s32 s23, s2;
	v5 =	vsel vm15, v5, v4;
	v4 =	vld [tilespmem:s16+$0xC40];
	vm15 =	vmand vm14, vm1  }
0x66: {  	v13 =	vimm.s32 $0x0;
	p0 =	por !p1, !p2;
	v12 =	vmin.f32 v5, v18;
	v8 =	vsel vm15, $0xFFFFFFFF, v8  }
0x67: {  	p0 =	por !p0, !p0;
	[tilespmem:$0x1FF10] =	vst v8;
	v5 =	vsel vm15, v12, v5;
	v8 =	vld [tilespmem:s16+$0xC44];
	vm15 =	vmand vm14, vm0;
	vm14 =	vmmov vm13  }
0x68: {  	s31 =	sadd.s32 $0xF, s22;
	[tilespmem:$0x1FEF0] =	vst v6;
	v6 =	vsel vm15, $0xFFFFFFFF, v13;
	v14 =	vmin.f32 v5, v7;
	vm14 =	vmneg @p0 vm14  }
0x69: {  	p3 =	sle.s32 s7, s31;
	p4 =	slt.s32 s31, s2;
	v10 =	vimm.s32 $0x0;
	[tilespmem:$0x1FF20] =	vst v6;
	v6 =	vsel vm15, v14, v5;
	v5 =	vld [tilespmem:s16+$0xD20];
	vm15 =	vmand vm14, vm1  }
0x6a: {  	v15 =	vimm.s32 $0x0;
	p0 =	por !p3, !p4;
	v9 =	vmin.f32 v6, v4;
	v10 =	vsel vm15, $0xFFFFFFFF, v10  }
0x6b: {  	v11 =	vld [tilespmem:s16+$0xD24];
	p0 =	por !p0, !p0;
	v6 =	vsel vm15, v9, v6;
	vm15 =	vmand vm14, vm0;
	vm14 =	vmmov vm13  }
0x6c: {  	s3 =	sadd.s32 $0x10, s22;
	v9 =	vsel vm15, $0xFFFFFFFF, v15;
	v16 =	vmin.f32 v6, v8;
	vm14 =	vmneg @p0 vm14  }
0x6d: {  	p5 =	sle.s32 s7, s3;
	p6 =	slt.s32 s3, s2;
	v12 =	vimm.s32 $0x0;
	[tilespmem:$0x1FF40] =	vst v9;
	v9 =	vsel vm15, v16, v6;
	v6 =	vld [tilespmem:s16+$0xE00];
	vm15 =	vmand vm14, vm1  }
0x6e: {  	v45 =	vimm.s32 $0x0;
	p0 =	por !p5, !p6;
	v17 =	vmin.f32 v9, v5;
	v12 =	vsel vm15, $0xFFFFFFFF, v12  }
0x6f: {  	p0 =	por !p0, !p0;
	[tilespmem:$0x1FF50] =	vst v12;
	v9 =	vsel vm15, v17, v9;
	v12 =	vld [tilespmem:s16+$0xE04];
	vm15 =	vmand vm14, vm0;
	vm14 =	vmmov vm13  }
0x70: {  	[tilespmem:$0x1FF30] =	vst v10;
	v10 =	vsel vm15, $0xFFFFFFFF, v45;
	v46 =	vmin.f32 v9, v11;
	vm14 =	vmneg @p0 vm14  }
0x71: {  	s5 =	sadd.s32 $0x11, s22;
	v14 =	vimm.s32 $0x0;
	[tilespmem:$0x1FF60] =	vst v10;
	v10 =	vsel vm15, v46, v9;
	v9 =	vld [tilespmem:s16+$0xEE0];
	vm15 =	vmand vm14, vm1  }
0x72: {  	p1 =	sle.s32 s7, s5;
	p2 =	slt.s32 s5, s2;
	v13 =	vmin.f32 v10, v6;
	v14 =	vsel vm15, $0xFFFFFFFF, v14  }
0x73: {  	v47 =	vimm.s32 $0x0;
	p0 =	por !p1, !p2;
	[tilespmem:$0x1FF70] =	vst v14;
	v10 =	vsel vm15, v13, v10;
	v14 =	vld [tilespmem:s16+$0xEE4];
	vm15 =	vmand vm14, vm0  }
0x74: {  	p0 =	por !p0, !p0;
	vm14 =	vmmov vm13;
	v13 =	vsel vm15, $0xFFFFFFFF, v47;
	v48 =	vmin.f32 v10, v12  }
0x75: {  	v49 =	vimm.s32 $0x0;
	s8 =	sadd.s32 $0x12, s22;
	vm14 =	vmneg @p0 vm14;
	[tilespmem:$0x1FF80] =	vst v13;
	v13 =	vsel vm15, v48, v10;
	v10 =	vld [tilespmem:s16+$0xFC0]  }
0x76: {  	p3 =	sle.s32 s7, s8;
	p4 =	slt.s32 s8, s2;
	v16 =	vimm.s32 $0x0;
	vm15 =	vmand vm14, vm1;
	v15 =	vmin.f32 v13, v9  }
0x77: {  	p0 =	por !p3, !p4;
	v16 =	vsel vm15, $0xFFFFFFFF, v16;
	v13 =	vsel vm15, v15, v13;
	v15 =	vld [tilespmem:s16+$0xFC4];
	vm15 =	vmand vm14, vm0  }
0x78: {  	p0 =	por !p0, !p0;
	[tilespmem:$0x1FF90] =	vst v16;
	vm14 =	vmmov vm13;
	v16 =	vsel vm15, $0xFFFFFFFF, v49;
	v50 =	vmin.f32 v13, v14  }
0x79: {  	s17 =	sadd.s32 $0x13, s22;
	vm14 =	vmneg @p0 vm14;
	[tilespmem:$0x1FFA0] =	vst v16;
	v16 =	vsel vm15, v50, v13;
	v13 =	vld [tilespmem:s16+$0x10A0]  }
0x7a: {  	p5 =	sle.s32 s7, s17;
	p6 =	slt.s32 s17, s2;
	v45 =	vimm.s32 $0x0;
	vm15 =	vmand vm14, vm1;
	v17 =	vmin.f32 v16, v10  }
0x7b: {  	p0 =	por !p5, !p6;
	v45 =	vsel vm15, $0xFFFFFFFF, v45;
	v17 =	vsel vm15, v17, v16;
	v16 =	vld [tilespmem:s16+$0x10A4]  }
0x7c: {  	p0 =	por !p0, !p0;
	vm15 =	vmand vm14, vm0;
	vm14 =	vmmov vm13;
	v52 =	vmin.f32 v17, v15  }
0x7d: {  	vm14 =	vmneg @p0 vm14;
	v17 =	vsel vm15, v52, v17  }
0x7e: {  	vm1 =	vmand vm14, vm1;
	v54 =	vmin.f32 v17, v13  }
0x7f: {  	v17 =	vsel vm1, v54, v17  }
0x80: {  	vm0 =	vmand vm14, vm0;
	v56 =	vmin.f32 v17, v16  }
0x81: {  	v17 =	vsel vm0, v56, v17  }
0x82: {  	(xrf0) =	vmin.scan.msk.f32 $0xffff, v17;
	_ =	sdelay $0x1  }
0x83: {  	v57 =	vld [tilespmem:s16+$0xC400]  }
0x84: {  	v46 =	vld [tilespmem:s16+$0xC404]  }
0x85: {  	s22 =	sshll.u32 s22, $0x8;
	v47 =	vld [tilespmem:s4+$0xC400]  }
0x86: {  	v51 =	vimm.s32 $0x0;
	v53 =	vimm.s32 $0x0;
	v55 =	vimm.s32 $0x0;
	s2 =	sor.u32 s15, s22;
	v48 =	vld [tilespmem:s4+$0xC404];
	s4 =	sshll.u32 s20, $0x8  }
0x87: {  	v58 =	vadd.s32 s2, v1;
	v60 =	vadd.s32 s2, v2;
	s2 =	sor.u32 s15, s4;
	[tilespmem:$0x1FFB0] =	vst v45;
	v45 =	vsel vm15, $0xFFFFFFFF, v51;
	v17, _, _ =	vpop (xrf0)  }
0x88: {  	s6 =	sshll.u32 s6, $0x8;
	v62 =	vadd.s32 s2, v1;
	[tilespmem:$0x1FFC0] =	vst v45;
	v45 =	vsel vm1, $0xFFFFFFFF, v53;
	v17 =	vbroadcast v17, $0xF  }
0x89: {  	vm15 =	veq.s32 v46, $0x0;
	v52 =	vadd.s32 s2, v2;
	s2 =	sor.u32 s15, s6;
	[tilespmem:$0x1FFD0] =	vst v45;
	v45 =	vsel vm0, $0xFFFFFFFF, v55  }
0x8a: {  	v61 =	vld [tilespmem:s16+$0xC5C4];
	vm1 =	veq.s32 v57, $0x0;
	v55 =	vadd.s32 s2, v1;
	vm0 =	veq.f32 v41, v17  }
0x8b: {  	v59 =	vld [tilespmem:s16+$0xC5C0];
	v57 =	vadd.s32 s2, v2;
	vm14 =	veq.f32 v26, v17;
	vm0 =	vmand vm1, vm0  }
0x8c: {  	vm1 =	vmand vm15, vm14;
	vm14 =	veq.s32 v48, $0x0;
	vm0 =	vmand vm2, vm0  }
0x8d: {  	s1 =	sshll.u32 s1, $0x8;
	vm1 =	vmand vm10, vm1;
	vm2 =	veq.s32 v47, $0x0;
	vm10 =	veq.f32 v44, v17  }
0x8e: {  	s1 =	sor.u32 s15, s1;
	v26 =	vnsel vm0, $0x40000000, v58;
	vm0 =	veq.f32 v34, v17;
	v34 =	vnsel vm1, $0x40000000, v60  }
0x8f: {  	v54 =	vld [tilespmem:$0x1FE20];
	vm1 =	vmand vm14, vm10;
	vm10 =	veq.s32 v61, $0x0;
	v60 =	vadd.s32 s1, v1  }
0x90: {  	v53 =	vld [tilespmem:s16+$0xC6A4];
	vm0 =	vmand vm2, vm0;
	vm1 =	vmand vm3, vm1;
	vm2 =	veq.s32 v59, $0x0  }
0x91: {  	v63 =	vld [tilespmem:s16+$0xC6A0];
	vm3 =	veq.f32 v43, v17;
	v26 =	vmin.u32 v26, v34;
	vm0 =	vmand vm11, vm0  }
0x92: {  	s0 =	sshll.u32 s0, $0x8;
	v41 =	vnsel vm0, $0x40000000, v62;
	vm0 =	veq.f32 v37, v17;
	v37 =	vnsel vm1, $0x40000000, v52  }
0x93: {  	s0 =	sor.u32 s15, s0;
	v58 =	vld [tilespmem:s16+$0xC784];
	vm1 =	vmand vm10, vm3;
	vm3 =	veq.f32 v42, v17;
	v62 =	vadd.s32 s1, v2  }
0x94: {  	v59 =	vld [tilespmem:$0x1FE30];
	v52 =	vadd.s32 s0, v1;
	vm0 =	vmand vm2, vm0;
	vm2 =	vnez.u8 v54  }
0x95: {  	v56 =	vld [tilespmem:s16+$0xC780];
	vm1 =	vmand vm4, vm1;
	vm4 =	veq.s32 v53, $0x0;
	vm0 =	vmand vm2, vm0  }
0x96: {  	s7 =	sshll.u32 s30, $0x8;
	v54 =	vadd.s32 s0, v2;
	vm2 =	veq.s32 v63, $0x0;
	v43 =	vnsel vm0, $0x40000000, v55  }
0x97: {  	s0 =	sor.u32 s15, s7;
	vm0 =	veq.f32 v35, v17;
	v35 =	vnsel vm1, $0x40000000, v57;
	vm1 =	vmand vm4, vm3  }
0x98: {  	v51 =	vld [tilespmem:$0x1FE40];
	vm3 =	veq.f32 v40, v17;
	vm4 =	veq.s32 v58, $0x0;
	v57 =	vadd.s32 s0, v1  }
0x99: {  	v63 =	vld [tilespmem:s16+$0xC864];
	vm0 =	vmand vm2, vm0;
	vm2 =	vnez.u8 v59;
	vm1 =	vmand vm5, vm1  }
0x9a: {  	s20 =	sshll.u32 s29, $0x8;
	v61 =	vld [tilespmem:s16+$0xC860];
	v59 =	vadd.s32 s0, v2;
	vm0 =	vmand vm2, vm0;
	vm2 =	veq.s32 v56, $0x0  }
0x9b: {  	v55 =	vld [tilespmem:s16+$0xC944];
	s0 =	sor.u32 s15, s20;
	v42 =	vnsel vm0, $0x40000000, v60;
	vm0 =	veq.f32 v32, v17;
	v32 =	vnsel vm1, $0x40000000, v62  }
0x9c: {  	v56 =	vld [tilespmem:$0x1FE50];
	vm1 =	vmand vm4, vm3;
	vm3 =	veq.f32 v39, v17;
	v62 =	vadd.s32 s0, v1  }
0x9d: {  	vm0 =	vmand vm2, vm0;
	vm2 =	vnez.u8 v51;
	vm1 =	vmand vm6, vm1  }
0x9e: {  	v53 =	vld [tilespmem:s16+$0xC940];
	vm4 =	veq.s32 v63, $0x0;
	v51 =	vadd.s32 s0, v2;
	vm0 =	vmand vm2, vm0  }
0x9f: {  	vm2 =	veq.s32 v61, $0x0;
	v40 =	vnsel vm0, $0x40000000, v52;
	vm0 =	veq.f32 v30, v17  }
0xa0: {  	s22 =	sshll.u32 s28, $0x8;
	v60 =	vld [tilespmem:s16+$0xCA24];
	v30 =	vnsel vm1, $0x40000000, v54;
	vm1 =	vmand vm4, vm3;
	vm3 =	veq.f32 v38, v17  }
0xa1: {  	s0 =	sor.u32 s15, s22;
	v61 =	vld [tilespmem:$0x1FE60];
	vm4 =	veq.s32 v55, $0x0;
	vm0 =	vmand vm2, vm0;
	vm2 =	vnez.u8 v56  }
0xa2: {  	v58 =	vld [tilespmem:s16+$0xCA20];
	v54 =	vadd.s32 s0, v1;
	vm1 =	vmand vm7, vm1;
	vm0 =	vmand vm2, vm0  }
0xa3: {  	s28 =	sshll.u32 s25, $0x8;
	v56 =	vadd.s32 s0, v2;
	vm2 =	veq.s32 v53, $0x0;
	v39 =	vnsel vm0, $0x40000000, v57  }
0xa4: {  	s0 =	sor.u32 s15, s28;
	vm0 =	veq.f32 v29, v17;
	v29 =	vnsel vm1, $0x40000000, v59;
	vm1 =	vmand vm4, vm3  }
0xa5: {  	v53 =	vld [tilespmem:$0x1FE70];
	vm3 =	veq.f32 v36, v17;
	vm4 =	veq.s32 v60, $0x0;
	v59 =	vadd.s32 s0, v1  }
0xa6: {  	s29 =	sshll.u32 s26, $0x8;
	v52 =	vld [tilespmem:s16+$0xCB04];
	vm0 =	vmand vm2, vm0;
	vm2 =	vnez.u8 v61;
	vm1 =	vmand vm8, vm1  }
0xa7: {  	v63 =	vld [tilespmem:s16+$0xCB00];
	v61 =	vadd.s32 s0, v2;
	s0 =	sor.u32 s15, s29;
	vm0 =	vmand vm2, vm0;
	vm2 =	veq.s32 v58, $0x0  }
0xa8: {  	v49 =	vadd.s32 s0, v1;
	v50 =	vadd.s32 s0, v2;
	v38 =	vnsel vm0, $0x40000000, v62  }
0xa9: {  	v57 =	vld [tilespmem:s16+$0xCBE4];
	vm0 =	veq.f32 v27, v17;
	v27 =	vnsel vm1, $0x40000000, v51;
	vm1 =	vmand vm4, vm3  }
0xaa: {  	v58 =	vld [tilespmem:$0x1FE80];
	vm3 =	veq.f32 v33, v17;
	vm0 =	vmand vm2, vm0;
	vm2 =	vnez.u8 v53  }
0xab: {  	v55 =	vld [tilespmem:s16+$0xCBE0];
	vm4 =	veq.s32 v52, $0x0;
	vm1 =	vmand vm9, vm1;
	vm0 =	vmand vm2, vm0  }
0xac: {  	s30 =	sshll.u32 s24, $0x8;
	v60 =	vld [tilespmem:s16+$0xCCC0];
	vm2 =	veq.s32 v63, $0x0;
	v36 =	vnsel vm0, $0x40000000, v54;
	vm0 =	veq.f32 v23, v17  }
0xad: {  	s0 =	sor.u32 s15, s30;
	v23 =	vnsel vm1, $0x40000000, v56;
	vm1 =	vmand vm4, vm3;
	vm3 =	veq.f32 v31, v17  }
0xae: {  	v63 =	vld [tilespmem:$0x1FE90];
	vm4 =	veq.s32 v57, $0x0;
	v54 =	vmin.u32 v26, v41;
	v57 =	vadd.s32 s0, v1  }
0xaf: {  	v48 =	vld [tilespmem:$0x1FEA0];
	vm0 =	vmand vm2, vm0;
	vm2 =	vnez.u8 v58;
	vm1 =	vmand vm12, vm1  }
0xb0: {  	v58 =	vadd.s32 s0, v2;
	vm0 =	vmand vm2, vm0;
	vm2 =	veq.s32 v55, $0x0  }
0xb1: {  	v62 =	vld [tilespmem:s16+$0xCCC4];
	v31 =	vnsel vm1, $0x40000000, v61;
	vm1 =	vmand vm4, vm3;
	vm3 =	veq.s32 v60, $0x0  }
0xb2: {  	v53 =	vld [tilespmem:$0x1FEB0];
	v33 =	vnsel vm0, $0x40000000, v59;
	vm0 =	veq.f32 v24, v17;
	v24 =	vmin.u32 v54, v37  }
0xb3: {  	v56 =	vld [tilespmem:$0x1FEC0];
	vm0 =	vmand vm2, vm0;
	vm2 =	vnez.u8 v63;
	v24 =	vmin.u32 v24, v43  }
0xb4: {  	vm0 =	vmand vm2, vm0;
	vm2 =	vnez.u8 v48;
	v24 =	vmin.u32 v24, v35  }
0xb5: {  	vm1 =	vmand vm2, vm1;
	vm2 =	veq.f32 v28, v17;
	v51 =	vnsel vm0, $0x40000000, v49  }
0xb6: {  	v24 =	vmin.u32 v24, v42;
	v44 =	vnsel vm1, $0x40000000, v50;
	vm0 =	vmand vm3, vm2  }
0xb7: {  	v52 =	vld [tilespmem:s16+$0xCDA0];
	vm1 =	veq.f32 v25, v17;
	vm2 =	veq.s32 v62, $0x0;
	vm3 =	vnez.u8 v53  }
0xb8: {  	v55 =	vld [tilespmem:s16+$0xCDA4];
	v24 =	vmin.u32 v24, v32;
	vm1 =	vmand vm2, vm1;
	vm2 =	vnez.u8 v56  }
0xb9: {  	v32 =	vld [tilespmem:$0x1FEE0];
	vm0 =	vmand vm3, vm0;
	v62 =	vmin.u32 v24, v40;
	vm1 =	vmand vm2, vm1  }
0xba: {  	v59 =	vnsel vm1, $0x40000000, v58;
	vm1 =	veq.f32 v21, v17;
	v21 =	vmin.u32 v62, v30  }
0xbb: {  	v26 =	vnsel vm0, $0x40000000, v57;
	v21 =	vmin.u32 v21, v39  }
0xbc: {  	vm0 =	veq.f32 v22, v17;
	vm2 =	veq.s32 v52, $0x0;
	v21 =	vmin.u32 v21, v29  }
0xbd: {  	s1 =	sshll.u32 s21, $0x8;
	vm0 =	vmand vm2, vm0;
	vm2 =	veq.s32 v55, $0x0;
	v21 =	vmin.u32 v21, v38  }
0xbe: {  	s0 =	sor.u32 s15, s1;
	v61 =	vld [tilespmem:$0x1FED0];
	vm1 =	vmand vm2, vm1;
	vm2 =	vnez.u8 v32;
	v21 =	vmin.u32 v21, v27  }
0xbf: {  	v37 =	vadd.s32 s0, v2;
	vm1 =	vmand vm2, vm1;
	v42 =	vmin.u32 v21, v36  }
0xc0: {  	v41 =	vld [tilespmem:$0x1FEF0];
	v40 =	vnsel vm1, $0x40000000, v37;
	vm1 =	veq.f32 v20, v17;
	v20 =	vmin.u32 v42, v23  }
0xc1: {  	v60 =	vld [tilespmem:s16+$0xCE80];
	v20 =	vmin.u32 v20, v33  }
0xc2: {  	v63 =	vld [tilespmem:s16+$0xCE84];
	v20 =	vmin.u32 v20, v31  }
0xc3: {  	s4 =	sshll.u32 s19, $0x8;
	v43 =	vld [tilespmem:$0x1FF00];
	vm3 =	vnez.u8 v61;
	v20 =	vmin.u32 v20, v51  }
0xc4: {  	s6 =	sor.u32 s15, s4;
	v35 =	vadd.s32 s0, v1;
	vm0 =	vmand vm3, vm0;
	v39 =	vld [tilespmem:s16+$0xCF60];
	v20 =	vmin.u32 v20, v44  }
0xc5: {  	v47 =	vadd.s32 s6, v1;
	v25 =	vnsel vm0, $0x40000000, v35;
	v20 =	vmin.u32 v20, v26  }
0xc6: {  	vm0 =	veq.f32 v19, v17;
	vm2 =	veq.s32 v60, $0x0;
	v20 =	vmin.u32 v20, v59;
	v59 =	vld [tilespmem:$0x1FF10]  }
0xc7: {  	vm3 =	vnez.u8 v41;
	vm0 =	vmand vm2, vm0;
	vm2 =	veq.s32 v63, $0x0;
	v51 =	vld [tilespmem:s16+$0xCF64]  }
0xc8: {  	s2 =	sshll.u32 s18, $0x8;
	v63 =	vld [tilespmem:$0x1FF20];
	vm3 =	vmand vm3, vm0;
	vm0 =	vmand vm2, vm1;
	vm1 =	vnez.u8 v43  }
0xc9: {  	s0 =	sor.u32 s15, s2;
	v38 =	vld [tilespmem:$0x1FF30];
	vm0 =	vmand vm1, vm0;
	vm1 =	veq.f32 v18, v17;
	vm2 =	veq.s32 v39, $0x0  }
0xca: {  	v48 =	vadd.s32 s6, v2;
	v46 =	vadd.s32 s0, v2;
	v58 =	vld [tilespmem:s16+$0xD040];
	vm1 =	vmand vm2, vm1  }
0xcb: {  	v60 =	vld [tilespmem:s16+$0xD044];
	v18 =	vnsel vm0, $0x40000000, v46;
	v20 =	vmin.u32 v20, v25;
	vm0 =	vnez.u8 v59  }
0xcc: {  	vm2 =	veq.s32 v51, $0x0;
	vm0 =	vmand vm0, vm1;
	vm1 =	veq.f32 v7, v17  }
0xcd: {  	v19 =	vmin.u32 v20, v40;
	v40 =	vld [tilespmem:$0x1FF40];
	vm1 =	vmand vm2, vm1;
	vm2 =	vnez.u8 v63  }
0xce: {  	vm4 =	vnez.u8 v38;
	v35 =	vnsel vm0, $0x40000000, v47;
	vm1 =	vmand vm2, vm1  }
0xcf: {  	s7 =	sshll.u32 s23, $0x8;
	v36 =	vld [tilespmem:s16+$0xD120];
	vm0 =	veq.f32 v4, v17;
	v37 =	vnsel vm1, $0x40000000, v48;
	vm1 =	veq.s32 v58, $0x0  }
0xd0: {  	s18 =	sor.u32 s15, s7;
	v4 =	vld [tilespmem:s16+$0xD124];
	vm2 =	veq.s32 v60, $0x0;
	vm0 =	vmand vm1, vm0;
	vm1 =	veq.f32 v8, v17  }
0xd1: {  	v49 =	vadd.s32 s18, v1;
	v44 =	vld [tilespmem:$0x1FF60];
	vm0 =	vmand vm4, vm0;
	vm1 =	vmand vm2, vm1  }
0xd2: {  	vm2 =	vnez.u8 v40;
	v41 =	vnsel vm0, $0x40000000, v49;
	vm0 =	veq.f32 v5, v17;
	v5 =	vld [tilespmem:s16+$0xD204]  }
0xd3: {  	v50 =	vadd.s32 s18, v2;
	vm1 =	vmand vm2, vm1  }
0xd4: {  	v43 =	vnsel vm1, $0x40000000, v50;
	vm1 =	veq.s32 v36, $0x0  }
0xd5: {  	vm2 =	veq.s32 v4, $0x0;
	vm0 =	vmand vm1, vm0;
	vm1 =	veq.f32 v11, v17  }
0xd6: {  	v4 =	vld [tilespmem:$0x1FF50];
	vm1 =	vmand vm2, vm1;
	vm2 =	vnez.u8 v44  }
0xd7: {  	vm1 =	vmand vm2, vm1;
	vm2 =	veq.s32 v5, $0x0;
	v5 =	vld [tilespmem:$0x1FF70]  }
0xd8: {  	s19 =	sshll.u32 s31, $0x8;
	[tilespmem:$0x1FFE0] =	vst v45;
	s21 =	sshll.u32 s3, $0x8;
	v45 =	vadd.s32 s0, v1;
	v42 =	vld [tilespmem:s16+$0xD200]  }
0xd9: {  	s20 =	sor.u32 s15, s19;
	s22 =	sor.u32 s15, s21;
	v21 =	vnsel vm3, $0x40000000, v45  }
0xda: {  	v54 =	vadd.s32 s22, v1;
	v53 =	vadd.s32 s20, v2;
	v19 =	vmin.u32 v19, v21  }
0xdb: {  	v52 =	vadd.s32 s20, v1;
	v39 =	vmin.u32 v19, v18;
	vm4 =	vnez.u8 v4  }
0xdc: {  	v8 =	vmin.u32 v39, v35;
	vm0 =	vmand vm4, vm0;
	vm4 =	vnez.u8 v5;
	v5 =	vld [tilespmem:$0x1FF80]  }
0xdd: {  	v4 =	vmin.u32 v8, v37;
	v47 =	vnsel vm1, $0x40000000, v53;
	vm1 =	veq.s32 v42, $0x0  }
0xde: {  	v46 =	vld [tilespmem:s16+$0xD2E0];
	v4 =	vmin.u32 v4, v41;
	v45 =	vnsel vm0, $0x40000000, v52;
	vm0 =	veq.f32 v6, v17  }
0xdf: {  	v48 =	vld [tilespmem:s16+$0xD2E4];
	v4 =	vmin.u32 v4, v43;
	vm0 =	vmand vm1, vm0;
	vm1 =	veq.f32 v12, v17  }
0xe0: {  	v52 =	vld [tilespmem:$0x1FF90];
	v4 =	vmin.u32 v4, v45;
	vm1 =	vmand vm2, vm1;
	vm0 =	vmand vm4, vm0  }
0xe1: {  	s23 =	sshll.u32 s5, $0x8;
	v4 =	vmin.u32 v4, v47;
	vm2 =	vnez.u8 v5;
	v5 =	vnsel vm0, $0x40000000, v54  }
0xe2: {  	s24 =	sor.u32 s15, s23;
	v4 =	vmin.u32 v4, v5;
	v5 =	vld [tilespmem:$0x1FFA0]  }
0xe3: {  	v56 =	vadd.s32 s24, v1;
	v55 =	vadd.s32 s22, v2;
	vm1 =	vmand vm2, vm1  }
0xe4: {  	vm0 =	veq.f32 v9, v17;
	v50 =	vnsel vm1, $0x40000000, v55;
	vm1 =	veq.s32 v46, $0x0  }
0xe5: {  	v51 =	vld [tilespmem:s16+$0xD3C4];
	vm4 =	vnez.u8 v52;
	vm2 =	veq.s32 v48, $0x0;
	vm0 =	vmand vm1, vm0  }
0xe6: {  	v49 =	vld [tilespmem:s16+$0xD3C0];
	vm1 =	veq.f32 v14, v17;
	v4 =	vmin.u32 v4, v50;
	vm0 =	vmand vm4, vm0  }
0xe7: {  	s25 =	sshll.u32 s8, $0x8;
	vm1 =	vmand vm2, vm1;
	vm2 =	vnez.u8 v5;
	v5 =	vnsel vm0, $0x40000000, v56;
	v56 =	vld [tilespmem:$0x1FFB0]  }
0xe8: {  	s26 =	sshll.u32 s17, $0x8;
	s0 =	sor.u32 s15, s25;
	v4 =	vmin.u32 v4, v5;
	v5 =	vld [tilespmem:$0x1FFC0]  }
0xe9: {  	v61 =	vadd.s32 s0, v1;
	v57 =	vadd.s32 s24, v2;
	v62 =	vadd.s32 s0, v2;
	s0 =	sor.u32 s15, s26;
	v58 =	vld [tilespmem:$0x1FFD0]  }
0xea: {  	v60 =	vadd.s32 s0, v2;
	v54 =	vld [tilespmem:s16+$0xD4A4];
	vm0 =	veq.f32 v10, v17;
	vm1 =	vmand vm2, vm1  }
0xeb: {  	v53 =	vld [tilespmem:s16+$0xD4A0];
	vm2 =	veq.s32 v51, $0x0;
	v55 =	vnsel vm1, $0x40000000, v57;
	vm1 =	veq.s32 v49, $0x0  }
0xec: {  	vm0 =	vmand vm1, vm0;
	vm1 =	veq.f32 v15, v17;
	v4 =	vmin.u32 v4, v55  }
0xed: {  	v59 =	vld [tilespmem:$0x1FFE0];
	vm1 =	vmand vm2, vm1;
	vm4 =	vnez.u8 v56;
	vm2 =	vnez.u8 v5  }
0xee: {  	vm0 =	vmand vm4, vm0;
	vm4 =	vnez.u8 v58;
	vm1 =	vmand vm2, vm1  }
0xef: {  	v5 =	vnsel vm0, $0x40000000, v61;
	vm0 =	veq.f32 v13, v17;
	vm2 =	veq.s32 v54, $0x0  }
0xf0: {  	v57 =	vnsel vm1, $0x40000000, v62;
	vm1 =	veq.s32 v53, $0x0;
	v4 =	vmin.u32 v4, v5  }
0xf1: {  	v5 =	vadd.s32 s0, v1;
	vm0 =	vmand vm1, vm0;
	vm1 =	veq.f32 v16, v17  }
0xf2: {  	vm0 =	vmand vm4, vm0;
	vm1 =	vmand vm2, vm1;
	vm2 =	vnez.u8 v59  }
0xf3: {  	v4 =	vmin.u32 v4, v57;
	vm1 =	vmand vm2, vm1;
	v5 =	vnsel vm0, $0x40000000, v5  }
0xf4: {  	v4 =	vmin.u32 v4, v5;
	v5 =	vnsel vm1, $0x40000000, v60  }
0xf5: {  	v4 =	vmin.u32 v4, v5  }
0xf6: {  	v4 =	vor.u32 $0x80000000, v4  }
0xf7: {  	(xrf0) =	vmin.scan.msk.u32 $0xffff, v4;
	_ =	sdelay $0x5  }
0xf8: {  	v4, _, _ =	vpop (xrf0)  }
0xf9: {  	(v2sf) =	vpush v4, $0xF;
	_ =	sdelay $0xe  }
0xfa: {  	s28 =	spop (v2sf)  }
0xfb: {  	v61 =	vld [tilespmem:$0x1FFF0];
	s29 =	sxor.u32 $0x80000000, s28  }
0xfc: {  	s2 =	sor.u32 $0x8, s14;
	p0 =	slt.s32 s29, $0x40000000;
	s1 =	sshra.s32 s29, $0x8  }
0xfd: {  	s2 =	smov.u32 @p0 s1  }
0xfe: {  	s1 =	smul.u32 $0xE0, s2  }
0xff: {  	vm0 =	vmmov vm13;
	s0 =	sand.u32 $0xFF, s28  }
0x100: {  	vm1 =	vnez.u8 v61;
	vm0 =	vmneg @p0 vm0;
	s1 =	sadd.s32 s0, s1  }
0x101: {  	vm0 =	vmand vm0, vm1;
	s1 =	simm.s32 @!p0 $0x0  }
0x102: {  	v4 =	vmov s1  }
0x103: {  	s30 =	sadd.s32 $0x100, s12;
	v5 =	vmov s12  }
0x104: {  	p1 =	sne.s32 s12, $0xC3;
	v62 =	vmov s30  }
.Ltmp2:
0x105: {  	_ = 	snop;
	(pc) =	sbr.rel @p1 .LBB2_5-.Ltmp2, $4  }
0x106: {  	s10 =	sadd.s32 $0x1, s10;
	s31 =	rddreg [dreg:$0x3];
	s3 =	sor.u32 $0x8, s13  }
0x107: {  	s3 =	smov.u32 @p0 s0;
	s0 =	simm.s32 $0x1;
	p0 =	seq.s32 s10, $0xE;
	[tilespmem:v4+s31+$0x0] =	vst.idx.msk vm0, v3;
	v4 =	vmov s2  }
0x108: {  	v63 =	vmov s3;
	s0 =	simm.s32 @!p0 $0x0;
	[tilespmem:v5+s9+$0x0] =	vst.idx.msk $0x1, v4  }
0x109: {  	vm3 =	vcmask $0x3F30;
	s12 =	sadd.s32 $0x1, s12;
	s10 =	simm.s32 @p0 $0x0;
	s11 =	sadd.s32 s0, s11;
	[tilespmem:v62+s9+$0x0] =	vst.idx.msk $0x1, v63  }
0x10a: {  	s0 =	rddreg [dreg:$0x5]  }
0x10b: {  	s1 =	simm.s32 $0x80;
	s2 =	simm.s32 $0x400;
	s3 =	simm.s32 $0x1  }
0x10c: {  	[hbm4b:s0+s1] =	stream.strided.scatter [tilespmem:s9], [sflag:$0x1], $0x200, s2, s1, $0x38;
	[tilespmem:$0x18A00] =	vst v63  }
0x10d: {  	_ =	swait.ge [sflag:s3], $0x200  }
0x10e: {  	s7 =	rddreg [dreg:$0x4]  }
0x10f: {  	s31 =	rddreg [dreg:$0x7];
	s7 =	sadd.s32 $0x1, s7  }
0x110: {  	p0 =	sne.s32 s7, s31  }
.Ltmp3:
0x111: {  	_ = 	snop;
	(pc) =	sbr.rel @p0 .LBB2_2-.Ltmp3, $3  }
0x112: {  	_ =	sdelay $0x1  }
0x113: {  	[sflag:s3] =	ssyncset.done $0x0  }
0x114: {  	[sflag:s3] =	ssyncadd.s32 $0xFFFFFE00  }
.LBB2_7:
0x115: {  	_ =	sfence.sel $0x180000  }
0x116: {  	[bflag:$0x0] =	sbarrier.arrive $0xFFFF  }
0x117: {  	_ =	strace $0x90000047  }
0x118: {  	s0 =	stileid.u32;
	[bflag:$0x2] =	sbarrier.arrive $0xFFFF  }
0x119: {  	p0 =	sne.s32 s0, $0x0;
	s0 =	rddreg [dreg:$0x2]  }
0x11a: {  	s0 =	sadd.s32 @!p0 $0x100000, s0  }
0x11b: {  	[sflag:s0] =	ssyncadd.tile.s32 @!p0 $0x1;
	_ =	shalt  }
.Lfunc_end2:
_tile_overlayer_lowered:
.L_overlay_start_2:
0x11c: {  	(tag) =	ssettag $0x2  }
0x11d: {  	s0 =	rddreg [dreg:$0x0];
	s2 =	stileid.u32  }
0x11e: {  	s1 =	rddreg [dreg:$0x1];
	p0 =	sne.s32 s2, $0x0  }
0x11f: {  	s3 =	rddreg [dreg:$0x2];
	[bflag:$0x3] =	sbarrier.arrive $0xFFFF;
	s2 =	simm.s32 @!p0 $0x1C01  }
0x120: {  	[timem:s3], [sflag:s2] =	dma.local @!p0 [hbm:s0], s1  }
0x121: {  	s0 =	simm.s32 @!p0 $0x1  }
0x122: {  	_ =	swait.ge @!p0 [sflag:s0], s1  }
0x123: {  	s1 =	ssub.s32 @!p0 $0x0, s1;
	[sflag:s0] =	ssyncset.done @!p0 $0x0  }
0x124: {  	[sflag:s0] =	ssyncadd.s32 @!p0 s1  }
0x125: {  	[bflag:$0x3] =	sbarrier.arrive $0xFFFF  }
0x126: {  	_ =	shalt  }

</sc_bundles>
